<compile_context>
chip_gen: v7x
topology: tpu7x:2x2x1
jax: 0.10.2.dev20260603
libtpu: 0.0.44.dev20260713+nightly
codegen_flags: <defaults>
</compile_context>

<pallas_src>
import functools

import jax
import jax.numpy as jnp
from jax import lax
from jax.experimental import pallas as pl
from jax.experimental.pallas import tpu as pltpu
from jax.experimental.pallas import tpu_sc as plsc

N_PARTICLES = 4194304
N_PIXELS = 8388608
C = 4
BLK = 16
N_BLOCKS = N_PARTICLES * C // BLK
GBLK = 8
N_GBLOCKS = N_PARTICLES * C // GBLK
TILE = 128
N_TTILES = N_PARTICLES // TILE
N_OTILES = N_PIXELS // TILE
TW = TILE * C

NUM_CORES = 2
NUM_SUBCORES = 16
NW = NUM_CORES * NUM_SUBCORES
L = 16

T_STEP = 32
R_STEPS = N_TTILES // (NW * T_STEP)
RM_ROWS = T_STEP * TILE // C

B_PER_W = N_PIXELS // NW
IDX_W = 512
K = 4
CHUNK = K * IDX_W
STEPS = B_PER_W // CHUNK
NBUF = 2


def _repack_kernel(tab_hbm, rm_hbm, in0, in1, rm0, rm1, isem0, isem1,
                   osem0, osem1):
    wid = lax.axis_index("s") * NUM_CORES + lax.axis_index("c")
    t_base = wid * (N_TTILES // NW)

    lanes = lax.iota(jnp.int32, L)
    perm = (lanes & 3) * TILE + lax.shift_right_logical(lanes, 2)

    ins = (in0, in1)
    rms = (rm0, rm1)
    isems = (isem0, isem1)
    osems = (osem0, osem1)

    def t0_of(s):
        return pl.multiple_of(t_base + s * T_STEP, T_STEP)

    def fire_in(s, b):
        pltpu.async_copy(
            tab_hbm.at[pl.ds(t0_of(s) * TW, T_STEP * TW)], ins[b], isems[b]
        )

    def drain_in(b):
        pltpu.make_async_copy(
            tab_hbm.at[pl.ds(0, T_STEP * TW)], ins[b], isems[b]
        ).wait()

    def fire_out(s, b):
        pltpu.async_copy(
            rms[b], rm_hbm.at[pl.ds(t0_of(s) * (TILE // C), RM_ROWS)], osems[b]
        )

    def drain_out(b):
        pltpu.make_async_copy(
            rms[b], rm_hbm.at[pl.ds(0, RM_ROWS)], osems[b]
        ).wait()

    def permute(b):
        in_v, rm_v = ins[b], rms[b]

        def tile_body(t, carry):
            for q in range(0, TW, L):
                src = perm + (t * TW + (q >> 2))
                g = plsc.load_gather(in_v, [src])
                rm_v[t * (TW // L) + (q // L), :] = g
            return carry

        lax.fori_loop(0, T_STEP, tile_body, 0)

    fire_in(0, 0)

    def loop_body(h, carry):
        s0 = h * 2
        fire_in(s0 + 1, 1)
        drain_in(0)

        @pl.when(h > 0)
        def _():
            drain_out(0)

        permute(0)
        fire_out(s0, 0)

        @pl.when(h < R_STEPS // 2 - 1)
        def _():
            fire_in(s0 + 2, 0)

        drain_in(1)

        @pl.when(h > 0)
        def _():
            drain_out(1)

        permute(1)
        fire_out(s0 + 1, 1)
        return carry

    lax.fori_loop(0, R_STEPS // 2, loop_body, 0)
    drain_out(0)
    drain_out(1)


def _gather_kernel(rm_hbm, idx_hbm, blk_hbm, out_hbm, *refs):
    idxs = refs[0:NBUF]
    blks = refs[NBUF:2 * NBUF]
    rows = refs[2 * NBUF:3 * NBUF]
    outs = refs[3 * NBUF:4 * NBUF]
    isems = refs[4 * NBUF:5 * NBUF]
    gsems = refs[5 * NBUF:6 * NBUF]
    osems = refs[6 * NBUF:7 * NBUF]

    wid = lax.axis_index("s") * NUM_CORES + lax.axis_index("c")
    base = wid * B_PER_W

    lanes = lax.iota(jnp.int32, L)

    def start_of(s):
        return pl.multiple_of(base + s * CHUNK, CHUNK)

    def fire_idxblk(s, b):
        st = start_of(s)
        pltpu.async_copy(idx_hbm.at[pl.ds(st, CHUNK)], idxs[b], isems[b])
        pltpu.async_copy(blk_hbm.at[pl.ds(st, CHUNK)], blks[b], isems[b])

    def fire_gathers(b):
        pltpu.make_async_copy(idx_hbm.at[pl.ds(0, CHUNK)], idxs[b],
                              isems[b]).wait()
        pltpu.make_async_copy(blk_hbm.at[pl.ds(0, CHUNK)], blks[b],
                              isems[b]).wait()
        for j in range(K):
            pltpu.async_copy(
                rm_hbm.at[blks[b].at[pl.ds(j * IDX_W, IDX_W)]],
                rows[b].at[pl.ds(j * IDX_W, IDX_W)],
                gsems[b],
            )

    def drain_gather(b):
        pltpu.make_async_copy(
            rm_hbm.at[pl.ds(0, CHUNK)], rows[b], gsems[b]
        ).wait()

    def select(b):
        idx_v, rows_v, out_v = idxs[b], rows[b], outs[b]

        def sel_body(k2, carry):
            for u in range(2):
                k = k2 * 2 + u
                off = pl.multiple_of(k * L, L)
                rr = lanes + off
                v = idx_v[pl.ds(off, L)]
                col0 = lax.shift_left(lax.bitwise_and(v, 1), 2)
                tt = k >> 3
                l0 = (k & 7) * L
                for c in range(C):
                    g = plsc.load_gather(rows_v, [rr, col0 + c])
                    out_v[pl.ds(tt * (TILE * C) + c * TILE + l0, L)] = g
            return carry

        lax.fori_loop(0, CHUNK // L // 2, sel_body, 0)

    def fire_out(s, b):
        pltpu.async_copy(
            outs[b], out_hbm.at[pl.ds(start_of(s) * C, CHUNK * C)], osems[b]
        )

    def drain_out(b):
        pltpu.make_async_copy(
            outs[b], out_hbm.at[pl.ds(0, CHUNK * C)], osems[b]
        ).wait()

    for s in range(NBUF - 1):
        fire_idxblk(s, s)
        fire_gathers(s)

    def loop_body(h, carry):
        for u in range(NBUF):
            s = h * NBUF + u
            b = u
            b_next = (u + NBUF - 1) % NBUF

            @pl.when(s + NBUF - 1 < STEPS)
            def _():
                fire_idxblk(s + NBUF - 1, b_next)
                fire_gathers(b_next)

            drain_gather(b)

            @pl.when(h > 0)
            def _():
                drain_out(b)

            select(b)
            fire_out(s, b)
        return carry

    lax.fori_loop(0, STEPS // NBUF, loop_body, 0)
    for b in range(NBUF):
        drain_out(b)


def kernel(input_features, pixel_to_particle):
    idx = pixel_to_particle.astype(jnp.int32)
    blk = lax.shift_right_logical(idx, 1)
    tab_native = (
        input_features.reshape(N_TTILES, TILE, C)
        .transpose(0, 2, 1)
        .reshape(N_PARTICLES * C)
    )
    mesh = plsc.VectorSubcoreMesh(core_axis_name="c", subcore_axis_name="s")
    params = pltpu.CompilerParams(
        use_tc_tiling_on_sc=False, needs_layout_passes=False
    )

    repack = functools.partial(
        pl.kernel,
        mesh=mesh,
        compiler_params=params,
        out_type=jax.ShapeDtypeStruct((N_BLOCKS, BLK), jnp.float32),
        scratch_types=[
            pltpu.VMEM((T_STEP * TW,), jnp.float32),
            pltpu.VMEM((T_STEP * TW,), jnp.float32),
            pltpu.VMEM((RM_ROWS, BLK), jnp.float32),
            pltpu.VMEM((RM_ROWS, BLK), jnp.float32),
            pltpu.SemaphoreType.DMA,
            pltpu.SemaphoreType.DMA,
            pltpu.SemaphoreType.DMA,
            pltpu.SemaphoreType.DMA,
        ],
    )(_repack_kernel)
    rm = repack(tab_native)

    gather = functools.partial(
        pl.kernel,
        mesh=mesh,
        compiler_params=params,
        out_type=jax.ShapeDtypeStruct((N_PIXELS * C,), jnp.float32),
        scratch_types=(
            [pltpu.VMEM((CHUNK,), jnp.int32)] * NBUF
            + [pltpu.VMEM((CHUNK,), jnp.int32)] * NBUF
            + [pltpu.VMEM((CHUNK, GBLK), jnp.float32)] * NBUF
            + [pltpu.VMEM((CHUNK * C,), jnp.float32)] * NBUF
            + [pltpu.SemaphoreType.DMA] * (3 * NBUF)
        ),
    )(_gather_kernel)
    out_native = gather(rm.reshape(N_GBLOCKS, GBLK), idx, blk)

    return (
        out_native.reshape(N_OTILES, C, TILE)
        .transpose(0, 2, 1)
        .reshape(N_PIXELS, C)
    )

# --- scband reference (transcript-rebuilt; emitter-appended) ---
"""Pipeline reference for scband-reconstruct-36653250904488 (READ-ONLY COPY).

The authoritative reference and input builder live on the scoring server;
editing this copy changes nothing except your own understanding.
"""

import jax, jax.numpy as jnp
import numpy as np

N_PARTICLES = 4194304
N_PIXELS = 8388608
C = 4


def setup_inputs(seed: int = 0) -> dict:
    key = jax.random.key(seed)
    k1, k2 = jax.random.split(key)
    input_features = jax.random.normal(k1, (N_PARTICLES, C), dtype=jnp.float32)
    pixel_to_particle = jax.random.randint(k2, (N_PIXELS,), 0, N_PARTICLES, dtype=jnp.int64)
    return {"input_features": input_features, "pixel_to_particle": pixel_to_particle}


def reference(input_features, pixel_to_particle):
    # APR Reconstruct: each output voxel is filled with the feature vector of the
    # particle that covers it (piecewise-constant reconstruction). This is a pure
    # gather from the particle feature table into the dense pixel grid, which is
    # exactly what reconstruct_forward(APRPtrVector(aprs), inputs, level_deltas)
    # computes (level_deltas = 0 -> native-resolution reconstruction).
    output = jnp.take(input_features, pixel_to_particle, axis=0)
    return output

if __name__ == "__main__":
    import jax
    _d = setup_inputs()
    print(jax.jit(kernel)(*tuple(_d.values())))

</pallas_src>

<mosaic_0001>
#map = affine_map<(d0, d1) -> (0, 0)>
#map1 = affine_map<(d0, d1) -> (0)>
module attributes {stable_mosaic.version = 14 : i64} {
  func.func @_gather_kernel(%arg0: i32, %arg1: i32, %arg2: memref<2097152x8xf32, #tpu.memory_space<hbm>>, %arg3: memref<8388608xi32, #tpu.memory_space<hbm>>, %arg4: memref<8388608xi32, #tpu.memory_space<hbm>>, %arg5: memref<33554432xf32, #tpu.memory_space<hbm>>, %arg6: memref<2048xi32, #tpu.memory_space<vmem>>, %arg7: memref<2048xi32, #tpu.memory_space<vmem>>, %arg8: memref<2048xi32, #tpu.memory_space<vmem>>, %arg9: memref<2048xi32, #tpu.memory_space<vmem>>, %arg10: memref<2048x8xf32, #tpu.memory_space<vmem>>, %arg11: memref<2048x8xf32, #tpu.memory_space<vmem>>, %arg12: memref<8192xf32, #tpu.memory_space<vmem>>, %arg13: memref<8192xf32, #tpu.memory_space<vmem>>, %arg14: memref<!tpu.dma_semaphore, #tpu.memory_space<semaphore_mem>>, %arg15: memref<!tpu.dma_semaphore, #tpu.memory_space<semaphore_mem>>, %arg16: memref<!tpu.dma_semaphore, #tpu.memory_space<semaphore_mem>>, %arg17: memref<!tpu.dma_semaphore, #tpu.memory_space<semaphore_mem>>, %arg18: memref<!tpu.dma_semaphore, #tpu.memory_space<semaphore_mem>>, %arg19: memref<!tpu.dma_semaphore, #tpu.memory_space<semaphore_mem>>) attributes {dimension_semantics = [#tpu.dimension_semantics<core_parallel>, #tpu.dimension_semantics<subcore_parallel>], iteration_bounds = array<i64: 2, 16>, scalar_prefetch = 0 : i64, scratch_operands = 14 : i64, tpu.core_type = #tpu.core_type<sc_vector_subcore>, window_params = [{transform_indices = #map}, {transform_indices = #map1}, {transform_indices = #map1}, {transform_indices = #map1}]} {
    %mul3A = arith.constant 2 : i32
    %mul3A_0 = arith.muli %arg1, %mul3A : i32
    %add3A = arith.addi %mul3A_0, %arg0 : i32
    %mul3A_1 = arith.constant 262144 : i32
    %mul3A_2 = arith.muli %add3A, %mul3A_1 : i32
    %iota3A = tpu.iota {dimensions = array<i32: 0>} : vector<16xi32>
    %add3A_3 = arith.constant 0 : i32
    %add3A_4 = arith.addi %mul3A_2, %add3A_3 : i32
    %multiple_of3A = tpu.assume_multiple %add3A_4, 2048 : i32
    %dma_start3A = tpu.memref_slice %arg3[%multiple_of3A] : memref<8388608xi32, #tpu.memory_space<hbm>> -> memref<2048xi32, #tpu.memory_space<hbm>>
    %dma_start3A_5 = tpu.memref_slice %arg3[%multiple_of3A] : memref<8388608xi32, #tpu.memory_space<hbm>> -> memref<2048xi32, #tpu.memory_space<hbm>>
    tpu.enqueue_dma source(%dma_start3A_5 : memref<2048xi32, #tpu.memory_space<hbm>>) target(%arg6 : memref<2048xi32, #tpu.memory_space<vmem>>) target_semaphore(%arg14 : memref<!tpu.dma_semaphore, #tpu.memory_space<semaphore_mem>>)
    %dma_start3A_6 = tpu.memref_slice %arg4[%multiple_of3A] : memref<8388608xi32, #tpu.memory_space<hbm>> -> memref<2048xi32, #tpu.memory_space<hbm>>
    %dma_start3A_7 = tpu.memref_slice %arg4[%multiple_of3A] : memref<8388608xi32, #tpu.memory_space<hbm>> -> memref<2048xi32, #tpu.memory_space<hbm>>
    tpu.enqueue_dma source(%dma_start3A_7 : memref<2048xi32, #tpu.memory_space<hbm>>) target(%arg8 : memref<2048xi32, #tpu.memory_space<vmem>>) target_semaphore(%arg14 : memref<!tpu.dma_semaphore, #tpu.memory_space<semaphore_mem>>)
    %dma_wait3A = arith.constant 0 : i32
    %dma_wait3A_8 = tpu.memref_slice %arg3[%dma_wait3A] : memref<8388608xi32, #tpu.memory_space<hbm>> -> memref<2048xi32, #tpu.memory_space<hbm>>
    %dma_wait3A_9 = arith.constant 0 : i32
    %dma_wait3A_10 = tpu.memref_slice %arg3[%dma_wait3A_9] : memref<8388608xi32, #tpu.memory_space<hbm>> -> memref<2048xi32, #tpu.memory_space<hbm>>
    tpu.wait_dma2 semaphore(%arg14 : memref<!tpu.dma_semaphore, #tpu.memory_space<semaphore_mem>>) src(%dma_wait3A_10 : memref<2048xi32, #tpu.memory_space<hbm>>) dst(%arg6 : memref<2048xi32, #tpu.memory_space<vmem>>)
    %dma_wait3A_11 = arith.constant 0 : i32
    %dma_wait3A_12 = tpu.memref_slice %arg4[%dma_wait3A_11] : memref<8388608xi32, #tpu.memory_space<hbm>> -> memref<2048xi32, #tpu.memory_space<hbm>>
    %dma_wait3A_13 = arith.constant 0 : i32
    %dma_wait3A_14 = tpu.memref_slice %arg4[%dma_wait3A_13] : memref<8388608xi32, #tpu.memory_space<hbm>> -> memref<2048xi32, #tpu.memory_space<hbm>>
    tpu.wait_dma2 semaphore(%arg14 : memref<!tpu.dma_semaphore, #tpu.memory_space<semaphore_mem>>) src(%dma_wait3A_14 : memref<2048xi32, #tpu.memory_space<hbm>>) dst(%arg8 : memref<2048xi32, #tpu.memory_space<vmem>>)
    %dma_start3A_15 = arith.constant 0 : i32
    %dma_start3A_16 = arith.constant 0 : i32
    %dma_start3A_17 = tpu.memref_slice %arg10[%dma_start3A_15, %dma_start3A_16] : memref<2048x8xf32, #tpu.memory_space<vmem>> -> memref<512x8xf32, #tpu.memory_space<vmem>>
    %dma_start3A_18 = arith.constant 0 : i32
    %dma_start3A_19 = tpu.memref_slice %arg8[%dma_start3A_18] : memref<2048xi32, #tpu.memory_space<vmem>> -> memref<512xi32, #tpu.memory_space<vmem>>
    %dma_start3A_20 = arith.constant 0 : i32
    %dma_start3A_21 = arith.constant 0 : i32
    %dma_start3A_22 = tpu.memref_slice %arg2[%dma_start3A_20, %dma_start3A_21] : memref<2097152x8xf32, #tpu.memory_space<hbm>> -> memref<2097152x8xf32, #tpu.memory_space<hbm>>
    tpu.enqueue_indirect_dma source(%dma_start3A_22 : memref<2097152x8xf32, #tpu.memory_space<hbm>>) target(%dma_start3A_17 : memref<512x8xf32, #tpu.memory_space<vmem>>) offsets(%dma_start3A_19 : memref<512xi32, #tpu.memory_space<vmem>>) semaphore(%arg16 : memref<!tpu.dma_semaphore, #tpu.memory_space<semaphore_mem>>)
    %dma_start3A_23 = arith.constant 512 : i32
    %dma_start3A_24 = arith.constant 0 : i32
    %dma_start3A_25 = tpu.memref_slice %arg10[%dma_start3A_23, %dma_start3A_24] : memref<2048x8xf32, #tpu.memory_space<vmem>> -> memref<512x8xf32, #tpu.memory_space<vmem>>
    %dma_start3A_26 = arith.constant 512 : i32
    %dma_start3A_27 = tpu.memref_slice %arg8[%dma_start3A_26] : memref<2048xi32, #tpu.memory_space<vmem>> -> memref<512xi32, #tpu.memory_space<vmem>>
    %dma_start3A_28 = arith.constant 0 : i32
    %dma_start3A_29 = arith.constant 0 : i32
    %dma_start3A_30 = tpu.memref_slice %arg2[%dma_start3A_28, %dma_start3A_29] : memref<2097152x8xf32, #tpu.memory_space<hbm>> -> memref<2097152x8xf32, #tpu.memory_space<hbm>>
    tpu.enqueue_indirect_dma source(%dma_start3A_30 : memref<2097152x8xf32, #tpu.memory_space<hbm>>) target(%dma_start3A_25 : memref<512x8xf32, #tpu.memory_space<vmem>>) offsets(%dma_start3A_27 : memref<512xi32, #tpu.memory_space<vmem>>) semaphore(%arg16 : memref<!tpu.dma_semaphore, #tpu.memory_space<semaphore_mem>>)
    %dma_start3A_31 = arith.constant 1024 : i32
    %dma_start3A_32 = arith.constant 0 : i32
    %dma_start3A_33 = tpu.memref_slice %arg10[%dma_start3A_31, %dma_start3A_32] : memref<2048x8xf32, #tpu.memory_space<vmem>> -> memref<512x8xf32, #tpu.memory_space<vmem>>
    %dma_start3A_34 = arith.constant 1024 : i32
    %dma_start3A_35 = tpu.memref_slice %arg8[%dma_start3A_34] : memref<2048xi32, #tpu.memory_space<vmem>> -> memref<512xi32, #tpu.memory_space<vmem>>
    %dma_start3A_36 = arith.constant 0 : i32
    %dma_start3A_37 = arith.constant 0 : i32
    %dma_start3A_38 = tpu.memref_slice %arg2[%dma_start3A_36, %dma_start3A_37] : memref<2097152x8xf32, #tpu.memory_space<hbm>> -> memref<2097152x8xf32, #tpu.memory_space<hbm>>
    tpu.enqueue_indirect_dma source(%dma_start3A_38 : memref<2097152x8xf32, #tpu.memory_space<hbm>>) target(%dma_start3A_33 : memref<512x8xf32, #tpu.memory_space<vmem>>) offsets(%dma_start3A_35 : memref<512xi32, #tpu.memory_space<vmem>>) semaphore(%arg16 : memref<!tpu.dma_semaphore, #tpu.memory_space<semaphore_mem>>)
    %dma_start3A_39 = arith.constant 1536 : i32
    %dma_start3A_40 = arith.constant 0 : i32
    %dma_start3A_41 = tpu.memref_slice %arg10[%dma_start3A_39, %dma_start3A_40] : memref<2048x8xf32, #tpu.memory_space<vmem>> -> memref<512x8xf32, #tpu.memory_space<vmem>>
    %dma_start3A_42 = arith.constant 1536 : i32
    %dma_start3A_43 = tpu.memref_slice %arg8[%dma_start3A_42] : memref<2048xi32, #tpu.memory_space<vmem>> -> memref<512xi32, #tpu.memory_space<vmem>>
    %dma_start3A_44 = arith.constant 0 : i32
    %dma_start3A_45 = arith.constant 0 : i32
    %dma_start3A_46 = tpu.memref_slice %arg2[%dma_start3A_44, %dma_start3A_45] : memref<2097152x8xf32, #tpu.memory_space<hbm>> -> memref<2097152x8xf32, #tpu.memory_space<hbm>>
    tpu.enqueue_indirect_dma source(%dma_start3A_46 : memref<2097152x8xf32, #tpu.memory_space<hbm>>) target(%dma_start3A_41 : memref<512x8xf32, #tpu.memory_space<vmem>>) offsets(%dma_start3A_43 : memref<512xi32, #tpu.memory_space<vmem>>) semaphore(%arg16 : memref<!tpu.dma_semaphore, #tpu.memory_space<semaphore_mem>>)
    %scan3A = arith.constant 0 : i32
    %scan3A_47 = arith.constant 0 : i32
    %scan3A_48 = arith.constant 64 : i32
    %scan3A_49 = arith.addi %scan3A_47, %scan3A_48 : i32
    %scan3A_50 = arith.constant 1 : i32
    scf.for %scan3A_60 = %scan3A_47 to %scan3A_49 step %scan3A_50  : i32 {
      %mul3A_61 = arith.constant 2 : i32
      %mul3A_62 = arith.muli %scan3A_60, %mul3A_61 : i32
      %add3A_63 = arith.constant 0 : i32
      %add3A_64 = arith.addi %mul3A_62, %add3A_63 : i32
      %add3A_65 = arith.constant 2 : i32
      %add3A_66 = arith.addi %add3A_64, %add3A_65 : i32
      %sub3A = arith.constant 1 : i32
      %sub3A_67 = arith.subi %add3A_66, %sub3A : i32
      %lt3A = arith.constant 128 : i32
      %lt3A_68 = arith.cmpi slt, %sub3A_67, %lt3A : i32
      %convert_element_type3A = arith.extui %lt3A_68 : i1 to i32
      %cond3A = arith.constant 0 : i32
      %cond3A_69 = arith.cmpi ne, %convert_element_type3A, %cond3A : i32
      scf.if %cond3A_69 {
        %add3A_132 = arith.constant 2 : i32
        %add3A_133 = arith.addi %add3A_64, %add3A_132 : i32
        %sub3A_134 = arith.constant 1 : i32
        %sub3A_135 = arith.subi %add3A_133, %sub3A_134 : i32
        %mul3A_136 = arith.constant 2048 : i32
        %mul3A_137 = arith.muli %sub3A_135, %mul3A_136 : i32
        %add3A_138 = arith.addi %mul3A_2, %mul3A_137 : i32
        %multiple_of3A_139 = tpu.assume_multiple %add3A_138, 2048 : i32
        %dma_start3A_140 = tpu.memref_slice %arg3[%multiple_of3A_139] : memref<8388608xi32, #tpu.memory_space<hbm>> -> memref<2048xi32, #tpu.memory_space<hbm>>
        %dma_start3A_141 = tpu.memref_slice %arg3[%multiple_of3A_139] : memref<8388608xi32, #tpu.memory_space<hbm>> -> memref<2048xi32, #tpu.memory_space<hbm>>
        tpu.enqueue_dma source(%dma_start3A_141 : memref<2048xi32, #tpu.memory_space<hbm>>) target(%arg7 : memref<2048xi32, #tpu.memory_space<vmem>>) target_semaphore(%arg15 : memref<!tpu.dma_semaphore, #tpu.memory_space<semaphore_mem>>)
        %dma_start3A_142 = tpu.memref_slice %arg4[%multiple_of3A_139] : memref<8388608xi32, #tpu.memory_space<hbm>> -> memref<2048xi32, #tpu.memory_space<hbm>>
        %dma_start3A_143 = tpu.memref_slice %arg4[%multiple_of3A_139] : memref<8388608xi32, #tpu.memory_space<hbm>> -> memref<2048xi32, #tpu.memory_space<hbm>>
        tpu.enqueue_dma source(%dma_start3A_143 : memref<2048xi32, #tpu.memory_space<hbm>>) target(%arg9 : memref<2048xi32, #tpu.memory_space<vmem>>) target_semaphore(%arg15 : memref<!tpu.dma_semaphore, #tpu.memory_space<semaphore_mem>>)
        %dma_wait3A_144 = arith.constant 0 : i32
        %dma_wait3A_145 = tpu.memref_slice %arg3[%dma_wait3A_144] : memref<8388608xi32, #tpu.memory_space<hbm>> -> memref<2048xi32, #tpu.memory_space<hbm>>
        %dma_wait3A_146 = arith.constant 0 : i32
        %dma_wait3A_147 = tpu.memref_slice %arg3[%dma_wait3A_146] : memref<8388608xi32, #tpu.memory_space<hbm>> -> memref<2048xi32, #tpu.memory_space<hbm>>
        tpu.wait_dma2 semaphore(%arg15 : memref<!tpu.dma_semaphore, #tpu.memory_space<semaphore_mem>>) src(%dma_wait3A_147 : memref<2048xi32, #tpu.memory_space<hbm>>) dst(%arg7 : memref<2048xi32, #tpu.memory_space<vmem>>)
        %dma_wait3A_148 = arith.constant 0 : i32
        %dma_wait3A_149 = tpu.memref_slice %arg4[%dma_wait3A_148] : memref<8388608xi32, #tpu.memory_space<hbm>> -> memref<2048xi32, #tpu.memory_space<hbm>>
        %dma_wait3A_150 = arith.constant 0 : i32
        %dma_wait3A_151 = tpu.memref_slice %arg4[%dma_wait3A_150] : memref<8388608xi32, #tpu.memory_space<hbm>> -> memref<2048xi32, #tpu.memory_space<hbm>>
        tpu.wait_dma2 semaphore(%arg15 : memref<!tpu.dma_semaphore, #tpu.memory_space<semaphore_mem>>) src(%dma_wait3A_151 : memref<2048xi32, #tpu.memory_space<hbm>>) dst(%arg9 : memref<2048xi32, #tpu.memory_space<vmem>>)
        %dma_start3A_152 = arith.constant 0 : i32
        %dma_start3A_153 = arith.constant 0 : i32
        %dma_start3A_154 = tpu.memref_slice %arg11[%dma_start3A_152, %dma_start3A_153] : memref<2048x8xf32, #tpu.memory_space<vmem>> -> memref<512x8xf32, #tpu.memory_space<vmem>>
        %dma_start3A_155 = arith.constant 0 : i32
        %dma_start3A_156 = tpu.memref_slice %arg9[%dma_start3A_155] : memref<2048xi32, #tpu.memory_space<vmem>> -> memref<512xi32, #tpu.memory_space<vmem>>
        %dma_start3A_157 = arith.constant 0 : i32
        %dma_start3A_158 = arith.constant 0 : i32
        %dma_start3A_159 = tpu.memref_slice %arg2[%dma_start3A_157, %dma_start3A_158] : memref<2097152x8xf32, #tpu.memory_space<hbm>> -> memref<2097152x8xf32, #tpu.memory_space<hbm>>
        tpu.enqueue_indirect_dma source(%dma_start3A_159 : memref<2097152x8xf32, #tpu.memory_space<hbm>>) target(%dma_start3A_154 : memref<512x8xf32, #tpu.memory_space<vmem>>) offsets(%dma_start3A_156 : memref<512xi32, #tpu.memory_space<vmem>>) semaphore(%arg17 : memref<!tpu.dma_semaphore, #tpu.memory_space<semaphore_mem>>)
        %dma_start3A_160 = arith.constant 512 : i32
        %dma_start3A_161 = arith.constant 0 : i32
        %dma_start3A_162 = tpu.memref_slice %arg11[%dma_start3A_160, %dma_start3A_161] : memref<2048x8xf32, #tpu.memory_space<vmem>> -> memref<512x8xf32, #tpu.memory_space<vmem>>
        %dma_start3A_163 = arith.constant 512 : i32
        %dma_start3A_164 = tpu.memref_slice %arg9[%dma_start3A_163] : memref<2048xi32, #tpu.memory_space<vmem>> -> memref<512xi32, #tpu.memory_space<vmem>>
        %dma_start3A_165 = arith.constant 0 : i32
        %dma_start3A_166 = arith.constant 0 : i32
        %dma_start3A_167 = tpu.memref_slice %arg2[%dma_start3A_165, %dma_start3A_166] : memref<2097152x8xf32, #tpu.memory_space<hbm>> -> memref<2097152x8xf32, #tpu.memory_space<hbm>>
        tpu.enqueue_indirect_dma source(%dma_start3A_167 : memref<2097152x8xf32, #tpu.memory_space<hbm>>) target(%dma_start3A_162 : memref<512x8xf32, #tpu.memory_space<vmem>>) offsets(%dma_start3A_164 : memref<512xi32, #tpu.memory_space<vmem>>) semaphore(%arg17 : memref<!tpu.dma_semaphore, #tpu.memory_space<semaphore_mem>>)
        %dma_start3A_168 = arith.constant 1024 : i32
        %dma_start3A_169 = arith.constant 0 : i32
        %dma_start3A_170 = tpu.memref_slice %arg11[%dma_start3A_168, %dma_start3A_169] : memref<2048x8xf32, #tpu.memory_space<vmem>> -> memref<512x8xf32, #tpu.memory_space<vmem>>
        %dma_start3A_171 = arith.constant 1024 : i32
        %dma_start3A_172 = tpu.memref_slice %arg9[%dma_start3A_171] : memref<2048xi32, #tpu.memory_space<vmem>> -> memref<512xi32, #tpu.memory_space<vmem>>
        %dma_start3A_173 = arith.constant 0 : i32
        %dma_start3A_174 = arith.constant 0 : i32
        %dma_start3A_175 = tpu.memref_slice %arg2[%dma_start3A_173, %dma_start3A_174] : memref<2097152x8xf32, #tpu.memory_space<hbm>> -> memref<2097152x8xf32, #tpu.memory_space<hbm>>
        tpu.enqueue_indirect_dma source(%dma_start3A_175 : memref<2097152x8xf32, #tpu.memory_space<hbm>>) target(%dma_start3A_170 : memref<512x8xf32, #tpu.memory_space<vmem>>) offsets(%dma_start3A_172 : memref<512xi32, #tpu.memory_space<vmem>>) semaphore(%arg17 : memref<!tpu.dma_semaphore, #tpu.memory_space<semaphore_mem>>)
        %dma_start3A_176 = arith.constant 1536 : i32
        %dma_start3A_177 = arith.constant 0 : i32
        %dma_start3A_178 = tpu.memref_slice %arg11[%dma_start3A_176, %dma_start3A_177] : memref<2048x8xf32, #tpu.memory_space<vmem>> -> memref<512x8xf32, #tpu.memory_space<vmem>>
        %dma_start3A_179 = arith.constant 1536 : i32
        %dma_start3A_180 = tpu.memref_slice %arg9[%dma_start3A_179] : memref<2048xi32, #tpu.memory_space<vmem>> -> memref<512xi32, #tpu.memory_space<vmem>>
        %dma_start3A_181 = arith.constant 0 : i32
        %dma_start3A_182 = arith.constant 0 : i32
        %dma_start3A_183 = tpu.memref_slice %arg2[%dma_start3A_181, %dma_start3A_182] : memref<2097152x8xf32, #tpu.memory_space<hbm>> -> memref<2097152x8xf32, #tpu.memory_space<hbm>>
        tpu.enqueue_indirect_dma source(%dma_start3A_183 : memref<2097152x8xf32, #tpu.memory_space<hbm>>) target(%dma_start3A_178 : memref<512x8xf32, #tpu.memory_space<vmem>>) offsets(%dma_start3A_180 : memref<512xi32, #tpu.memory_space<vmem>>) semaphore(%arg17 : memref<!tpu.dma_semaphore, #tpu.memory_space<semaphore_mem>>)
      } else {
      }
      %dma_wait3A_70 = arith.constant 0 : i32
      %dma_wait3A_71 = arith.constant 0 : i32
      %dma_wait3A_72 = tpu.memref_slice %arg2[%dma_wait3A_70, %dma_wait3A_71] : memref<2097152x8xf32, #tpu.memory_space<hbm>> -> memref<2048x8xf32, #tpu.memory_space<hbm>>
      %dma_wait3A_73 = arith.constant 0 : i32
      %dma_wait3A_74 = arith.constant 0 : i32
      %dma_wait3A_75 = tpu.memref_slice %arg2[%dma_wait3A_73, %dma_wait3A_74] : memref<2097152x8xf32, #tpu.memory_space<hbm>> -> memref<2048x8xf32, #tpu.memory_space<hbm>>
      tpu.wait_dma2 semaphore(%arg16 : memref<!tpu.dma_semaphore, #tpu.memory_space<semaphore_mem>>) src(%dma_wait3A_75 : memref<2048x8xf32, #tpu.memory_space<hbm>>) dst(%arg10 : memref<2048x8xf32, #tpu.memory_space<vmem>>)
      %gt3A = arith.constant 0 : i32
      %gt3A_76 = arith.cmpi sgt, %scan3A_60, %gt3A : i32
      %convert_element_type3A_77 = arith.extui %gt3A_76 : i1 to i32
      %cond3A_78 = arith.constant 0 : i32
      %cond3A_79 = arith.cmpi ne, %convert_element_type3A_77, %cond3A_78 : i32
      scf.if %cond3A_79 {
        %dma_wait3A_132 = arith.constant 0 : i32
        %dma_wait3A_133 = tpu.memref_slice %arg5[%dma_wait3A_132] : memref<33554432xf32, #tpu.memory_space<hbm>> -> memref<8192xf32, #tpu.memory_space<hbm>>
        %dma_wait3A_134 = arith.constant 0 : i32
        %dma_wait3A_135 = tpu.memref_slice %arg5[%dma_wait3A_134] : memref<33554432xf32, #tpu.memory_space<hbm>> -> memref<8192xf32, #tpu.memory_space<hbm>>
        tpu.wait_dma2 semaphore(%arg18 : memref<!tpu.dma_semaphore, #tpu.memory_space<semaphore_mem>>) src(%arg12 : memref<8192xf32, #tpu.memory_space<vmem>>) dst(%dma_wait3A_135 : memref<8192xf32, #tpu.memory_space<hbm>>)
      } else {
      }
      %scan3A_80 = arith.constant 0 : i32
      %scan3A_81 = arith.constant 0 : i32
      %scan3A_82 = arith.constant 64 : i32
      %scan3A_83 = arith.addi %scan3A_81, %scan3A_82 : i32
      %scan3A_84 = arith.constant 1 : i32
      scf.for %scan3A_132 = %scan3A_81 to %scan3A_83 step %scan3A_84  : i32 {
        %mul3A_133 = arith.constant 2 : i32
        %mul3A_134 = arith.muli %scan3A_132, %mul3A_133 : i32
        %add3A_135 = arith.constant 0 : i32
        %add3A_136 = arith.addi %mul3A_134, %add3A_135 : i32
        %mul3A_137 = arith.constant 16 : i32
        %mul3A_138 = arith.muli %add3A_136, %mul3A_137 : i32
        %multiple_of3A_139 = tpu.assume_multiple %mul3A_138, 16 : i32
        %add3A_140 = vector.broadcast %multiple_of3A_139 : i32 to vector<16xi32>
        %add3A_141 = arith.addi %iota3A, %add3A_140 : vector<16xi32>
        %get3A = arith.index_cast %multiple_of3A_139 : i32 to index
        %get3A_142 = tpu.vector_load %arg6[%get3A] {strides = array<i32>} : memref<2048xi32, #tpu.memory_space<vmem>>, vector<16xi32>,
        %and3A = arith.constant 1 : i32
        %and3A_143 = vector.broadcast %and3A : i32 to vector<16xi32>
        %and3A_144 = arith.andi %get3A_142, %and3A_143 : vector<16xi32>
        %shift_left3A = arith.constant 2 : i32
        %shift_left3A_145 = vector.broadcast %shift_left3A : i32 to vector<16xi32>
        %shift_left3A_146 = arith.shli %and3A_144, %shift_left3A_145 : vector<16xi32>
        %shift_right_arithmetic3A = arith.constant 3 : i32
        %shift_right_arithmetic3A_147 = arith.shrsi %add3A_136, %shift_right_arithmetic3A : i32
        %and3A_148 = arith.constant 7 : i32
        %and3A_149 = arith.andi %add3A_136, %and3A_148 : i32
        %mul3A_150 = arith.constant 16 : i32
        %mul3A_151 = arith.muli %and3A_149, %mul3A_150 : i32
        %add3A_152 = arith.constant 0 : i32
        %add3A_153 = vector.broadcast %add3A_152 : i32 to vector<16xi32>
        %add3A_154 = arith.addi %shift_left3A_146, %add3A_153 : vector<16xi32>
        %gather3A = tpu.vector_load_idx %arg10[%add3A_141, %add3A_154] : memref<2048x8xf32, #tpu.memory_space<vmem>>[vector<16xi32>, vector<16xi32>], vector<16xf32>,
        %mul3A_155 = arith.constant 512 : i32
        %mul3A_156 = arith.muli %shift_right_arithmetic3A_147, %mul3A_155 : i32
        %add3A_157 = arith.constant 0 : i32
        %add3A_158 = arith.addi %mul3A_156, %add3A_157 : i32
        %add3A_159 = arith.addi %add3A_158, %mul3A_151 : i32
        %swap3A = arith.index_cast %add3A_159 : i32 to index
        %swap3A_160 = tpu.vector_load %arg12[%swap3A] {strides = array<i32>} : memref<8192xf32, #tpu.memory_space<vmem>>, vector<16xf32>,
        tpu.vector_store %arg12[%swap3A], %gather3A {strides = array<i32>} : memref<8192xf32, #tpu.memory_space<vmem>>, vector<16xf32>,
        %add3A_161 = arith.constant 1 : i32
        %add3A_162 = vector.broadcast %add3A_161 : i32 to vector<16xi32>
        %add3A_163 = arith.addi %shift_left3A_146, %add3A_162 : vector<16xi32>
        %gather3A_164 = tpu.vector_load_idx %arg10[%add3A_141, %add3A_163] : memref<2048x8xf32, #tpu.memory_space<vmem>>[vector<16xi32>, vector<16xi32>], vector<16xf32>,
        %mul3A_165 = arith.constant 512 : i32
        %mul3A_166 = arith.muli %shift_right_arithmetic3A_147, %mul3A_165 : i32
        %add3A_167 = arith.constant 128 : i32
        %add3A_168 = arith.addi %mul3A_166, %add3A_167 : i32
        %add3A_169 = arith.addi %add3A_168, %mul3A_151 : i32
        %swap3A_170 = arith.index_cast %add3A_169 : i32 to index
        %swap3A_171 = tpu.vector_load %arg12[%swap3A_170] {strides = array<i32>} : memref<8192xf32, #tpu.memory_space<vmem>>, vector<16xf32>,
        tpu.vector_store %arg12[%swap3A_170], %gather3A_164 {strides = array<i32>} : memref<8192xf32, #tpu.memory_space<vmem>>, vector<16xf32>,
        %add3A_172 = arith.constant 2 : i32
        %add3A_173 = vector.broadcast %add3A_172 : i32 to vector<16xi32>
        %add3A_174 = arith.addi %shift_left3A_146, %add3A_173 : vector<16xi32>
        %gather3A_175 = tpu.vector_load_idx %arg10[%add3A_141, %add3A_174] : memref<2048x8xf32, #tpu.memory_space<vmem>>[vector<16xi32>, vector<16xi32>], vector<16xf32>,
        %mul3A_176 = arith.constant 512 : i32
        %mul3A_177 = arith.muli %shift_right_arithmetic3A_147, %mul3A_176 : i32
        %add3A_178 = arith.constant 256 : i32
        %add3A_179 = arith.addi %mul3A_177, %add3A_178 : i32
        %add3A_180 = arith.addi %add3A_179, %mul3A_151 : i32
        %swap3A_181 = arith.index_cast %add3A_180 : i32 to index
        %swap3A_182 = tpu.vector_load %arg12[%swap3A_181] {strides = array<i32>} : memref<8192xf32, #tpu.memory_space<vmem>>, vector<16xf32>,
        tpu.vector_store %arg12[%swap3A_181], %gather3A_175 {strides = array<i32>} : memref<8192xf32, #tpu.memory_space<vmem>>, vector<16xf32>,
        %add3A_183 = arith.constant 3 : i32
        %add3A_184 = vector.broadcast %add3A_183 : i32 to vector<16xi32>
        %add3A_185 = arith.addi %shift_left3A_146, %add3A_184 : vector<16xi32>
        %gather3A_186 = tpu.vector_load_idx %arg10[%add3A_141, %add3A_185] : memref<2048x8xf32, #tpu.memory_space<vmem>>[vector<16xi32>, vector<16xi32>], vector<16xf32>,
        %mul3A_187 = arith.constant 512 : i32
        %mul3A_188 = arith.muli %shift_right_arithmetic3A_147, %mul3A_187 : i32
        %add3A_189 = arith.constant 384 : i32
        %add3A_190 = arith.addi %mul3A_188, %add3A_189 : i32
        %add3A_191 = arith.addi %add3A_190, %mul3A_151 : i32
        %swap3A_192 = arith.index_cast %add3A_191 : i32 to index
        %swap3A_193 = tpu.vector_load %arg12[%swap3A_192] {strides = array<i32>} : memref<8192xf32, #tpu.memory_space<vmem>>, vector<16xf32>,
        tpu.vector_store %arg12[%swap3A_192], %gather3A_186 {strides = array<i32>} : memref<8192xf32, #tpu.memory_space<vmem>>, vector<16xf32>,
        %mul3A_194 = arith.constant 2 : i32
        %mul3A_195 = arith.muli %scan3A_132, %mul3A_194 : i32
        %add3A_196 = arith.constant 1 : i32
        %add3A_197 = arith.addi %mul3A_195, %add3A_196 : i32
        %mul3A_198 = arith.constant 16 : i32
        %mul3A_199 = arith.muli %add3A_197, %mul3A_198 : i32
        %multiple_of3A_200 = tpu.assume_multiple %mul3A_199, 16 : i32
        %add3A_201 = vector.broadcast %multiple_of3A_200 : i32 to vector<16xi32>
        %add3A_202 = arith.addi %iota3A, %add3A_201 : vector<16xi32>
        %get3A_203 = arith.index_cast %multiple_of3A_200 : i32 to index
        %get3A_204 = tpu.vector_load %arg6[%get3A_203] {strides = array<i32>} : memref<2048xi32, #tpu.memory_space<vmem>>, vector<16xi32>,
        %and3A_205 = arith.constant 1 : i32
        %and3A_206 = vector.broadcast %and3A_205 : i32 to vector<16xi32>
        %and3A_207 = arith.andi %get3A_204, %and3A_206 : vector<16xi32>
        %shift_left3A_208 = arith.constant 2 : i32
        %shift_left3A_209 = vector.broadcast %shift_left3A_208 : i32 to vector<16xi32>
        %shift_left3A_210 = arith.shli %and3A_207, %shift_left3A_209 : vector<16xi32>
        %shift_right_arithmetic3A_211 = arith.constant 3 : i32
        %shift_right_arithmetic3A_212 = arith.shrsi %add3A_197, %shift_right_arithmetic3A_211 : i32
        %and3A_213 = arith.constant 7 : i32
        %and3A_214 = arith.andi %add3A_197, %and3A_213 : i32
        %mul3A_215 = arith.constant 16 : i32
        %mul3A_216 = arith.muli %and3A_214, %mul3A_215 : i32
        %add3A_217 = arith.constant 0 : i32
        %add3A_218 = vector.broadcast %add3A_217 : i32 to vector<16xi32>
        %add3A_219 = arith.addi %shift_left3A_210, %add3A_218 : vector<16xi32>
        %gather3A_220 = tpu.vector_load_idx %arg10[%add3A_202, %add3A_219] : memref<2048x8xf32, #tpu.memory_space<vmem>>[vector<16xi32>, vector<16xi32>], vector<16xf32>,
        %mul3A_221 = arith.constant 512 : i32
        %mul3A_222 = arith.muli %shift_right_arithmetic3A_212, %mul3A_221 : i32
        %add3A_223 = arith.constant 0 : i32
        %add3A_224 = arith.addi %mul3A_222, %add3A_223 : i32
        %add3A_225 = arith.addi %add3A_224, %mul3A_216 : i32
        %swap3A_226 = arith.index_cast %add3A_225 : i32 to index
        %swap3A_227 = tpu.vector_load %arg12[%swap3A_226] {strides = array<i32>} : memref<8192xf32, #tpu.memory_space<vmem>>, vector<16xf32>,
        tpu.vector_store %arg12[%swap3A_226], %gather3A_220 {strides = array<i32>} : memref<8192xf32, #tpu.memory_space<vmem>>, vector<16xf32>,
        %add3A_228 = arith.constant 1 : i32
        %add3A_229 = vector.broadcast %add3A_228 : i32 to vector<16xi32>
        %add3A_230 = arith.addi %shift_left3A_210, %add3A_229 : vector<16xi32>
        %gather3A_231 = tpu.vector_load_idx %arg10[%add3A_202, %add3A_230] : memref<2048x8xf32, #tpu.memory_space<vmem>>[vector<16xi32>, vector<16xi32>], vector<16xf32>,
        %mul3A_232 = arith.constant 512 : i32
        %mul3A_233 = arith.muli %shift_right_arithmetic3A_212, %mul3A_232 : i32
        %add3A_234 = arith.constant 128 : i32
        %add3A_235 = arith.addi %mul3A_233, %add3A_234 : i32
        %add3A_236 = arith.addi %add3A_235, %mul3A_216 : i32
        %swap3A_237 = arith.index_cast %add3A_236 : i32 to index
        %swap3A_238 = tpu.vector_load %arg12[%swap3A_237] {strides = array<i32>} : memref<8192xf32, #tpu.memory_space<vmem>>, vector<16xf32>,
        tpu.vector_store %arg12[%swap3A_237], %gather3A_231 {strides = array<i32>} : memref<8192xf32, #tpu.memory_space<vmem>>, vector<16xf32>,
        %add3A_239 = arith.constant 2 : i32
        %add3A_240 = vector.broadcast %add3A_239 : i32 to vector<16xi32>
        %add3A_241 = arith.addi %shift_left3A_210, %add3A_240 : vector<16xi32>
        %gather3A_242 = tpu.vector_load_idx %arg10[%add3A_202, %add3A_241] : memref<2048x8xf32, #tpu.memory_space<vmem>>[vector<16xi32>, vector<16xi32>], vector<16xf32>,
        %mul3A_243 = arith.constant 512 : i32
        %mul3A_244 = arith.muli %shift_right_arithmetic3A_212, %mul3A_243 : i32
        %add3A_245 = arith.constant 256 : i32
        %add3A_246 = arith.addi %mul3A_244, %add3A_245 : i32
        %add3A_247 = arith.addi %add3A_246, %mul3A_216 : i32
        %swap3A_248 = arith.index_cast %add3A_247 : i32 to index
        %swap3A_249 = tpu.vector_load %arg12[%swap3A_248] {strides = array<i32>} : memref<8192xf32, #tpu.memory_space<vmem>>, vector<16xf32>,
        tpu.vector_store %arg12[%swap3A_248], %gather3A_242 {strides = array<i32>} : memref<8192xf32, #tpu.memory_space<vmem>>, vector<16xf32>,
        %add3A_250 = arith.constant 3 : i32
        %add3A_251 = vector.broadcast %add3A_250 : i32 to vector<16xi32>
        %add3A_252 = arith.addi %shift_left3A_210, %add3A_251 : vector<16xi32>
        %gather3A_253 = tpu.vector_load_idx %arg10[%add3A_202, %add3A_252] : memref<2048x8xf32, #tpu.memory_space<vmem>>[vector<16xi32>, vector<16xi32>], vector<16xf32>,
        %mul3A_254 = arith.constant 512 : i32
        %mul3A_255 = arith.muli %shift_right_arithmetic3A_212, %mul3A_254 : i32
        %add3A_256 = arith.constant 384 : i32
        %add3A_257 = arith.addi %mul3A_255, %add3A_256 : i32
        %add3A_258 = arith.addi %add3A_257, %mul3A_216 : i32
        %swap3A_259 = arith.index_cast %add3A_258 : i32 to index
        %swap3A_260 = tpu.vector_load %arg12[%swap3A_259] {strides = array<i32>} : memref<8192xf32, #tpu.memory_space<vmem>>, vector<16xf32>,
        tpu.vector_store %arg12[%swap3A_259], %gather3A_253 {strides = array<i32>} : memref<8192xf32, #tpu.memory_space<vmem>>, vector<16xf32>,
      }
      %scan3A_85 = arith.constant 64 : i32
      %mul3A_86 = arith.constant 2048 : i32
      %mul3A_87 = arith.muli %add3A_64, %mul3A_86 : i32
      %add3A_88 = arith.addi %mul3A_2, %mul3A_87 : i32
      %multiple_of3A_89 = tpu.assume_multiple %add3A_88, 2048 : i32
      %mul3A_90 = arith.constant 4 : i32
      %mul3A_91 = arith.muli %multiple_of3A_89, %mul3A_90 : i32
      %dma_start3A_92 = tpu.memref_slice %arg5[%mul3A_91] : memref<33554432xf32, #tpu.memory_space<hbm>> -> memref<8192xf32, #tpu.memory_space<hbm>>
      %dma_start3A_93 = tpu.memref_slice %arg5[%mul3A_91] : memref<33554432xf32, #tpu.memory_space<hbm>> -> memref<8192xf32, #tpu.memory_space<hbm>>
      tpu.enqueue_dma source(%arg12 : memref<8192xf32, #tpu.memory_space<vmem>>) target(%dma_start3A_93 : memref<8192xf32, #tpu.memory_space<hbm>>) target_semaphore(%arg18 : memref<!tpu.dma_semaphore, #tpu.memory_space<semaphore_mem>>)
      %mul3A_94 = arith.constant 2 : i32
      %mul3A_95 = arith.muli %scan3A_60, %mul3A_94 : i32
      %add3A_96 = arith.constant 1 : i32
      %add3A_97 = arith.addi %mul3A_95, %add3A_96 : i32
      %add3A_98 = arith.constant 2 : i32
      %add3A_99 = arith.addi %add3A_97, %add3A_98 : i32
      %sub3A_100 = arith.constant 1 : i32
      %sub3A_101 = arith.subi %add3A_99, %sub3A_100 : i32
      %lt3A_102 = arith.constant 128 : i32
      %lt3A_103 = arith.cmpi slt, %sub3A_101, %lt3A_102 : i32
      %convert_element_type3A_104 = arith.extui %lt3A_103 : i1 to i32
      %cond3A_105 = arith.constant 0 : i32
      %cond3A_106 = arith.cmpi ne, %convert_element_type3A_104, %cond3A_105 : i32
      scf.if %cond3A_106 {
        %add3A_132 = arith.constant 2 : i32
        %add3A_133 = arith.addi %add3A_97, %add3A_132 : i32
        %sub3A_134 = arith.constant 1 : i32
        %sub3A_135 = arith.subi %add3A_133, %sub3A_134 : i32
        %mul3A_136 = arith.constant 2048 : i32
        %mul3A_137 = arith.muli %sub3A_135, %mul3A_136 : i32
        %add3A_138 = arith.addi %mul3A_2, %mul3A_137 : i32
        %multiple_of3A_139 = tpu.assume_multiple %add3A_138, 2048 : i32
        %dma_start3A_140 = tpu.memref_slice %arg3[%multiple_of3A_139] : memref<8388608xi32, #tpu.memory_space<hbm>> -> memref<2048xi32, #tpu.memory_space<hbm>>
        %dma_start3A_141 = tpu.memref_slice %arg3[%multiple_of3A_139] : memref<8388608xi32, #tpu.memory_space<hbm>> -> memref<2048xi32, #tpu.memory_space<hbm>>
        tpu.enqueue_dma source(%dma_start3A_141 : memref<2048xi32, #tpu.memory_space<hbm>>) target(%arg6 : memref<2048xi32, #tpu.memory_space<vmem>>) target_semaphore(%arg14 : memref<!tpu.dma_semaphore, #tpu.memory_space<semaphore_mem>>)
        %dma_start3A_142 = tpu.memref_slice %arg4[%multiple_of3A_139] : memref<8388608xi32, #tpu.memory_space<hbm>> -> memref<2048xi32, #tpu.memory_space<hbm>>
        %dma_start3A_143 = tpu.memref_slice %arg4[%multiple_of3A_139] : memref<8388608xi32, #tpu.memory_space<hbm>> -> memref<2048xi32, #tpu.memory_space<hbm>>
        tpu.enqueue_dma source(%dma_start3A_143 : memref<2048xi32, #tpu.memory_space<hbm>>) target(%arg8 : memref<2048xi32, #tpu.memory_space<vmem>>) target_semaphore(%arg14 : memref<!tpu.dma_semaphore, #tpu.memory_space<semaphore_mem>>)
        %dma_wait3A_144 = arith.constant 0 : i32
        %dma_wait3A_145 = tpu.memref_slice %arg3[%dma_wait3A_144] : memref<8388608xi32, #tpu.memory_space<hbm>> -> memref<2048xi32, #tpu.memory_space<hbm>>
        %dma_wait3A_146 = arith.constant 0 : i32
        %dma_wait3A_147 = tpu.memref_slice %arg3[%dma_wait3A_146] : memref<8388608xi32, #tpu.memory_space<hbm>> -> memref<2048xi32, #tpu.memory_space<hbm>>
        tpu.wait_dma2 semaphore(%arg14 : memref<!tpu.dma_semaphore, #tpu.memory_space<semaphore_mem>>) src(%dma_wait3A_147 : memref<2048xi32, #tpu.memory_space<hbm>>) dst(%arg6 : memref<2048xi32, #tpu.memory_space<vmem>>)
        %dma_wait3A_148 = arith.constant 0 : i32
        %dma_wait3A_149 = tpu.memref_slice %arg4[%dma_wait3A_148] : memref<8388608xi32, #tpu.memory_space<hbm>> -> memref<2048xi32, #tpu.memory_space<hbm>>
        %dma_wait3A_150 = arith.constant 0 : i32
        %dma_wait3A_151 = tpu.memref_slice %arg4[%dma_wait3A_150] : memref<8388608xi32, #tpu.memory_space<hbm>> -> memref<2048xi32, #tpu.memory_space<hbm>>
        tpu.wait_dma2 semaphore(%arg14 : memref<!tpu.dma_semaphore, #tpu.memory_space<semaphore_mem>>) src(%dma_wait3A_151 : memref<2048xi32, #tpu.memory_space<hbm>>) dst(%arg8 : memref<2048xi32, #tpu.memory_space<vmem>>)
        %dma_start3A_152 = arith.constant 0 : i32
        %dma_start3A_153 = arith.constant 0 : i32
        %dma_start3A_154 = tpu.memref_slice %arg10[%dma_start3A_152, %dma_start3A_153] : memref<2048x8xf32, #tpu.memory_space<vmem>> -> memref<512x8xf32, #tpu.memory_space<vmem>>
        %dma_start3A_155 = arith.constant 0 : i32
        %dma_start3A_156 = tpu.memref_slice %arg8[%dma_start3A_155] : memref<2048xi32, #tpu.memory_space<vmem>> -> memref<512xi32, #tpu.memory_space<vmem>>
        %dma_start3A_157 = arith.constant 0 : i32
        %dma_start3A_158 = arith.constant 0 : i32
        %dma_start3A_159 = tpu.memref_slice %arg2[%dma_start3A_157, %dma_start3A_158] : memref<2097152x8xf32, #tpu.memory_space<hbm>> -> memref<2097152x8xf32, #tpu.memory_space<hbm>>
        tpu.enqueue_indirect_dma source(%dma_start3A_159 : memref<2097152x8xf32, #tpu.memory_space<hbm>>) target(%dma_start3A_154 : memref<512x8xf32, #tpu.memory_space<vmem>>) offsets(%dma_start3A_156 : memref<512xi32, #tpu.memory_space<vmem>>) semaphore(%arg16 : memref<!tpu.dma_semaphore, #tpu.memory_space<semaphore_mem>>)
        %dma_start3A_160 = arith.constant 512 : i32
        %dma_start3A_161 = arith.constant 0 : i32
        %dma_start3A_162 = tpu.memref_slice %arg10[%dma_start3A_160, %dma_start3A_161] : memref<2048x8xf32, #tpu.memory_space<vmem>> -> memref<512x8xf32, #tpu.memory_space<vmem>>
        %dma_start3A_163 = arith.constant 512 : i32
        %dma_start3A_164 = tpu.memref_slice %arg8[%dma_start3A_163] : memref<2048xi32, #tpu.memory_space<vmem>> -> memref<512xi32, #tpu.memory_space<vmem>>
        %dma_start3A_165 = arith.constant 0 : i32
        %dma_start3A_166 = arith.constant 0 : i32
        %dma_start3A_167 = tpu.memref_slice %arg2[%dma_start3A_165, %dma_start3A_166] : memref<2097152x8xf32, #tpu.memory_space<hbm>> -> memref<2097152x8xf32, #tpu.memory_space<hbm>>
        tpu.enqueue_indirect_dma source(%dma_start3A_167 : memref<2097152x8xf32, #tpu.memory_space<hbm>>) target(%dma_start3A_162 : memref<512x8xf32, #tpu.memory_space<vmem>>) offsets(%dma_start3A_164 : memref<512xi32, #tpu.memory_space<vmem>>) semaphore(%arg16 : memref<!tpu.dma_semaphore, #tpu.memory_space<semaphore_mem>>)
        %dma_start3A_168 = arith.constant 1024 : i32
        %dma_start3A_169 = arith.constant 0 : i32
        %dma_start3A_170 = tpu.memref_slice %arg10[%dma_start3A_168, %dma_start3A_169] : memref<2048x8xf32, #tpu.memory_space<vmem>> -> memref<512x8xf32, #tpu.memory_space<vmem>>
        %dma_start3A_171 = arith.constant 1024 : i32
        %dma_start3A_172 = tpu.memref_slice %arg8[%dma_start3A_171] : memref<2048xi32, #tpu.memory_space<vmem>> -> memref<512xi32, #tpu.memory_space<vmem>>
        %dma_start3A_173 = arith.constant 0 : i32
        %dma_start3A_174 = arith.constant 0 : i32
        %dma_start3A_175 = tpu.memref_slice %arg2[%dma_start3A_173, %dma_start3A_174] : memref<2097152x8xf32, #tpu.memory_space<hbm>> -> memref<2097152x8xf32, #tpu.memory_space<hbm>>
        tpu.enqueue_indirect_dma source(%dma_start3A_175 : memref<2097152x8xf32, #tpu.memory_space<hbm>>) target(%dma_start3A_170 : memref<512x8xf32, #tpu.memory_space<vmem>>) offsets(%dma_start3A_172 : memref<512xi32, #tpu.memory_space<vmem>>) semaphore(%arg16 : memref<!tpu.dma_semaphore, #tpu.memory_space<semaphore_mem>>)
        %dma_start3A_176 = arith.constant 1536 : i32
        %dma_start3A_177 = arith.constant 0 : i32
        %dma_start3A_178 = tpu.memref_slice %arg10[%dma_start3A_176, %dma_start3A_177] : memref<2048x8xf32, #tpu.memory_space<vmem>> -> memref<512x8xf32, #tpu.memory_space<vmem>>
        %dma_start3A_179 = arith.constant 1536 : i32
        %dma_start3A_180 = tpu.memref_slice %arg8[%dma_start3A_179] : memref<2048xi32, #tpu.memory_space<vmem>> -> memref<512xi32, #tpu.memory_space<vmem>>
        %dma_start3A_181 = arith.constant 0 : i32
        %dma_start3A_182 = arith.constant 0 : i32
        %dma_start3A_183 = tpu.memref_slice %arg2[%dma_start3A_181, %dma_start3A_182] : memref<2097152x8xf32, #tpu.memory_space<hbm>> -> memref<2097152x8xf32, #tpu.memory_space<hbm>>
        tpu.enqueue_indirect_dma source(%dma_start3A_183 : memref<2097152x8xf32, #tpu.memory_space<hbm>>) target(%dma_start3A_178 : memref<512x8xf32, #tpu.memory_space<vmem>>) offsets(%dma_start3A_180 : memref<512xi32, #tpu.memory_space<vmem>>) semaphore(%arg16 : memref<!tpu.dma_semaphore, #tpu.memory_space<semaphore_mem>>)
      } else {
      }
      %dma_wait3A_107 = arith.constant 0 : i32
      %dma_wait3A_108 = arith.constant 0 : i32
      %dma_wait3A_109 = tpu.memref_slice %arg2[%dma_wait3A_107, %dma_wait3A_108] : memref<2097152x8xf32, #tpu.memory_space<hbm>> -> memref<2048x8xf32, #tpu.memory_space<hbm>>
      %dma_wait3A_110 = arith.constant 0 : i32
      %dma_wait3A_111 = arith.constant 0 : i32
      %dma_wait3A_112 = tpu.memref_slice %arg2[%dma_wait3A_110, %dma_wait3A_111] : memref<2097152x8xf32, #tpu.memory_space<hbm>> -> memref<2048x8xf32, #tpu.memory_space<hbm>>
      tpu.wait_dma2 semaphore(%arg17 : memref<!tpu.dma_semaphore, #tpu.memory_space<semaphore_mem>>) src(%dma_wait3A_112 : memref<2048x8xf32, #tpu.memory_space<hbm>>) dst(%arg11 : memref<2048x8xf32, #tpu.memory_space<vmem>>)
      %gt3A_113 = arith.constant 0 : i32
      %gt3A_114 = arith.cmpi sgt, %scan3A_60, %gt3A_113 : i32
      %convert_element_type3A_115 = arith.extui %gt3A_114 : i1 to i32
      %cond3A_116 = arith.constant 0 : i32
      %cond3A_117 = arith.cmpi ne, %convert_element_type3A_115, %cond3A_116 : i32
      scf.if %cond3A_117 {
        %dma_wait3A_132 = arith.constant 0 : i32
        %dma_wait3A_133 = tpu.memref_slice %arg5[%dma_wait3A_132] : memref<33554432xf32, #tpu.memory_space<hbm>> -> memref<8192xf32, #tpu.memory_space<hbm>>
        %dma_wait3A_134 = arith.constant 0 : i32
        %dma_wait3A_135 = tpu.memref_slice %arg5[%dma_wait3A_134] : memref<33554432xf32, #tpu.memory_space<hbm>> -> memref<8192xf32, #tpu.memory_space<hbm>>
        tpu.wait_dma2 semaphore(%arg19 : memref<!tpu.dma_semaphore, #tpu.memory_space<semaphore_mem>>) src(%arg13 : memref<8192xf32, #tpu.memory_space<vmem>>) dst(%dma_wait3A_135 : memref<8192xf32, #tpu.memory_space<hbm>>)
      } else {
      }
      %scan3A_118 = arith.constant 0 : i32
      %scan3A_119 = arith.constant 0 : i32
      %scan3A_120 = arith.constant 64 : i32
      %scan3A_121 = arith.addi %scan3A_119, %scan3A_120 : i32
      %scan3A_122 = arith.constant 1 : i32
      scf.for %scan3A_132 = %scan3A_119 to %scan3A_121 step %scan3A_122  : i32 {
        %mul3A_133 = arith.constant 2 : i32
        %mul3A_134 = arith.muli %scan3A_132, %mul3A_133 : i32
        %add3A_135 = arith.constant 0 : i32
        %add3A_136 = arith.addi %mul3A_134, %add3A_135 : i32
        %mul3A_137 = arith.constant 16 : i32
        %mul3A_138 = arith.muli %add3A_136, %mul3A_137 : i32
        %multiple_of3A_139 = tpu.assume_multiple %mul3A_138, 16 : i32
        %add3A_140 = vector.broadcast %multiple_of3A_139 : i32 to vector<16xi32>
        %add3A_141 = arith.addi %iota3A, %add3A_140 : vector<16xi32>
        %get3A = arith.index_cast %multiple_of3A_139 : i32 to index
        %get3A_142 = tpu.vector_load %arg7[%get3A] {strides = array<i32>} : memref<2048xi32, #tpu.memory_space<vmem>>, vector<16xi32>,
        %and3A = arith.constant 1 : i32
        %and3A_143 = vector.broadcast %and3A : i32 to vector<16xi32>
        %and3A_144 = arith.andi %get3A_142, %and3A_143 : vector<16xi32>
        %shift_left3A = arith.constant 2 : i32
        %shift_left3A_145 = vector.broadcast %shift_left3A : i32 to vector<16xi32>
        %shift_left3A_146 = arith.shli %and3A_144, %shift_left3A_145 : vector<16xi32>
        %shift_right_arithmetic3A = arith.constant 3 : i32
        %shift_right_arithmetic3A_147 = arith.shrsi %add3A_136, %shift_right_arithmetic3A : i32
        %and3A_148 = arith.constant 7 : i32
        %and3A_149 = arith.andi %add3A_136, %and3A_148 : i32
        %mul3A_150 = arith.constant 16 : i32
        %mul3A_151 = arith.muli %and3A_149, %mul3A_150 : i32
        %add3A_152 = arith.constant 0 : i32
        %add3A_153 = vector.broadcast %add3A_152 : i32 to vector<16xi32>
        %add3A_154 = arith.addi %shift_left3A_146, %add3A_153 : vector<16xi32>
        %gather3A = tpu.vector_load_idx %arg11[%add3A_141, %add3A_154] : memref<2048x8xf32, #tpu.memory_space<vmem>>[vector<16xi32>, vector<16xi32>], vector<16xf32>,
        %mul3A_155 = arith.constant 512 : i32
        %mul3A_156 = arith.muli %shift_right_arithmetic3A_147, %mul3A_155 : i32
        %add3A_157 = arith.constant 0 : i32
        %add3A_158 = arith.addi %mul3A_156, %add3A_157 : i32
        %add3A_159 = arith.addi %add3A_158, %mul3A_151 : i32
        %swap3A = arith.index_cast %add3A_159 : i32 to index
        %swap3A_160 = tpu.vector_load %arg13[%swap3A] {strides = array<i32>} : memref<8192xf32, #tpu.memory_space<vmem>>, vector<16xf32>,
        tpu.vector_store %arg13[%swap3A], %gather3A {strides = array<i32>} : memref<8192xf32, #tpu.memory_space<vmem>>, vector<16xf32>,
        %add3A_161 = arith.constant 1 : i32
        %add3A_162 = vector.broadcast %add3A_161 : i32 to vector<16xi32>
        %add3A_163 = arith.addi %shift_left3A_146, %add3A_162 : vector<16xi32>
        %gather3A_164 = tpu.vector_load_idx %arg11[%add3A_141, %add3A_163] : memref<2048x8xf32, #tpu.memory_space<vmem>>[vector<16xi32>, vector<16xi32>], vector<16xf32>,
        %mul3A_165 = arith.constant 512 : i32
        %mul3A_166 = arith.muli %shift_right_arithmetic3A_147, %mul3A_165 : i32
        %add3A_167 = arith.constant 128 : i32
        %add3A_168 = arith.addi %mul3A_166, %add3A_167 : i32
        %add3A_169 = arith.addi %add3A_168, %mul3A_151 : i32
        %swap3A_170 = arith.index_cast %add3A_169 : i32 to index
        %swap3A_171 = tpu.vector_load %arg13[%swap3A_170] {strides = array<i32>} : memref<8192xf32, #tpu.memory_space<vmem>>, vector<16xf32>,
        tpu.vector_store %arg13[%swap3A_170], %gather3A_164 {strides = array<i32>} : memref<8192xf32, #tpu.memory_space<vmem>>, vector<16xf32>,
        %add3A_172 = arith.constant 2 : i32
        %add3A_173 = vector.broadcast %add3A_172 : i32 to vector<16xi32>
        %add3A_174 = arith.addi %shift_left3A_146, %add3A_173 : vector<16xi32>
        %gather3A_175 = tpu.vector_load_idx %arg11[%add3A_141, %add3A_174] : memref<2048x8xf32, #tpu.memory_space<vmem>>[vector<16xi32>, vector<16xi32>], vector<16xf32>,
        %mul3A_176 = arith.constant 512 : i32
        %mul3A_177 = arith.muli %shift_right_arithmetic3A_147, %mul3A_176 : i32
        %add3A_178 = arith.constant 256 : i32
        %add3A_179 = arith.addi %mul3A_177, %add3A_178 : i32
        %add3A_180 = arith.addi %add3A_179, %mul3A_151 : i32
        %swap3A_181 = arith.index_cast %add3A_180 : i32 to index
        %swap3A_182 = tpu.vector_load %arg13[%swap3A_181] {strides = array<i32>} : memref<8192xf32, #tpu.memory_space<vmem>>, vector<16xf32>,
        tpu.vector_store %arg13[%swap3A_181], %gather3A_175 {strides = array<i32>} : memref<8192xf32, #tpu.memory_space<vmem>>, vector<16xf32>,
        %add3A_183 = arith.constant 3 : i32
        %add3A_184 = vector.broadcast %add3A_183 : i32 to vector<16xi32>
        %add3A_185 = arith.addi %shift_left3A_146, %add3A_184 : vector<16xi32>
        %gather3A_186 = tpu.vector_load_idx %arg11[%add3A_141, %add3A_185] : memref<2048x8xf32, #tpu.memory_space<vmem>>[vector<16xi32>, vector<16xi32>], vector<16xf32>,
        %mul3A_187 = arith.constant 512 : i32
        %mul3A_188 = arith.muli %shift_right_arithmetic3A_147, %mul3A_187 : i32
        %add3A_189 = arith.constant 384 : i32
        %add3A_190 = arith.addi %mul3A_188, %add3A_189 : i32
        %add3A_191 = arith.addi %add3A_190, %mul3A_151 : i32
        %swap3A_192 = arith.index_cast %add3A_191 : i32 to index
        %swap3A_193 = tpu.vector_load %arg13[%swap3A_192] {strides = array<i32>} : memref<8192xf32, #tpu.memory_space<vmem>>, vector<16xf32>,
        tpu.vector_store %arg13[%swap3A_192], %gather3A_186 {strides = array<i32>} : memref<8192xf32, #tpu.memory_space<vmem>>, vector<16xf32>,
        %mul3A_194 = arith.constant 2 : i32
        %mul3A_195 = arith.muli %scan3A_132, %mul3A_194 : i32
        %add3A_196 = arith.constant 1 : i32
        %add3A_197 = arith.addi %mul3A_195, %add3A_196 : i32
        %mul3A_198 = arith.constant 16 : i32
        %mul3A_199 = arith.muli %add3A_197, %mul3A_198 : i32
        %multiple_of3A_200 = tpu.assume_multiple %mul3A_199, 16 : i32
        %add3A_201 = vector.broadcast %multiple_of3A_200 : i32 to vector<16xi32>
        %add3A_202 = arith.addi %iota3A, %add3A_201 : vector<16xi32>
        %get3A_203 = arith.index_cast %multiple_of3A_200 : i32 to index
        %get3A_204 = tpu.vector_load %arg7[%get3A_203] {strides = array<i32>} : memref<2048xi32, #tpu.memory_space<vmem>>, vector<16xi32>,
        %and3A_205 = arith.constant 1 : i32
        %and3A_206 = vector.broadcast %and3A_205 : i32 to vector<16xi32>
        %and3A_207 = arith.andi %get3A_204, %and3A_206 : vector<16xi32>
        %shift_left3A_208 = arith.constant 2 : i32
        %shift_left3A_209 = vector.broadcast %shift_left3A_208 : i32 to vector<16xi32>
        %shift_left3A_210 = arith.shli %and3A_207, %shift_left3A_209 : vector<16xi32>
        %shift_right_arithmetic3A_211 = arith.constant 3 : i32
        %shift_right_arithmetic3A_212 = arith.shrsi %add3A_197, %shift_right_arithmetic3A_211 : i32
        %and3A_213 = arith.constant 7 : i32
        %and3A_214 = arith.andi %add3A_197, %and3A_213 : i32
        %mul3A_215 = arith.constant 16 : i32
        %mul3A_216 = arith.muli %and3A_214, %mul3A_215 : i32
        %add3A_217 = arith.constant 0 : i32
        %add3A_218 = vector.broadcast %add3A_217 : i32 to vector<16xi32>
        %add3A_219 = arith.addi %shift_left3A_210, %add3A_218 : vector<16xi32>
        %gather3A_220 = tpu.vector_load_idx %arg11[%add3A_202, %add3A_219] : memref<2048x8xf32, #tpu.memory_space<vmem>>[vector<16xi32>, vector<16xi32>], vector<16xf32>,
        %mul3A_221 = arith.constant 512 : i32
        %mul3A_222 = arith.muli %shift_right_arithmetic3A_212, %mul3A_221 : i32
        %add3A_223 = arith.constant 0 : i32
        %add3A_224 = arith.addi %mul3A_222, %add3A_223 : i32
        %add3A_225 = arith.addi %add3A_224, %mul3A_216 : i32
        %swap3A_226 = arith.index_cast %add3A_225 : i32 to index
        %swap3A_227 = tpu.vector_load %arg13[%swap3A_226] {strides = array<i32>} : memref<8192xf32, #tpu.memory_space<vmem>>, vector<16xf32>,
        tpu.vector_store %arg13[%swap3A_226], %gather3A_220 {strides = array<i32>} : memref<8192xf32, #tpu.memory_space<vmem>>, vector<16xf32>,
        %add3A_228 = arith.constant 1 : i32
        %add3A_229 = vector.broadcast %add3A_228 : i32 to vector<16xi32>
        %add3A_230 = arith.addi %shift_left3A_210, %add3A_229 : vector<16xi32>
        %gather3A_231 = tpu.vector_load_idx %arg11[%add3A_202, %add3A_230] : memref<2048x8xf32, #tpu.memory_space<vmem>>[vector<16xi32>, vector<16xi32>], vector<16xf32>,
        %mul3A_232 = arith.constant 512 : i32
        %mul3A_233 = arith.muli %shift_right_arithmetic3A_212, %mul3A_232 : i32
        %add3A_234 = arith.constant 128 : i32
        %add3A_235 = arith.addi %mul3A_233, %add3A_234 : i32
        %add3A_236 = arith.addi %add3A_235, %mul3A_216 : i32
        %swap3A_237 = arith.index_cast %add3A_236 : i32 to index
        %swap3A_238 = tpu.vector_load %arg13[%swap3A_237] {strides = array<i32>} : memref<8192xf32, #tpu.memory_space<vmem>>, vector<16xf32>,
        tpu.vector_store %arg13[%swap3A_237], %gather3A_231 {strides = array<i32>} : memref<8192xf32, #tpu.memory_space<vmem>>, vector<16xf32>,
        %add3A_239 = arith.constant 2 : i32
        %add3A_240 = vector.broadcast %add3A_239 : i32 to vector<16xi32>
        %add3A_241 = arith.addi %shift_left3A_210, %add3A_240 : vector<16xi32>
        %gather3A_242 = tpu.vector_load_idx %arg11[%add3A_202, %add3A_241] : memref<2048x8xf32, #tpu.memory_space<vmem>>[vector<16xi32>, vector<16xi32>], vector<16xf32>,
        %mul3A_243 = arith.constant 512 : i32
        %mul3A_244 = arith.muli %shift_right_arithmetic3A_212, %mul3A_243 : i32
        %add3A_245 = arith.constant 256 : i32
        %add3A_246 = arith.addi %mul3A_244, %add3A_245 : i32
        %add3A_247 = arith.addi %add3A_246, %mul3A_216 : i32
        %swap3A_248 = arith.index_cast %add3A_247 : i32 to index
        %swap3A_249 = tpu.vector_load %arg13[%swap3A_248] {strides = array<i32>} : memref<8192xf32, #tpu.memory_space<vmem>>, vector<16xf32>,
        tpu.vector_store %arg13[%swap3A_248], %gather3A_242 {strides = array<i32>} : memref<8192xf32, #tpu.memory_space<vmem>>, vector<16xf32>,
        %add3A_250 = arith.constant 3 : i32
        %add3A_251 = vector.broadcast %add3A_250 : i32 to vector<16xi32>
        %add3A_252 = arith.addi %shift_left3A_210, %add3A_251 : vector<16xi32>
        %gather3A_253 = tpu.vector_load_idx %arg11[%add3A_202, %add3A_252] : memref<2048x8xf32, #tpu.memory_space<vmem>>[vector<16xi32>, vector<16xi32>], vector<16xf32>,
        %mul3A_254 = arith.constant 512 : i32
        %mul3A_255 = arith.muli %shift_right_arithmetic3A_212, %mul3A_254 : i32
        %add3A_256 = arith.constant 384 : i32
        %add3A_257 = arith.addi %mul3A_255, %add3A_256 : i32
        %add3A_258 = arith.addi %add3A_257, %mul3A_216 : i32
        %swap3A_259 = arith.index_cast %add3A_258 : i32 to index
        %swap3A_260 = tpu.vector_load %arg13[%swap3A_259] {strides = array<i32>} : memref<8192xf32, #tpu.memory_space<vmem>>, vector<16xf32>,
        tpu.vector_store %arg13[%swap3A_259], %gather3A_253 {strides = array<i32>} : memref<8192xf32, #tpu.memory_space<vmem>>, vector<16xf32>,
      }
      %scan3A_123 = arith.constant 64 : i32
      %mul3A_124 = arith.constant 2048 : i32
      %mul3A_125 = arith.muli %add3A_97, %mul3A_124 : i32
      %add3A_126 = arith.addi %mul3A_2, %mul3A_125 : i32
      %multiple_of3A_127 = tpu.assume_multiple %add3A_126, 2048 : i32
      %mul3A_128 = arith.constant 4 : i32
      %mul3A_129 = arith.muli %multiple_of3A_127, %mul3A_128 : i32
      %dma_start3A_130 = tpu.memref_slice %arg5[%mul3A_129] : memref<33554432xf32, #tpu.memory_space<hbm>> -> memref<8192xf32, #tpu.memory_space<hbm>>
      %dma_start3A_131 = tpu.memref_slice %arg5[%mul3A_129] : memref<33554432xf32, #tpu.memory_space<hbm>> -> memref<8192xf32, #tpu.memory_space<hbm>>
      tpu.enqueue_dma source(%arg13 : memref<8192xf32, #tpu.memory_space<vmem>>) target(%dma_start3A_131 : memref<8192xf32, #tpu.memory_space<hbm>>) target_semaphore(%arg19 : memref<!tpu.dma_semaphore, #tpu.memory_space<semaphore_mem>>)
    }
    %scan3A_51 = arith.constant 64 : i32
    %dma_wait3A_52 = arith.constant 0 : i32
    %dma_wait3A_53 = tpu.memref_slice %arg5[%dma_wait3A_52] : memref<33554432xf32, #tpu.memory_space<hbm>> -> memref<8192xf32, #tpu.memory_space<hbm>>
    %dma_wait3A_54 = arith.constant 0 : i32
    %dma_wait3A_55 = tpu.memref_slice %arg5[%dma_wait3A_54] : memref<33554432xf32, #tpu.memory_space<hbm>> -> memref<8192xf32, #tpu.memory_space<hbm>>
    tpu.wait_dma2 semaphore(%arg18 : memref<!tpu.dma_semaphore, #tpu.memory_space<semaphore_mem>>) src(%arg12 : memref<8192xf32, #tpu.memory_space<vmem>>) dst(%dma_wait3A_55 : memref<8192xf32, #tpu.memory_space<hbm>>)
    %dma_wait3A_56 = arith.constant 0 : i32
    %dma_wait3A_57 = tpu.memref_slice %arg5[%dma_wait3A_56] : memref<33554432xf32, #tpu.memory_space<hbm>> -> memref<8192xf32, #tpu.memory_space<hbm>>
    %dma_wait3A_58 = arith.constant 0 : i32
    %dma_wait3A_59 = tpu.memref_slice %arg5[%dma_wait3A_58] : memref<33554432xf32, #tpu.memory_space<hbm>> -> memref<8192xf32, #tpu.memory_space<hbm>>
    tpu.wait_dma2 semaphore(%arg19 : memref<!tpu.dma_semaphore, #tpu.memory_space<semaphore_mem>>) src(%arg13 : memref<8192xf32, #tpu.memory_space<vmem>>) dst(%dma_wait3A_59 : memref<8192xf32, #tpu.memory_space<hbm>>)
    return
  }
}

#map = affine_map<(d0, d1) -> (0)>
#map1 = affine_map<(d0, d1) -> (0, 0)>
module attributes {stable_mosaic.version = 14 : i64} {
  func.func @_repack_kernel(%arg0: i32, %arg1: i32, %arg2: memref<16777216xf32, #tpu.memory_space<hbm>>, %arg3: memref<1048576x16xf32, #tpu.memory_space<hbm>>, %arg4: memref<16384xf32, #tpu.memory_space<vmem>>, %arg5: memref<16384xf32, #tpu.memory_space<vmem>>, %arg6: memref<1024x16xf32, #tpu.memory_space<vmem>>, %arg7: memref<1024x16xf32, #tpu.memory_space<vmem>>, %arg8: memref<!tpu.dma_semaphore, #tpu.memory_space<semaphore_mem>>, %arg9: memref<!tpu.dma_semaphore, #tpu.memory_space<semaphore_mem>>, %arg10: memref<!tpu.dma_semaphore, #tpu.memory_space<semaphore_mem>>, %arg11: memref<!tpu.dma_semaphore, #tpu.memory_space<semaphore_mem>>) attributes {dimension_semantics = [#tpu.dimension_semantics<core_parallel>, #tpu.dimension_semantics<subcore_parallel>], iteration_bounds = array<i64: 2, 16>, scalar_prefetch = 0 : i64, scratch_operands = 8 : i64, tpu.core_type = #tpu.core_type<sc_vector_subcore>, window_params = [{transform_indices = #map}, {transform_indices = #map1}]} {
    %mul3A = arith.constant 2 : i32
    %mul3A_0 = arith.muli %arg1, %mul3A : i32
    %add3A = arith.addi %mul3A_0, %arg0 : i32
    %mul3A_1 = arith.constant 1024 : i32
    %mul3A_2 = arith.muli %add3A, %mul3A_1 : i32
    %iota3A = tpu.iota {dimensions = array<i32: 0>} : vector<16xi32>
    %and3A = arith.constant 3 : i32
    %and3A_3 = vector.broadcast %and3A : i32 to vector<16xi32>
    %and3A_4 = arith.andi %iota3A, %and3A_3 : vector<16xi32>
    %mul3A_5 = arith.constant 128 : i32
    %mul3A_6 = vector.broadcast %mul3A_5 : i32 to vector<16xi32>
    %mul3A_7 = arith.muli %and3A_4, %mul3A_6 : vector<16xi32>
    %shift_right_logical3A = arith.constant 2 : i32
    %shift_right_logical3A_8 = vector.broadcast %shift_right_logical3A : i32 to vector<16xi32>
    %shift_right_logical3A_9 = arith.shrui %iota3A, %shift_right_logical3A_8 : vector<16xi32>
    %add3A_10 = arith.addi %mul3A_7, %shift_right_logical3A_9 : vector<16xi32>
    %add3A_11 = arith.constant 0 : i32
    %add3A_12 = arith.addi %mul3A_2, %add3A_11 : i32
    %multiple_of3A = tpu.assume_multiple %add3A_12, 32 : i32
    %mul3A_13 = arith.constant 512 : i32
    %mul3A_14 = arith.muli %multiple_of3A, %mul3A_13 : i32
    %dma_start3A = tpu.memref_slice %arg2[%mul3A_14] : memref<16777216xf32, #tpu.memory_space<hbm>> -> memref<16384xf32, #tpu.memory_space<hbm>>
    %dma_start3A_15 = tpu.memref_slice %arg2[%mul3A_14] : memref<16777216xf32, #tpu.memory_space<hbm>> -> memref<16384xf32, #tpu.memory_space<hbm>>
    tpu.enqueue_dma source(%dma_start3A_15 : memref<16384xf32, #tpu.memory_space<hbm>>) target(%arg4 : memref<16384xf32, #tpu.memory_space<vmem>>) target_semaphore(%arg8 : memref<!tpu.dma_semaphore, #tpu.memory_space<semaphore_mem>>)
    %scan3A = arith.constant 0 : i32
    %scan3A_16 = arith.constant 0 : i32
    %scan3A_17 = arith.constant 16 : i32
    %scan3A_18 = arith.addi %scan3A_16, %scan3A_17 : i32
    %scan3A_19 = arith.constant 1 : i32
    scf.for %scan3A_32 = %scan3A_16 to %scan3A_18 step %scan3A_19  : i32 {
      %mul3A_33 = arith.constant 2 : i32
      %mul3A_34 = arith.muli %scan3A_32, %mul3A_33 : i32
      %add3A_35 = arith.constant 1 : i32
      %add3A_36 = arith.addi %mul3A_34, %add3A_35 : i32
      %mul3A_37 = arith.constant 32 : i32
      %mul3A_38 = arith.muli %add3A_36, %mul3A_37 : i32
      %add3A_39 = arith.addi %mul3A_2, %mul3A_38 : i32
      %multiple_of3A_40 = tpu.assume_multiple %add3A_39, 32 : i32
      %mul3A_41 = arith.constant 512 : i32
      %mul3A_42 = arith.muli %multiple_of3A_40, %mul3A_41 : i32
      %dma_start3A_43 = tpu.memref_slice %arg2[%mul3A_42] : memref<16777216xf32, #tpu.memory_space<hbm>> -> memref<16384xf32, #tpu.memory_space<hbm>>
      %dma_start3A_44 = tpu.memref_slice %arg2[%mul3A_42] : memref<16777216xf32, #tpu.memory_space<hbm>> -> memref<16384xf32, #tpu.memory_space<hbm>>
      tpu.enqueue_dma source(%dma_start3A_44 : memref<16384xf32, #tpu.memory_space<hbm>>) target(%arg5 : memref<16384xf32, #tpu.memory_space<vmem>>) target_semaphore(%arg9 : memref<!tpu.dma_semaphore, #tpu.memory_space<semaphore_mem>>)
      %dma_wait3A_45 = arith.constant 0 : i32
      %dma_wait3A_46 = tpu.memref_slice %arg2[%dma_wait3A_45] : memref<16777216xf32, #tpu.memory_space<hbm>> -> memref<16384xf32, #tpu.memory_space<hbm>>
      %dma_wait3A_47 = arith.constant 0 : i32
      %dma_wait3A_48 = tpu.memref_slice %arg2[%dma_wait3A_47] : memref<16777216xf32, #tpu.memory_space<hbm>> -> memref<16384xf32, #tpu.memory_space<hbm>>
      tpu.wait_dma2 semaphore(%arg8 : memref<!tpu.dma_semaphore, #tpu.memory_space<semaphore_mem>>) src(%dma_wait3A_48 : memref<16384xf32, #tpu.memory_space<hbm>>) dst(%arg4 : memref<16384xf32, #tpu.memory_space<vmem>>)
      %gt3A = arith.constant 0 : i32
      %gt3A_49 = arith.cmpi sgt, %scan3A_32, %gt3A : i32
      %convert_element_type3A = arith.extui %gt3A_49 : i1 to i32
      %cond3A = arith.constant 0 : i32
      %cond3A_50 = arith.cmpi ne, %convert_element_type3A, %cond3A : i32
      scf.if %cond3A_50 {
        %dma_wait3A_98 = arith.constant 0 : i32
        %dma_wait3A_99 = arith.constant 0 : i32
        %dma_wait3A_100 = tpu.memref_slice %arg3[%dma_wait3A_98, %dma_wait3A_99] : memref<1048576x16xf32, #tpu.memory_space<hbm>> -> memref<1024x16xf32, #tpu.memory_space<hbm>>
        %dma_wait3A_101 = arith.constant 0 : i32
        %dma_wait3A_102 = arith.constant 0 : i32
        %dma_wait3A_103 = tpu.memref_slice %arg3[%dma_wait3A_101, %dma_wait3A_102] : memref<1048576x16xf32, #tpu.memory_space<hbm>> -> memref<1024x16xf32, #tpu.memory_space<hbm>>
        tpu.wait_dma2 semaphore(%arg10 : memref<!tpu.dma_semaphore, #tpu.memory_space<semaphore_mem>>) src(%arg6 : memref<1024x16xf32, #tpu.memory_space<vmem>>) dst(%dma_wait3A_103 : memref<1024x16xf32, #tpu.memory_space<hbm>>)
      } else {
      }
      %scan3A_51 = arith.constant 0 : i32
      %scan3A_52 = arith.constant 0 : i32
      %scan3A_53 = arith.constant 32 : i32
      %scan3A_54 = arith.addi %scan3A_52, %scan3A_53 : i32
      %scan3A_55 = arith.constant 1 : i32
      scf.for %scan3A_98 = %scan3A_52 to %scan3A_54 step %scan3A_55  : i32 {
        %mul3A_99 = arith.constant 512 : i32
        %mul3A_100 = arith.muli %scan3A_98, %mul3A_99 : i32
        %add3A_101 = arith.constant 0 : i32
        %add3A_102 = arith.addi %mul3A_100, %add3A_101 : i32
        %add3A_103 = vector.broadcast %add3A_102 : i32 to vector<16xi32>
        %add3A_104 = arith.addi %add3A_10, %add3A_103 : vector<16xi32>
        %gather3A = tpu.vector_load_idx %arg4[%add3A_104] : memref<16384xf32, #tpu.memory_space<vmem>>[vector<16xi32>], vector<16xf32>,
        %mul3A_105 = arith.constant 32 : i32
        %mul3A_106 = arith.muli %scan3A_98, %mul3A_105 : i32
        %add3A_107 = arith.constant 0 : i32
        %add3A_108 = arith.addi %mul3A_106, %add3A_107 : i32
        %swap3A = arith.index_cast %add3A_108 : i32 to index
        %swap3A_109 = arith.constant 0 : index
        %swap3A_110 = tpu.vector_load %arg6[%swap3A, %swap3A_109] {strides = array<i32>} : memref<1024x16xf32, #tpu.memory_space<vmem>>, vector<16xf32>,
        tpu.vector_store %arg6[%swap3A, %swap3A_109], %gather3A {strides = array<i32>} : memref<1024x16xf32, #tpu.memory_space<vmem>>, vector<16xf32>,
        %mul3A_111 = arith.constant 512 : i32
        %mul3A_112 = arith.muli %scan3A_98, %mul3A_111 : i32
        %add3A_113 = arith.constant 4 : i32
        %add3A_114 = arith.addi %mul3A_112, %add3A_113 : i32
        %add3A_115 = vector.broadcast %add3A_114 : i32 to vector<16xi32>
        %add3A_116 = arith.addi %add3A_10, %add3A_115 : vector<16xi32>
        %gather3A_117 = tpu.vector_load_idx %arg4[%add3A_116] : memref<16384xf32, #tpu.memory_space<vmem>>[vector<16xi32>], vector<16xf32>,
        %mul3A_118 = arith.constant 32 : i32
        %mul3A_119 = arith.muli %scan3A_98, %mul3A_118 : i32
        %add3A_120 = arith.constant 1 : i32
        %add3A_121 = arith.addi %mul3A_119, %add3A_120 : i32
        %swap3A_122 = arith.index_cast %add3A_121 : i32 to index
        %swap3A_123 = arith.constant 0 : index
        %swap3A_124 = tpu.vector_load %arg6[%swap3A_122, %swap3A_123] {strides = array<i32>} : memref<1024x16xf32, #tpu.memory_space<vmem>>, vector<16xf32>,
        tpu.vector_store %arg6[%swap3A_122, %swap3A_123], %gather3A_117 {strides = array<i32>} : memref<1024x16xf32, #tpu.memory_space<vmem>>, vector<16xf32>,
        %mul3A_125 = arith.constant 512 : i32
        %mul3A_126 = arith.muli %scan3A_98, %mul3A_125 : i32
        %add3A_127 = arith.constant 8 : i32
        %add3A_128 = arith.addi %mul3A_126, %add3A_127 : i32
        %add3A_129 = vector.broadcast %add3A_128 : i32 to vector<16xi32>
        %add3A_130 = arith.addi %add3A_10, %add3A_129 : vector<16xi32>
        %gather3A_131 = tpu.vector_load_idx %arg4[%add3A_130] : memref<16384xf32, #tpu.memory_space<vmem>>[vector<16xi32>], vector<16xf32>,
        %mul3A_132 = arith.constant 32 : i32
        %mul3A_133 = arith.muli %scan3A_98, %mul3A_132 : i32
        %add3A_134 = arith.constant 2 : i32
        %add3A_135 = arith.addi %mul3A_133, %add3A_134 : i32
        %swap3A_136 = arith.index_cast %add3A_135 : i32 to index
        %swap3A_137 = arith.constant 0 : index
        %swap3A_138 = tpu.vector_load %arg6[%swap3A_136, %swap3A_137] {strides = array<i32>} : memref<1024x16xf32, #tpu.memory_space<vmem>>, vector<16xf32>,
        tpu.vector_store %arg6[%swap3A_136, %swap3A_137], %gather3A_131 {strides = array<i32>} : memref<1024x16xf32, #tpu.memory_space<vmem>>, vector<16xf32>,
        %mul3A_139 = arith.constant 512 : i32
        %mul3A_140 = arith.muli %scan3A_98, %mul3A_139 : i32
        %add3A_141 = arith.constant 12 : i32
        %add3A_142 = arith.addi %mul3A_140, %add3A_141 : i32
        %add3A_143 = vector.broadcast %add3A_142 : i32 to vector<16xi32>
        %add3A_144 = arith.addi %add3A_10, %add3A_143 : vector<16xi32>
        %gather3A_145 = tpu.vector_load_idx %arg4[%add3A_144] : memref<16384xf32, #tpu.memory_space<vmem>>[vector<16xi32>], vector<16xf32>,
        %mul3A_146 = arith.constant 32 : i32
        %mul3A_147 = arith.muli %scan3A_98, %mul3A_146 : i32
        %add3A_148 = arith.constant 3 : i32
        %add3A_149 = arith.addi %mul3A_147, %add3A_148 : i32
        %swap3A_150 = arith.index_cast %add3A_149 : i32 to index
        %swap3A_151 = arith.constant 0 : index
        %swap3A_152 = tpu.vector_load %arg6[%swap3A_150, %swap3A_151] {strides = array<i32>} : memref<1024x16xf32, #tpu.memory_space<vmem>>, vector<16xf32>,
        tpu.vector_store %arg6[%swap3A_150, %swap3A_151], %gather3A_145 {strides = array<i32>} : memref<1024x16xf32, #tpu.memory_space<vmem>>, vector<16xf32>,
        %mul3A_153 = arith.constant 512 : i32
        %mul3A_154 = arith.muli %scan3A_98, %mul3A_153 : i32
        %add3A_155 = arith.constant 16 : i32
        %add3A_156 = arith.addi %mul3A_154, %add3A_155 : i32
        %add3A_157 = vector.broadcast %add3A_156 : i32 to vector<16xi32>
        %add3A_158 = arith.addi %add3A_10, %add3A_157 : vector<16xi32>
        %gather3A_159 = tpu.vector_load_idx %arg4[%add3A_158] : memref<16384xf32, #tpu.memory_space<vmem>>[vector<16xi32>], vector<16xf32>,
        %mul3A_160 = arith.constant 32 : i32
        %mul3A_161 = arith.muli %scan3A_98, %mul3A_160 : i32
        %add3A_162 = arith.constant 4 : i32
        %add3A_163 = arith.addi %mul3A_161, %add3A_162 : i32
        %swap3A_164 = arith.index_cast %add3A_163 : i32 to index
        %swap3A_165 = arith.constant 0 : index
        %swap3A_166 = tpu.vector_load %arg6[%swap3A_164, %swap3A_165] {strides = array<i32>} : memref<1024x16xf32, #tpu.memory_space<vmem>>, vector<16xf32>,
        tpu.vector_store %arg6[%swap3A_164, %swap3A_165], %gather3A_159 {strides = array<i32>} : memref<1024x16xf32, #tpu.memory_space<vmem>>, vector<16xf32>,
        %mul3A_167 = arith.constant 512 : i32
        %mul3A_168 = arith.muli %scan3A_98, %mul3A_167 : i32
        %add3A_169 = arith.constant 20 : i32
        %add3A_170 = arith.addi %mul3A_168, %add3A_169 : i32
        %add3A_171 = vector.broadcast %add3A_170 : i32 to vector<16xi32>
        %add3A_172 = arith.addi %add3A_10, %add3A_171 : vector<16xi32>
        %gather3A_173 = tpu.vector_load_idx %arg4[%add3A_172] : memref<16384xf32, #tpu.memory_space<vmem>>[vector<16xi32>], vector<16xf32>,
        %mul3A_174 = arith.constant 32 : i32
        %mul3A_175 = arith.muli %scan3A_98, %mul3A_174 : i32
        %add3A_176 = arith.constant 5 : i32
        %add3A_177 = arith.addi %mul3A_175, %add3A_176 : i32
        %swap3A_178 = arith.index_cast %add3A_177 : i32 to index
        %swap3A_179 = arith.constant 0 : index
        %swap3A_180 = tpu.vector_load %arg6[%swap3A_178, %swap3A_179] {strides = array<i32>} : memref<1024x16xf32, #tpu.memory_space<vmem>>, vector<16xf32>,
        tpu.vector_store %arg6[%swap3A_178, %swap3A_179], %gather3A_173 {strides = array<i32>} : memref<1024x16xf32, #tpu.memory_space<vmem>>, vector<16xf32>,
        %mul3A_181 = arith.constant 512 : i32
        %mul3A_182 = arith.muli %scan3A_98, %mul3A_181 : i32
        %add3A_183 = arith.constant 24 : i32
        %add3A_184 = arith.addi %mul3A_182, %add3A_183 : i32
        %add3A_185 = vector.broadcast %add3A_184 : i32 to vector<16xi32>
        %add3A_186 = arith.addi %add3A_10, %add3A_185 : vector<16xi32>
        %gather3A_187 = tpu.vector_load_idx %arg4[%add3A_186] : memref<16384xf32, #tpu.memory_space<vmem>>[vector<16xi32>], vector<16xf32>,
        %mul3A_188 = arith.constant 32 : i32
        %mul3A_189 = arith.muli %scan3A_98, %mul3A_188 : i32
        %add3A_190 = arith.constant 6 : i32
        %add3A_191 = arith.addi %mul3A_189, %add3A_190 : i32
        %swap3A_192 = arith.index_cast %add3A_191 : i32 to index
        %swap3A_193 = arith.constant 0 : index
        %swap3A_194 = tpu.vector_load %arg6[%swap3A_192, %swap3A_193] {strides = array<i32>} : memref<1024x16xf32, #tpu.memory_space<vmem>>, vector<16xf32>,
        tpu.vector_store %arg6[%swap3A_192, %swap3A_193], %gather3A_187 {strides = array<i32>} : memref<1024x16xf32, #tpu.memory_space<vmem>>, vector<16xf32>,
        %mul3A_195 = arith.constant 512 : i32
        %mul3A_196 = arith.muli %scan3A_98, %mul3A_195 : i32
        %add3A_197 = arith.constant 28 : i32
        %add3A_198 = arith.addi %mul3A_196, %add3A_197 : i32
        %add3A_199 = vector.broadcast %add3A_198 : i32 to vector<16xi32>
        %add3A_200 = arith.addi %add3A_10, %add3A_199 : vector<16xi32>
        %gather3A_201 = tpu.vector_load_idx %arg4[%add3A_200] : memref<16384xf32, #tpu.memory_space<vmem>>[vector<16xi32>], vector<16xf32>,
        %mul3A_202 = arith.constant 32 : i32
        %mul3A_203 = arith.muli %scan3A_98, %mul3A_202 : i32
        %add3A_204 = arith.constant 7 : i32
        %add3A_205 = arith.addi %mul3A_203, %add3A_204 : i32
        %swap3A_206 = arith.index_cast %add3A_205 : i32 to index
        %swap3A_207 = arith.constant 0 : index
        %swap3A_208 = tpu.vector_load %arg6[%swap3A_206, %swap3A_207] {strides = array<i32>} : memref<1024x16xf32, #tpu.memory_space<vmem>>, vector<16xf32>,
        tpu.vector_store %arg6[%swap3A_206, %swap3A_207], %gather3A_201 {strides = array<i32>} : memref<1024x16xf32, #tpu.memory_space<vmem>>, vector<16xf32>,
        %mul3A_209 = arith.constant 512 : i32
        %mul3A_210 = arith.muli %scan3A_98, %mul3A_209 : i32
        %add3A_211 = arith.constant 32 : i32
        %add3A_212 = arith.addi %mul3A_210, %add3A_211 : i32
        %add3A_213 = vector.broadcast %add3A_212 : i32 to vector<16xi32>
        %add3A_214 = arith.addi %add3A_10, %add3A_213 : vector<16xi32>
        %gather3A_215 = tpu.vector_load_idx %arg4[%add3A_214] : memref<16384xf32, #tpu.memory_space<vmem>>[vector<16xi32>], vector<16xf32>,
        %mul3A_216 = arith.constant 32 : i32
        %mul3A_217 = arith.muli %scan3A_98, %mul3A_216 : i32
        %add3A_218 = arith.constant 8 : i32
        %add3A_219 = arith.addi %mul3A_217, %add3A_218 : i32
        %swap3A_220 = arith.index_cast %add3A_219 : i32 to index
        %swap3A_221 = arith.constant 0 : index
        %swap3A_222 = tpu.vector_load %arg6[%swap3A_220, %swap3A_221] {strides = array<i32>} : memref<1024x16xf32, #tpu.memory_space<vmem>>, vector<16xf32>,
        tpu.vector_store %arg6[%swap3A_220, %swap3A_221], %gather3A_215 {strides = array<i32>} : memref<1024x16xf32, #tpu.memory_space<vmem>>, vector<16xf32>,
        %mul3A_223 = arith.constant 512 : i32
        %mul3A_224 = arith.muli %scan3A_98, %mul3A_223 : i32
        %add3A_225 = arith.constant 36 : i32
        %add3A_226 = arith.addi %mul3A_224, %add3A_225 : i32
        %add3A_227 = vector.broadcast %add3A_226 : i32 to vector<16xi32>
        %add3A_228 = arith.addi %add3A_10, %add3A_227 : vector<16xi32>
        %gather3A_229 = tpu.vector_load_idx %arg4[%add3A_228] : memref<16384xf32, #tpu.memory_space<vmem>>[vector<16xi32>], vector<16xf32>,
        %mul3A_230 = arith.constant 32 : i32
        %mul3A_231 = arith.muli %scan3A_98, %mul3A_230 : i32
        %add3A_232 = arith.constant 9 : i32
        %add3A_233 = arith.addi %mul3A_231, %add3A_232 : i32
        %swap3A_234 = arith.index_cast %add3A_233 : i32 to index
        %swap3A_235 = arith.constant 0 : index
        %swap3A_236 = tpu.vector_load %arg6[%swap3A_234, %swap3A_235] {strides = array<i32>} : memref<1024x16xf32, #tpu.memory_space<vmem>>, vector<16xf32>,
        tpu.vector_store %arg6[%swap3A_234, %swap3A_235], %gather3A_229 {strides = array<i32>} : memref<1024x16xf32, #tpu.memory_space<vmem>>, vector<16xf32>,
        %mul3A_237 = arith.constant 512 : i32
        %mul3A_238 = arith.muli %scan3A_98, %mul3A_237 : i32
        %add3A_239 = arith.constant 40 : i32
        %add3A_240 = arith.addi %mul3A_238, %add3A_239 : i32
        %add3A_241 = vector.broadcast %add3A_240 : i32 to vector<16xi32>
        %add3A_242 = arith.addi %add3A_10, %add3A_241 : vector<16xi32>
        %gather3A_243 = tpu.vector_load_idx %arg4[%add3A_242] : memref<16384xf32, #tpu.memory_space<vmem>>[vector<16xi32>], vector<16xf32>,
        %mul3A_244 = arith.constant 32 : i32
        %mul3A_245 = arith.muli %scan3A_98, %mul3A_244 : i32
        %add3A_246 = arith.constant 10 : i32
        %add3A_247 = arith.addi %mul3A_245, %add3A_246 : i32
        %swap3A_248 = arith.index_cast %add3A_247 : i32 to index
        %swap3A_249 = arith.constant 0 : index
        %swap3A_250 = tpu.vector_load %arg6[%swap3A_248, %swap3A_249] {strides = array<i32>} : memref<1024x16xf32, #tpu.memory_space<vmem>>, vector<16xf32>,
        tpu.vector_store %arg6[%swap3A_248, %swap3A_249], %gather3A_243 {strides = array<i32>} : memref<1024x16xf32, #tpu.memory_space<vmem>>, vector<16xf32>,
        %mul3A_251 = arith.constant 512 : i32
        %mul3A_252 = arith.muli %scan3A_98, %mul3A_251 : i32
        %add3A_253 = arith.constant 44 : i32
        %add3A_254 = arith.addi %mul3A_252, %add3A_253 : i32
        %add3A_255 = vector.broadcast %add3A_254 : i32 to vector<16xi32>
        %add3A_256 = arith.addi %add3A_10, %add3A_255 : vector<16xi32>
        %gather3A_257 = tpu.vector_load_idx %arg4[%add3A_256] : memref<16384xf32, #tpu.memory_space<vmem>>[vector<16xi32>], vector<16xf32>,
        %mul3A_258 = arith.constant 32 : i32
        %mul3A_259 = arith.muli %scan3A_98, %mul3A_258 : i32
        %add3A_260 = arith.constant 11 : i32
        %add3A_261 = arith.addi %mul3A_259, %add3A_260 : i32
        %swap3A_262 = arith.index_cast %add3A_261 : i32 to index
        %swap3A_263 = arith.constant 0 : index
        %swap3A_264 = tpu.vector_load %arg6[%swap3A_262, %swap3A_263] {strides = array<i32>} : memref<1024x16xf32, #tpu.memory_space<vmem>>, vector<16xf32>,
        tpu.vector_store %arg6[%swap3A_262, %swap3A_263], %gather3A_257 {strides = array<i32>} : memref<1024x16xf32, #tpu.memory_space<vmem>>, vector<16xf32>,
        %mul3A_265 = arith.constant 512 : i32
        %mul3A_266 = arith.muli %scan3A_98, %mul3A_265 : i32
        %add3A_267 = arith.constant 48 : i32
        %add3A_268 = arith.addi %mul3A_266, %add3A_267 : i32
        %add3A_269 = vector.broadcast %add3A_268 : i32 to vector<16xi32>
        %add3A_270 = arith.addi %add3A_10, %add3A_269 : vector<16xi32>
        %gather3A_271 = tpu.vector_load_idx %arg4[%add3A_270] : memref<16384xf32, #tpu.memory_space<vmem>>[vector<16xi32>], vector<16xf32>,
        %mul3A_272 = arith.constant 32 : i32
        %mul3A_273 = arith.muli %scan3A_98, %mul3A_272 : i32
        %add3A_274 = arith.constant 12 : i32
        %add3A_275 = arith.addi %mul3A_273, %add3A_274 : i32
        %swap3A_276 = arith.index_cast %add3A_275 : i32 to index
        %swap3A_277 = arith.constant 0 : index
        %swap3A_278 = tpu.vector_load %arg6[%swap3A_276, %swap3A_277] {strides = array<i32>} : memref<1024x16xf32, #tpu.memory_space<vmem>>, vector<16xf32>,
        tpu.vector_store %arg6[%swap3A_276, %swap3A_277], %gather3A_271 {strides = array<i32>} : memref<1024x16xf32, #tpu.memory_space<vmem>>, vector<16xf32>,
        %mul3A_279 = arith.constant 512 : i32
        %mul3A_280 = arith.muli %scan3A_98, %mul3A_279 : i32
        %add3A_281 = arith.constant 52 : i32
        %add3A_282 = arith.addi %mul3A_280, %add3A_281 : i32
        %add3A_283 = vector.broadcast %add3A_282 : i32 to vector<16xi32>
        %add3A_284 = arith.addi %add3A_10, %add3A_283 : vector<16xi32>
        %gather3A_285 = tpu.vector_load_idx %arg4[%add3A_284] : memref<16384xf32, #tpu.memory_space<vmem>>[vector<16xi32>], vector<16xf32>,
        %mul3A_286 = arith.constant 32 : i32
        %mul3A_287 = arith.muli %scan3A_98, %mul3A_286 : i32
        %add3A_288 = arith.constant 13 : i32
        %add3A_289 = arith.addi %mul3A_287, %add3A_288 : i32
        %swap3A_290 = arith.index_cast %add3A_289 : i32 to index
        %swap3A_291 = arith.constant 0 : index
        %swap3A_292 = tpu.vector_load %arg6[%swap3A_290, %swap3A_291] {strides = array<i32>} : memref<1024x16xf32, #tpu.memory_space<vmem>>, vector<16xf32>,
        tpu.vector_store %arg6[%swap3A_290, %swap3A_291], %gather3A_285 {strides = array<i32>} : memref<1024x16xf32, #tpu.memory_space<vmem>>, vector<16xf32>,
        %mul3A_293 = arith.constant 512 : i32
        %mul3A_294 = arith.muli %scan3A_98, %mul3A_293 : i32
        %add3A_295 = arith.constant 56 : i32
        %add3A_296 = arith.addi %mul3A_294, %add3A_295 : i32
        %add3A_297 = vector.broadcast %add3A_296 : i32 to vector<16xi32>
        %add3A_298 = arith.addi %add3A_10, %add3A_297 : vector<16xi32>
        %gather3A_299 = tpu.vector_load_idx %arg4[%add3A_298] : memref<16384xf32, #tpu.memory_space<vmem>>[vector<16xi32>], vector<16xf32>,
        %mul3A_300 = arith.constant 32 : i32
        %mul3A_301 = arith.muli %scan3A_98, %mul3A_300 : i32
        %add3A_302 = arith.constant 14 : i32
        %add3A_303 = arith.addi %mul3A_301, %add3A_302 : i32
        %swap3A_304 = arith.index_cast %add3A_303 : i32 to index
        %swap3A_305 = arith.constant 0 : index
        %swap3A_306 = tpu.vector_load %arg6[%swap3A_304, %swap3A_305] {strides = array<i32>} : memref<1024x16xf32, #tpu.memory_space<vmem>>, vector<16xf32>,
        tpu.vector_store %arg6[%swap3A_304, %swap3A_305], %gather3A_299 {strides = array<i32>} : memref<1024x16xf32, #tpu.memory_space<vmem>>, vector<16xf32>,
        %mul3A_307 = arith.constant 512 : i32
        %mul3A_308 = arith.muli %scan3A_98, %mul3A_307 : i32
        %add3A_309 = arith.constant 60 : i32
        %add3A_310 = arith.addi %mul3A_308, %add3A_309 : i32
        %add3A_311 = vector.broadcast %add3A_310 : i32 to vector<16xi32>
        %add3A_312 = arith.addi %add3A_10, %add3A_311 : vector<16xi32>
        %gather3A_313 = tpu.vector_load_idx %arg4[%add3A_312] : memref<16384xf32, #tpu.memory_space<vmem>>[vector<16xi32>], vector<16xf32>,
        %mul3A_314 = arith.constant 32 : i32
        %mul3A_315 = arith.muli %scan3A_98, %mul3A_314 : i32
        %add3A_316 = arith.constant 15 : i32
        %add3A_317 = arith.addi %mul3A_315, %add3A_316 : i32
        %swap3A_318 = arith.index_cast %add3A_317 : i32 to index
        %swap3A_319 = arith.constant 0 : index
        %swap3A_320 = tpu.vector_load %arg6[%swap3A_318, %swap3A_319] {strides = array<i32>} : memref<1024x16xf32, #tpu.memory_space<vmem>>, vector<16xf32>,
        tpu.vector_store %arg6[%swap3A_318, %swap3A_319], %gather3A_313 {strides = array<i32>} : memref<1024x16xf32, #tpu.memory_space<vmem>>, vector<16xf32>,
        %mul3A_321 = arith.constant 512 : i32
        %mul3A_322 = arith.muli %scan3A_98, %mul3A_321 : i32
        %add3A_323 = arith.constant 64 : i32
        %add3A_324 = arith.addi %mul3A_322, %add3A_323 : i32
        %add3A_325 = vector.broadcast %add3A_324 : i32 to vector<16xi32>
        %add3A_326 = arith.addi %add3A_10, %add3A_325 : vector<16xi32>
        %gather3A_327 = tpu.vector_load_idx %arg4[%add3A_326] : memref<16384xf32, #tpu.memory_space<vmem>>[vector<16xi32>], vector<16xf32>,
        %mul3A_328 = arith.constant 32 : i32
        %mul3A_329 = arith.muli %scan3A_98, %mul3A_328 : i32
        %add3A_330 = arith.constant 16 : i32
        %add3A_331 = arith.addi %mul3A_329, %add3A_330 : i32
        %swap3A_332 = arith.index_cast %add3A_331 : i32 to index
        %swap3A_333 = arith.constant 0 : index
        %swap3A_334 = tpu.vector_load %arg6[%swap3A_332, %swap3A_333] {strides = array<i32>} : memref<1024x16xf32, #tpu.memory_space<vmem>>, vector<16xf32>,
        tpu.vector_store %arg6[%swap3A_332, %swap3A_333], %gather3A_327 {strides = array<i32>} : memref<1024x16xf32, #tpu.memory_space<vmem>>, vector<16xf32>,
        %mul3A_335 = arith.constant 512 : i32
        %mul3A_336 = arith.muli %scan3A_98, %mul3A_335 : i32
        %add3A_337 = arith.constant 68 : i32
        %add3A_338 = arith.addi %mul3A_336, %add3A_337 : i32
        %add3A_339 = vector.broadcast %add3A_338 : i32 to vector<16xi32>
        %add3A_340 = arith.addi %add3A_10, %add3A_339 : vector<16xi32>
        %gather3A_341 = tpu.vector_load_idx %arg4[%add3A_340] : memref<16384xf32, #tpu.memory_space<vmem>>[vector<16xi32>], vector<16xf32>,
        %mul3A_342 = arith.constant 32 : i32
        %mul3A_343 = arith.muli %scan3A_98, %mul3A_342 : i32
        %add3A_344 = arith.constant 17 : i32
        %add3A_345 = arith.addi %mul3A_343, %add3A_344 : i32
        %swap3A_346 = arith.index_cast %add3A_345 : i32 to index
        %swap3A_347 = arith.constant 0 : index
        %swap3A_348 = tpu.vector_load %arg6[%swap3A_346, %swap3A_347] {strides = array<i32>} : memref<1024x16xf32, #tpu.memory_space<vmem>>, vector<16xf32>,
        tpu.vector_store %arg6[%swap3A_346, %swap3A_347], %gather3A_341 {strides = array<i32>} : memref<1024x16xf32, #tpu.memory_space<vmem>>, vector<16xf32>,
        %mul3A_349 = arith.constant 512 : i32
        %mul3A_350 = arith.muli %scan3A_98, %mul3A_349 : i32
        %add3A_351 = arith.constant 72 : i32
        %add3A_352 = arith.addi %mul3A_350, %add3A_351 : i32
        %add3A_353 = vector.broadcast %add3A_352 : i32 to vector<16xi32>
        %add3A_354 = arith.addi %add3A_10, %add3A_353 : vector<16xi32>
        %gather3A_355 = tpu.vector_load_idx %arg4[%add3A_354] : memref<16384xf32, #tpu.memory_space<vmem>>[vector<16xi32>], vector<16xf32>,
        %mul3A_356 = arith.constant 32 : i32
        %mul3A_357 = arith.muli %scan3A_98, %mul3A_356 : i32
        %add3A_358 = arith.constant 18 : i32
        %add3A_359 = arith.addi %mul3A_357, %add3A_358 : i32
        %swap3A_360 = arith.index_cast %add3A_359 : i32 to index
        %swap3A_361 = arith.constant 0 : index
        %swap3A_362 = tpu.vector_load %arg6[%swap3A_360, %swap3A_361] {strides = array<i32>} : memref<1024x16xf32, #tpu.memory_space<vmem>>, vector<16xf32>,
        tpu.vector_store %arg6[%swap3A_360, %swap3A_361], %gather3A_355 {strides = array<i32>} : memref<1024x16xf32, #tpu.memory_space<vmem>>, vector<16xf32>,
        %mul3A_363 = arith.constant 512 : i32
        %mul3A_364 = arith.muli %scan3A_98, %mul3A_363 : i32
        %add3A_365 = arith.constant 76 : i32
        %add3A_366 = arith.addi %mul3A_364, %add3A_365 : i32
        %add3A_367 = vector.broadcast %add3A_366 : i32 to vector<16xi32>
        %add3A_368 = arith.addi %add3A_10, %add3A_367 : vector<16xi32>
        %gather3A_369 = tpu.vector_load_idx %arg4[%add3A_368] : memref<16384xf32, #tpu.memory_space<vmem>>[vector<16xi32>], vector<16xf32>,
        %mul3A_370 = arith.constant 32 : i32
        %mul3A_371 = arith.muli %scan3A_98, %mul3A_370 : i32
        %add3A_372 = arith.constant 19 : i32
        %add3A_373 = arith.addi %mul3A_371, %add3A_372 : i32
        %swap3A_374 = arith.index_cast %add3A_373 : i32 to index
        %swap3A_375 = arith.constant 0 : index
        %swap3A_376 = tpu.vector_load %arg6[%swap3A_374, %swap3A_375] {strides = array<i32>} : memref<1024x16xf32, #tpu.memory_space<vmem>>, vector<16xf32>,
        tpu.vector_store %arg6[%swap3A_374, %swap3A_375], %gather3A_369 {strides = array<i32>} : memref<1024x16xf32, #tpu.memory_space<vmem>>, vector<16xf32>,
        %mul3A_377 = arith.constant 512 : i32
        %mul3A_378 = arith.muli %scan3A_98, %mul3A_377 : i32
        %add3A_379 = arith.constant 80 : i32
        %add3A_380 = arith.addi %mul3A_378, %add3A_379 : i32
        %add3A_381 = vector.broadcast %add3A_380 : i32 to vector<16xi32>
        %add3A_382 = arith.addi %add3A_10, %add3A_381 : vector<16xi32>
        %gather3A_383 = tpu.vector_load_idx %arg4[%add3A_382] : memref<16384xf32, #tpu.memory_space<vmem>>[vector<16xi32>], vector<16xf32>,
        %mul3A_384 = arith.constant 32 : i32
        %mul3A_385 = arith.muli %scan3A_98, %mul3A_384 : i32
        %add3A_386 = arith.constant 20 : i32
        %add3A_387 = arith.addi %mul3A_385, %add3A_386 : i32
        %swap3A_388 = arith.index_cast %add3A_387 : i32 to index
        %swap3A_389 = arith.constant 0 : index
        %swap3A_390 = tpu.vector_load %arg6[%swap3A_388, %swap3A_389] {strides = array<i32>} : memref<1024x16xf32, #tpu.memory_space<vmem>>, vector<16xf32>,
        tpu.vector_store %arg6[%swap3A_388, %swap3A_389], %gather3A_383 {strides = array<i32>} : memref<1024x16xf32, #tpu.memory_space<vmem>>, vector<16xf32>,
        %mul3A_391 = arith.constant 512 : i32
        %mul3A_392 = arith.muli %scan3A_98, %mul3A_391 : i32
        %add3A_393 = arith.constant 84 : i32
        %add3A_394 = arith.addi %mul3A_392, %add3A_393 : i32
        %add3A_395 = vector.broadcast %add3A_394 : i32 to vector<16xi32>
        %add3A_396 = arith.addi %add3A_10, %add3A_395 : vector<16xi32>
        %gather3A_397 = tpu.vector_load_idx %arg4[%add3A_396] : memref<16384xf32, #tpu.memory_space<vmem>>[vector<16xi32>], vector<16xf32>,
        %mul3A_398 = arith.constant 32 : i32
        %mul3A_399 = arith.muli %scan3A_98, %mul3A_398 : i32
        %add3A_400 = arith.constant 21 : i32
        %add3A_401 = arith.addi %mul3A_399, %add3A_400 : i32
        %swap3A_402 = arith.index_cast %add3A_401 : i32 to index
        %swap3A_403 = arith.constant 0 : index
        %swap3A_404 = tpu.vector_load %arg6[%swap3A_402, %swap3A_403] {strides = array<i32>} : memref<1024x16xf32, #tpu.memory_space<vmem>>, vector<16xf32>,
        tpu.vector_store %arg6[%swap3A_402, %swap3A_403], %gather3A_397 {strides = array<i32>} : memref<1024x16xf32, #tpu.memory_space<vmem>>, vector<16xf32>,
        %mul3A_405 = arith.constant 512 : i32
        %mul3A_406 = arith.muli %scan3A_98, %mul3A_405 : i32
        %add3A_407 = arith.constant 88 : i32
        %add3A_408 = arith.addi %mul3A_406, %add3A_407 : i32
        %add3A_409 = vector.broadcast %add3A_408 : i32 to vector<16xi32>
        %add3A_410 = arith.addi %add3A_10, %add3A_409 : vector<16xi32>
        %gather3A_411 = tpu.vector_load_idx %arg4[%add3A_410] : memref<16384xf32, #tpu.memory_space<vmem>>[vector<16xi32>], vector<16xf32>,
        %mul3A_412 = arith.constant 32 : i32
        %mul3A_413 = arith.muli %scan3A_98, %mul3A_412 : i32
        %add3A_414 = arith.constant 22 : i32
        %add3A_415 = arith.addi %mul3A_413, %add3A_414 : i32
        %swap3A_416 = arith.index_cast %add3A_415 : i32 to index
        %swap3A_417 = arith.constant 0 : index
        %swap3A_418 = tpu.vector_load %arg6[%swap3A_416, %swap3A_417] {strides = array<i32>} : memref<1024x16xf32, #tpu.memory_space<vmem>>, vector<16xf32>,
        tpu.vector_store %arg6[%swap3A_416, %swap3A_417], %gather3A_411 {strides = array<i32>} : memref<1024x16xf32, #tpu.memory_space<vmem>>, vector<16xf32>,
        %mul3A_419 = arith.constant 512 : i32
        %mul3A_420 = arith.muli %scan3A_98, %mul3A_419 : i32
        %add3A_421 = arith.constant 92 : i32
        %add3A_422 = arith.addi %mul3A_420, %add3A_421 : i32
        %add3A_423 = vector.broadcast %add3A_422 : i32 to vector<16xi32>
        %add3A_424 = arith.addi %add3A_10, %add3A_423 : vector<16xi32>
        %gather3A_425 = tpu.vector_load_idx %arg4[%add3A_424] : memref<16384xf32, #tpu.memory_space<vmem>>[vector<16xi32>], vector<16xf32>,
        %mul3A_426 = arith.constant 32 : i32
        %mul3A_427 = arith.muli %scan3A_98, %mul3A_426 : i32
        %add3A_428 = arith.constant 23 : i32
        %add3A_429 = arith.addi %mul3A_427, %add3A_428 : i32
        %swap3A_430 = arith.index_cast %add3A_429 : i32 to index
        %swap3A_431 = arith.constant 0 : index
        %swap3A_432 = tpu.vector_load %arg6[%swap3A_430, %swap3A_431] {strides = array<i32>} : memref<1024x16xf32, #tpu.memory_space<vmem>>, vector<16xf32>,
        tpu.vector_store %arg6[%swap3A_430, %swap3A_431], %gather3A_425 {strides = array<i32>} : memref<1024x16xf32, #tpu.memory_space<vmem>>, vector<16xf32>,
        %mul3A_433 = arith.constant 512 : i32
        %mul3A_434 = arith.muli %scan3A_98, %mul3A_433 : i32
        %add3A_435 = arith.constant 96 : i32
        %add3A_436 = arith.addi %mul3A_434, %add3A_435 : i32
        %add3A_437 = vector.broadcast %add3A_436 : i32 to vector<16xi32>
        %add3A_438 = arith.addi %add3A_10, %add3A_437 : vector<16xi32>
        %gather3A_439 = tpu.vector_load_idx %arg4[%add3A_438] : memref<16384xf32, #tpu.memory_space<vmem>>[vector<16xi32>], vector<16xf32>,
        %mul3A_440 = arith.constant 32 : i32
        %mul3A_441 = arith.muli %scan3A_98, %mul3A_440 : i32
        %add3A_442 = arith.constant 24 : i32
        %add3A_443 = arith.addi %mul3A_441, %add3A_442 : i32
        %swap3A_444 = arith.index_cast %add3A_443 : i32 to index
        %swap3A_445 = arith.constant 0 : index
        %swap3A_446 = tpu.vector_load %arg6[%swap3A_444, %swap3A_445] {strides = array<i32>} : memref<1024x16xf32, #tpu.memory_space<vmem>>, vector<16xf32>,
        tpu.vector_store %arg6[%swap3A_444, %swap3A_445], %gather3A_439 {strides = array<i32>} : memref<1024x16xf32, #tpu.memory_space<vmem>>, vector<16xf32>,
        %mul3A_447 = arith.constant 512 : i32
        %mul3A_448 = arith.muli %scan3A_98, %mul3A_447 : i32
        %add3A_449 = arith.constant 100 : i32
        %add3A_450 = arith.addi %mul3A_448, %add3A_449 : i32
        %add3A_451 = vector.broadcast %add3A_450 : i32 to vector<16xi32>
        %add3A_452 = arith.addi %add3A_10, %add3A_451 : vector<16xi32>
        %gather3A_453 = tpu.vector_load_idx %arg4[%add3A_452] : memref<16384xf32, #tpu.memory_space<vmem>>[vector<16xi32>], vector<16xf32>,
        %mul3A_454 = arith.constant 32 : i32
        %mul3A_455 = arith.muli %scan3A_98, %mul3A_454 : i32
        %add3A_456 = arith.constant 25 : i32
        %add3A_457 = arith.addi %mul3A_455, %add3A_456 : i32
        %swap3A_458 = arith.index_cast %add3A_457 : i32 to index
        %swap3A_459 = arith.constant 0 : index
        %swap3A_460 = tpu.vector_load %arg6[%swap3A_458, %swap3A_459] {strides = array<i32>} : memref<1024x16xf32, #tpu.memory_space<vmem>>, vector<16xf32>,
        tpu.vector_store %arg6[%swap3A_458, %swap3A_459], %gather3A_453 {strides = array<i32>} : memref<1024x16xf32, #tpu.memory_space<vmem>>, vector<16xf32>,
        %mul3A_461 = arith.constant 512 : i32
        %mul3A_462 = arith.muli %scan3A_98, %mul3A_461 : i32
        %add3A_463 = arith.constant 104 : i32
        %add3A_464 = arith.addi %mul3A_462, %add3A_463 : i32
        %add3A_465 = vector.broadcast %add3A_464 : i32 to vector<16xi32>
        %add3A_466 = arith.addi %add3A_10, %add3A_465 : vector<16xi32>
        %gather3A_467 = tpu.vector_load_idx %arg4[%add3A_466] : memref<16384xf32, #tpu.memory_space<vmem>>[vector<16xi32>], vector<16xf32>,
        %mul3A_468 = arith.constant 32 : i32
        %mul3A_469 = arith.muli %scan3A_98, %mul3A_468 : i32
        %add3A_470 = arith.constant 26 : i32
        %add3A_471 = arith.addi %mul3A_469, %add3A_470 : i32
        %swap3A_472 = arith.index_cast %add3A_471 : i32 to index
        %swap3A_473 = arith.constant 0 : index
        %swap3A_474 = tpu.vector_load %arg6[%swap3A_472, %swap3A_473] {strides = array<i32>} : memref<1024x16xf32, #tpu.memory_space<vmem>>, vector<16xf32>,
        tpu.vector_store %arg6[%swap3A_472, %swap3A_473], %gather3A_467 {strides = array<i32>} : memref<1024x16xf32, #tpu.memory_space<vmem>>, vector<16xf32>,
        %mul3A_475 = arith.constant 512 : i32
        %mul3A_476 = arith.muli %scan3A_98, %mul3A_475 : i32
        %add3A_477 = arith.constant 108 : i32
        %add3A_478 = arith.addi %mul3A_476, %add3A_477 : i32
        %add3A_479 = vector.broadcast %add3A_478 : i32 to vector<16xi32>
        %add3A_480 = arith.addi %add3A_10, %add3A_479 : vector<16xi32>
        %gather3A_481 = tpu.vector_load_idx %arg4[%add3A_480] : memref<16384xf32, #tpu.memory_space<vmem>>[vector<16xi32>], vector<16xf32>,
        %mul3A_482 = arith.constant 32 : i32
        %mul3A_483 = arith.muli %scan3A_98, %mul3A_482 : i32
        %add3A_484 = arith.constant 27 : i32
        %add3A_485 = arith.addi %mul3A_483, %add3A_484 : i32
        %swap3A_486 = arith.index_cast %add3A_485 : i32 to index
        %swap3A_487 = arith.constant 0 : index
        %swap3A_488 = tpu.vector_load %arg6[%swap3A_486, %swap3A_487] {strides = array<i32>} : memref<1024x16xf32, #tpu.memory_space<vmem>>, vector<16xf32>,
        tpu.vector_store %arg6[%swap3A_486, %swap3A_487], %gather3A_481 {strides = array<i32>} : memref<1024x16xf32, #tpu.memory_space<vmem>>, vector<16xf32>,
        %mul3A_489 = arith.constant 512 : i32
        %mul3A_490 = arith.muli %scan3A_98, %mul3A_489 : i32
        %add3A_491 = arith.constant 112 : i32
        %add3A_492 = arith.addi %mul3A_490, %add3A_491 : i32
        %add3A_493 = vector.broadcast %add3A_492 : i32 to vector<16xi32>
        %add3A_494 = arith.addi %add3A_10, %add3A_493 : vector<16xi32>
        %gather3A_495 = tpu.vector_load_idx %arg4[%add3A_494] : memref<16384xf32, #tpu.memory_space<vmem>>[vector<16xi32>], vector<16xf32>,
        %mul3A_496 = arith.constant 32 : i32
        %mul3A_497 = arith.muli %scan3A_98, %mul3A_496 : i32
        %add3A_498 = arith.constant 28 : i32
        %add3A_499 = arith.addi %mul3A_497, %add3A_498 : i32
        %swap3A_500 = arith.index_cast %add3A_499 : i32 to index
        %swap3A_501 = arith.constant 0 : index
        %swap3A_502 = tpu.vector_load %arg6[%swap3A_500, %swap3A_501] {strides = array<i32>} : memref<1024x16xf32, #tpu.memory_space<vmem>>, vector<16xf32>,
        tpu.vector_store %arg6[%swap3A_500, %swap3A_501], %gather3A_495 {strides = array<i32>} : memref<1024x16xf32, #tpu.memory_space<vmem>>, vector<16xf32>,
        %mul3A_503 = arith.constant 512 : i32
        %mul3A_504 = arith.muli %scan3A_98, %mul3A_503 : i32
        %add3A_505 = arith.constant 116 : i32
        %add3A_506 = arith.addi %mul3A_504, %add3A_505 : i32
        %add3A_507 = vector.broadcast %add3A_506 : i32 to vector<16xi32>
        %add3A_508 = arith.addi %add3A_10, %add3A_507 : vector<16xi32>
        %gather3A_509 = tpu.vector_load_idx %arg4[%add3A_508] : memref<16384xf32, #tpu.memory_space<vmem>>[vector<16xi32>], vector<16xf32>,
        %mul3A_510 = arith.constant 32 : i32
        %mul3A_511 = arith.muli %scan3A_98, %mul3A_510 : i32
        %add3A_512 = arith.constant 29 : i32
        %add3A_513 = arith.addi %mul3A_511, %add3A_512 : i32
        %swap3A_514 = arith.index_cast %add3A_513 : i32 to index
        %swap3A_515 = arith.constant 0 : index
        %swap3A_516 = tpu.vector_load %arg6[%swap3A_514, %swap3A_515] {strides = array<i32>} : memref<1024x16xf32, #tpu.memory_space<vmem>>, vector<16xf32>,
        tpu.vector_store %arg6[%swap3A_514, %swap3A_515], %gather3A_509 {strides = array<i32>} : memref<1024x16xf32, #tpu.memory_space<vmem>>, vector<16xf32>,
        %mul3A_517 = arith.constant 512 : i32
        %mul3A_518 = arith.muli %scan3A_98, %mul3A_517 : i32
        %add3A_519 = arith.constant 120 : i32
        %add3A_520 = arith.addi %mul3A_518, %add3A_519 : i32
        %add3A_521 = vector.broadcast %add3A_520 : i32 to vector<16xi32>
        %add3A_522 = arith.addi %add3A_10, %add3A_521 : vector<16xi32>
        %gather3A_523 = tpu.vector_load_idx %arg4[%add3A_522] : memref<16384xf32, #tpu.memory_space<vmem>>[vector<16xi32>], vector<16xf32>,
        %mul3A_524 = arith.constant 32 : i32
        %mul3A_525 = arith.muli %scan3A_98, %mul3A_524 : i32
        %add3A_526 = arith.constant 30 : i32
        %add3A_527 = arith.addi %mul3A_525, %add3A_526 : i32
        %swap3A_528 = arith.index_cast %add3A_527 : i32 to index
        %swap3A_529 = arith.constant 0 : index
        %swap3A_530 = tpu.vector_load %arg6[%swap3A_528, %swap3A_529] {strides = array<i32>} : memref<1024x16xf32, #tpu.memory_space<vmem>>, vector<16xf32>,
        tpu.vector_store %arg6[%swap3A_528, %swap3A_529], %gather3A_523 {strides = array<i32>} : memref<1024x16xf32, #tpu.memory_space<vmem>>, vector<16xf32>,
        %mul3A_531 = arith.constant 512 : i32
        %mul3A_532 = arith.muli %scan3A_98, %mul3A_531 : i32
        %add3A_533 = arith.constant 124 : i32
        %add3A_534 = arith.addi %mul3A_532, %add3A_533 : i32
        %add3A_535 = vector.broadcast %add3A_534 : i32 to vector<16xi32>
        %add3A_536 = arith.addi %add3A_10, %add3A_535 : vector<16xi32>
        %gather3A_537 = tpu.vector_load_idx %arg4[%add3A_536] : memref<16384xf32, #tpu.memory_space<vmem>>[vector<16xi32>], vector<16xf32>,
        %mul3A_538 = arith.constant 32 : i32
        %mul3A_539 = arith.muli %scan3A_98, %mul3A_538 : i32
        %add3A_540 = arith.constant 31 : i32
        %add3A_541 = arith.addi %mul3A_539, %add3A_540 : i32
        %swap3A_542 = arith.index_cast %add3A_541 : i32 to index
        %swap3A_543 = arith.constant 0 : index
        %swap3A_544 = tpu.vector_load %arg6[%swap3A_542, %swap3A_543] {strides = array<i32>} : memref<1024x16xf32, #tpu.memory_space<vmem>>, vector<16xf32>,
        tpu.vector_store %arg6[%swap3A_542, %swap3A_543], %gather3A_537 {strides = array<i32>} : memref<1024x16xf32, #tpu.memory_space<vmem>>, vector<16xf32>,
      }
      %scan3A_56 = arith.constant 32 : i32
      %mul3A_57 = arith.constant 32 : i32
      %mul3A_58 = arith.muli %mul3A_34, %mul3A_57 : i32
      %add3A_59 = arith.addi %mul3A_2, %mul3A_58 : i32
      %multiple_of3A_60 = tpu.assume_multiple %add3A_59, 32 : i32
      %mul3A_61 = arith.constant 32 : i32
      %mul3A_62 = arith.muli %multiple_of3A_60, %mul3A_61 : i32
      %dma_start3A_63 = arith.constant 0 : i32
      %dma_start3A_64 = tpu.memref_slice %arg3[%mul3A_62, %dma_start3A_63] : memref<1048576x16xf32, #tpu.memory_space<hbm>> -> memref<1024x16xf32, #tpu.memory_space<hbm>>
      %dma_start3A_65 = arith.constant 0 : i32
      %dma_start3A_66 = tpu.memref_slice %arg3[%mul3A_62, %dma_start3A_65] : memref<1048576x16xf32, #tpu.memory_space<hbm>> -> memref<1024x16xf32, #tpu.memory_space<hbm>>
      tpu.enqueue_dma source(%arg6 : memref<1024x16xf32, #tpu.memory_space<vmem>>) target(%dma_start3A_66 : memref<1024x16xf32, #tpu.memory_space<hbm>>) target_semaphore(%arg10 : memref<!tpu.dma_semaphore, #tpu.memory_space<semaphore_mem>>)
      %lt3A = arith.constant 15 : i32
      %lt3A_67 = arith.cmpi slt, %scan3A_32, %lt3A : i32
      %convert_element_type3A_68 = arith.extui %lt3A_67 : i1 to i32
      %cond3A_69 = arith.constant 0 : i32
      %cond3A_70 = arith.cmpi ne, %convert_element_type3A_68, %cond3A_69 : i32
      scf.if %cond3A_70 {
        %add3A_98 = arith.constant 2 : i32
        %add3A_99 = arith.addi %mul3A_34, %add3A_98 : i32
        %mul3A_100 = arith.constant 32 : i32
        %mul3A_101 = arith.muli %add3A_99, %mul3A_100 : i32
        %add3A_102 = arith.addi %mul3A_2, %mul3A_101 : i32
        %multiple_of3A_103 = tpu.assume_multiple %add3A_102, 32 : i32
        %mul3A_104 = arith.constant 512 : i32
        %mul3A_105 = arith.muli %multiple_of3A_103, %mul3A_104 : i32
        %dma_start3A_106 = tpu.memref_slice %arg2[%mul3A_105] : memref<16777216xf32, #tpu.memory_space<hbm>> -> memref<16384xf32, #tpu.memory_space<hbm>>
        %dma_start3A_107 = tpu.memref_slice %arg2[%mul3A_105] : memref<16777216xf32, #tpu.memory_space<hbm>> -> memref<16384xf32, #tpu.memory_space<hbm>>
        tpu.enqueue_dma source(%dma_start3A_107 : memref<16384xf32, #tpu.memory_space<hbm>>) target(%arg4 : memref<16384xf32, #tpu.memory_space<vmem>>) target_semaphore(%arg8 : memref<!tpu.dma_semaphore, #tpu.memory_space<semaphore_mem>>)
      } else {
      }
      %dma_wait3A_71 = arith.constant 0 : i32
      %dma_wait3A_72 = tpu.memref_slice %arg2[%dma_wait3A_71] : memref<16777216xf32, #tpu.memory_space<hbm>> -> memref<16384xf32, #tpu.memory_space<hbm>>
      %dma_wait3A_73 = arith.constant 0 : i32
      %dma_wait3A_74 = tpu.memref_slice %arg2[%dma_wait3A_73] : memref<16777216xf32, #tpu.memory_space<hbm>> -> memref<16384xf32, #tpu.memory_space<hbm>>
      tpu.wait_dma2 semaphore(%arg9 : memref<!tpu.dma_semaphore, #tpu.memory_space<semaphore_mem>>) src(%dma_wait3A_74 : memref<16384xf32, #tpu.memory_space<hbm>>) dst(%arg5 : memref<16384xf32, #tpu.memory_space<vmem>>)
      %gt3A_75 = arith.constant 0 : i32
      %gt3A_76 = arith.cmpi sgt, %scan3A_32, %gt3A_75 : i32
      %convert_element_type3A_77 = arith.extui %gt3A_76 : i1 to i32
      %cond3A_78 = arith.constant 0 : i32
      %cond3A_79 = arith.cmpi ne, %convert_element_type3A_77, %cond3A_78 : i32
      scf.if %cond3A_79 {
        %dma_wait3A_98 = arith.constant 0 : i32
        %dma_wait3A_99 = arith.constant 0 : i32
        %dma_wait3A_100 = tpu.memref_slice %arg3[%dma_wait3A_98, %dma_wait3A_99] : memref<1048576x16xf32, #tpu.memory_space<hbm>> -> memref<1024x16xf32, #tpu.memory_space<hbm>>
        %dma_wait3A_101 = arith.constant 0 : i32
        %dma_wait3A_102 = arith.constant 0 : i32
        %dma_wait3A_103 = tpu.memref_slice %arg3[%dma_wait3A_101, %dma_wait3A_102] : memref<1048576x16xf32, #tpu.memory_space<hbm>> -> memref<1024x16xf32, #tpu.memory_space<hbm>>
        tpu.wait_dma2 semaphore(%arg11 : memref<!tpu.dma_semaphore, #tpu.memory_space<semaphore_mem>>) src(%arg7 : memref<1024x16xf32, #tpu.memory_space<vmem>>) dst(%dma_wait3A_103 : memref<1024x16xf32, #tpu.memory_space<hbm>>)
      } else {
      }
      %scan3A_80 = arith.constant 0 : i32
      %scan3A_81 = arith.constant 0 : i32
      %scan3A_82 = arith.constant 32 : i32
      %scan3A_83 = arith.addi %scan3A_81, %scan3A_82 : i32
      %scan3A_84 = arith.constant 1 : i32
      scf.for %scan3A_98 = %scan3A_81 to %scan3A_83 step %scan3A_84  : i32 {
        %mul3A_99 = arith.constant 512 : i32
        %mul3A_100 = arith.muli %scan3A_98, %mul3A_99 : i32
        %add3A_101 = arith.constant 0 : i32
        %add3A_102 = arith.addi %mul3A_100, %add3A_101 : i32
        %add3A_103 = vector.broadcast %add3A_102 : i32 to vector<16xi32>
        %add3A_104 = arith.addi %add3A_10, %add3A_103 : vector<16xi32>
        %gather3A = tpu.vector_load_idx %arg5[%add3A_104] : memref<16384xf32, #tpu.memory_space<vmem>>[vector<16xi32>], vector<16xf32>,
        %mul3A_105 = arith.constant 32 : i32
        %mul3A_106 = arith.muli %scan3A_98, %mul3A_105 : i32
        %add3A_107 = arith.constant 0 : i32
        %add3A_108 = arith.addi %mul3A_106, %add3A_107 : i32
        %swap3A = arith.index_cast %add3A_108 : i32 to index
        %swap3A_109 = arith.constant 0 : index
        %swap3A_110 = tpu.vector_load %arg7[%swap3A, %swap3A_109] {strides = array<i32>} : memref<1024x16xf32, #tpu.memory_space<vmem>>, vector<16xf32>,
        tpu.vector_store %arg7[%swap3A, %swap3A_109], %gather3A {strides = array<i32>} : memref<1024x16xf32, #tpu.memory_space<vmem>>, vector<16xf32>,
        %mul3A_111 = arith.constant 512 : i32
        %mul3A_112 = arith.muli %scan3A_98, %mul3A_111 : i32
        %add3A_113 = arith.constant 4 : i32
        %add3A_114 = arith.addi %mul3A_112, %add3A_113 : i32
        %add3A_115 = vector.broadcast %add3A_114 : i32 to vector<16xi32>
        %add3A_116 = arith.addi %add3A_10, %add3A_115 : vector<16xi32>
        %gather3A_117 = tpu.vector_load_idx %arg5[%add3A_116] : memref<16384xf32, #tpu.memory_space<vmem>>[vector<16xi32>], vector<16xf32>,
        %mul3A_118 = arith.constant 32 : i32
        %mul3A_119 = arith.muli %scan3A_98, %mul3A_118 : i32
        %add3A_120 = arith.constant 1 : i32
        %add3A_121 = arith.addi %mul3A_119, %add3A_120 : i32
        %swap3A_122 = arith.index_cast %add3A_121 : i32 to index
        %swap3A_123 = arith.constant 0 : index
        %swap3A_124 = tpu.vector_load %arg7[%swap3A_122, %swap3A_123] {strides = array<i32>} : memref<1024x16xf32, #tpu.memory_space<vmem>>, vector<16xf32>,
        tpu.vector_store %arg7[%swap3A_122, %swap3A_123], %gather3A_117 {strides = array<i32>} : memref<1024x16xf32, #tpu.memory_space<vmem>>, vector<16xf32>,
        %mul3A_125 = arith.constant 512 : i32
        %mul3A_126 = arith.muli %scan3A_98, %mul3A_125 : i32
        %add3A_127 = arith.constant 8 : i32
        %add3A_128 = arith.addi %mul3A_126, %add3A_127 : i32
        %add3A_129 = vector.broadcast %add3A_128 : i32 to vector<16xi32>
        %add3A_130 = arith.addi %add3A_10, %add3A_129 : vector<16xi32>
        %gather3A_131 = tpu.vector_load_idx %arg5[%add3A_130] : memref<16384xf32, #tpu.memory_space<vmem>>[vector<16xi32>], vector<16xf32>,
        %mul3A_132 = arith.constant 32 : i32
        %mul3A_133 = arith.muli %scan3A_98, %mul3A_132 : i32
        %add3A_134 = arith.constant 2 : i32
        %add3A_135 = arith.addi %mul3A_133, %add3A_134 : i32
        %swap3A_136 = arith.index_cast %add3A_135 : i32 to index
        %swap3A_137 = arith.constant 0 : index
        %swap3A_138 = tpu.vector_load %arg7[%swap3A_136, %swap3A_137] {strides = array<i32>} : memref<1024x16xf32, #tpu.memory_space<vmem>>, vector<16xf32>,
        tpu.vector_store %arg7[%swap3A_136, %swap3A_137], %gather3A_131 {strides = array<i32>} : memref<1024x16xf32, #tpu.memory_space<vmem>>, vector<16xf32>,
        %mul3A_139 = arith.constant 512 : i32
        %mul3A_140 = arith.muli %scan3A_98, %mul3A_139 : i32
        %add3A_141 = arith.constant 12 : i32
        %add3A_142 = arith.addi %mul3A_140, %add3A_141 : i32
        %add3A_143 = vector.broadcast %add3A_142 : i32 to vector<16xi32>
        %add3A_144 = arith.addi %add3A_10, %add3A_143 : vector<16xi32>
        %gather3A_145 = tpu.vector_load_idx %arg5[%add3A_144] : memref<16384xf32, #tpu.memory_space<vmem>>[vector<16xi32>], vector<16xf32>,
        %mul3A_146 = arith.constant 32 : i32
        %mul3A_147 = arith.muli %scan3A_98, %mul3A_146 : i32
        %add3A_148 = arith.constant 3 : i32
        %add3A_149 = arith.addi %mul3A_147, %add3A_148 : i32
        %swap3A_150 = arith.index_cast %add3A_149 : i32 to index
        %swap3A_151 = arith.constant 0 : index
        %swap3A_152 = tpu.vector_load %arg7[%swap3A_150, %swap3A_151] {strides = array<i32>} : memref<1024x16xf32, #tpu.memory_space<vmem>>, vector<16xf32>,
        tpu.vector_store %arg7[%swap3A_150, %swap3A_151], %gather3A_145 {strides = array<i32>} : memref<1024x16xf32, #tpu.memory_space<vmem>>, vector<16xf32>,
        %mul3A_153 = arith.constant 512 : i32
        %mul3A_154 = arith.muli %scan3A_98, %mul3A_153 : i32
        %add3A_155 = arith.constant 16 : i32
        %add3A_156 = arith.addi %mul3A_154, %add3A_155 : i32
        %add3A_157 = vector.broadcast %add3A_156 : i32 to vector<16xi32>
        %add3A_158 = arith.addi %add3A_10, %add3A_157 : vector<16xi32>
        %gather3A_159 = tpu.vector_load_idx %arg5[%add3A_158] : memref<16384xf32, #tpu.memory_space<vmem>>[vector<16xi32>], vector<16xf32>,
        %mul3A_160 = arith.constant 32 : i32
        %mul3A_161 = arith.muli %scan3A_98, %mul3A_160 : i32
        %add3A_162 = arith.constant 4 : i32
        %add3A_163 = arith.addi %mul3A_161, %add3A_162 : i32
        %swap3A_164 = arith.index_cast %add3A_163 : i32 to index
        %swap3A_165 = arith.constant 0 : index
        %swap3A_166 = tpu.vector_load %arg7[%swap3A_164, %swap3A_165] {strides = array<i32>} : memref<1024x16xf32, #tpu.memory_space<vmem>>, vector<16xf32>,
        tpu.vector_store %arg7[%swap3A_164, %swap3A_165], %gather3A_159 {strides = array<i32>} : memref<1024x16xf32, #tpu.memory_space<vmem>>, vector<16xf32>,
        %mul3A_167 = arith.constant 512 : i32
        %mul3A_168 = arith.muli %scan3A_98, %mul3A_167 : i32
        %add3A_169 = arith.constant 20 : i32
        %add3A_170 = arith.addi %mul3A_168, %add3A_169 : i32
        %add3A_171 = vector.broadcast %add3A_170 : i32 to vector<16xi32>
        %add3A_172 = arith.addi %add3A_10, %add3A_171 : vector<16xi32>
        %gather3A_173 = tpu.vector_load_idx %arg5[%add3A_172] : memref<16384xf32, #tpu.memory_space<vmem>>[vector<16xi32>], vector<16xf32>,
        %mul3A_174 = arith.constant 32 : i32
        %mul3A_175 = arith.muli %scan3A_98, %mul3A_174 : i32
        %add3A_176 = arith.constant 5 : i32
        %add3A_177 = arith.addi %mul3A_175, %add3A_176 : i32
        %swap3A_178 = arith.index_cast %add3A_177 : i32 to index
        %swap3A_179 = arith.constant 0 : index
        %swap3A_180 = tpu.vector_load %arg7[%swap3A_178, %swap3A_179] {strides = array<i32>} : memref<1024x16xf32, #tpu.memory_space<vmem>>, vector<16xf32>,
        tpu.vector_store %arg7[%swap3A_178, %swap3A_179], %gather3A_173 {strides = array<i32>} : memref<1024x16xf32, #tpu.memory_space<vmem>>, vector<16xf32>,
        %mul3A_181 = arith.constant 512 : i32
        %mul3A_182 = arith.muli %scan3A_98, %mul3A_181 : i32
        %add3A_183 = arith.constant 24 : i32
        %add3A_184 = arith.addi %mul3A_182, %add3A_183 : i32
        %add3A_185 = vector.broadcast %add3A_184 : i32 to vector<16xi32>
        %add3A_186 = arith.addi %add3A_10, %add3A_185 : vector<16xi32>
        %gather3A_187 = tpu.vector_load_idx %arg5[%add3A_186] : memref<16384xf32, #tpu.memory_space<vmem>>[vector<16xi32>], vector<16xf32>,
        %mul3A_188 = arith.constant 32 : i32
        %mul3A_189 = arith.muli %scan3A_98, %mul3A_188 : i32
        %add3A_190 = arith.constant 6 : i32
        %add3A_191 = arith.addi %mul3A_189, %add3A_190 : i32
        %swap3A_192 = arith.index_cast %add3A_191 : i32 to index
        %swap3A_193 = arith.constant 0 : index
        %swap3A_194 = tpu.vector_load %arg7[%swap3A_192, %swap3A_193] {strides = array<i32>} : memref<1024x16xf32, #tpu.memory_space<vmem>>, vector<16xf32>,
        tpu.vector_store %arg7[%swap3A_192, %swap3A_193], %gather3A_187 {strides = array<i32>} : memref<1024x16xf32, #tpu.memory_space<vmem>>, vector<16xf32>,
        %mul3A_195 = arith.constant 512 : i32
        %mul3A_196 = arith.muli %scan3A_98, %mul3A_195 : i32
        %add3A_197 = arith.constant 28 : i32
        %add3A_198 = arith.addi %mul3A_196, %add3A_197 : i32
        %add3A_199 = vector.broadcast %add3A_198 : i32 to vector<16xi32>
        %add3A_200 = arith.addi %add3A_10, %add3A_199 : vector<16xi32>
        %gather3A_201 = tpu.vector_load_idx %arg5[%add3A_200] : memref<16384xf32, #tpu.memory_space<vmem>>[vector<16xi32>], vector<16xf32>,
        %mul3A_202 = arith.constant 32 : i32
        %mul3A_203 = arith.muli %scan3A_98, %mul3A_202 : i32
        %add3A_204 = arith.constant 7 : i32
        %add3A_205 = arith.addi %mul3A_203, %add3A_204 : i32
        %swap3A_206 = arith.index_cast %add3A_205 : i32 to index
        %swap3A_207 = arith.constant 0 : index
        %swap3A_208 = tpu.vector_load %arg7[%swap3A_206, %swap3A_207] {strides = array<i32>} : memref<1024x16xf32, #tpu.memory_space<vmem>>, vector<16xf32>,
        tpu.vector_store %arg7[%swap3A_206, %swap3A_207], %gather3A_201 {strides = array<i32>} : memref<1024x16xf32, #tpu.memory_space<vmem>>, vector<16xf32>,
        %mul3A_209 = arith.constant 512 : i32
        %mul3A_210 = arith.muli %scan3A_98, %mul3A_209 : i32
        %add3A_211 = arith.constant 32 : i32
        %add3A_212 = arith.addi %mul3A_210, %add3A_211 : i32
        %add3A_213 = vector.broadcast %add3A_212 : i32 to vector<16xi32>
        %add3A_214 = arith.addi %add3A_10, %add3A_213 : vector<16xi32>
        %gather3A_215 = tpu.vector_load_idx %arg5[%add3A_214] : memref<16384xf32, #tpu.memory_space<vmem>>[vector<16xi32>], vector<16xf32>,
        %mul3A_216 = arith.constant 32 : i32
        %mul3A_217 = arith.muli %scan3A_98, %mul3A_216 : i32
        %add3A_218 = arith.constant 8 : i32
        %add3A_219 = arith.addi %mul3A_217, %add3A_218 : i32
        %swap3A_220 = arith.index_cast %add3A_219 : i32 to index
        %swap3A_221 = arith.constant 0 : index
        %swap3A_222 = tpu.vector_load %arg7[%swap3A_220, %swap3A_221] {strides = array<i32>} : memref<1024x16xf32, #tpu.memory_space<vmem>>, vector<16xf32>,
        tpu.vector_store %arg7[%swap3A_220, %swap3A_221], %gather3A_215 {strides = array<i32>} : memref<1024x16xf32, #tpu.memory_space<vmem>>, vector<16xf32>,
        %mul3A_223 = arith.constant 512 : i32
        %mul3A_224 = arith.muli %scan3A_98, %mul3A_223 : i32
        %add3A_225 = arith.constant 36 : i32
        %add3A_226 = arith.addi %mul3A_224, %add3A_225 : i32
        %add3A_227 = vector.broadcast %add3A_226 : i32 to vector<16xi32>
        %add3A_228 = arith.addi %add3A_10, %add3A_227 : vector<16xi32>
        %gather3A_229 = tpu.vector_load_idx %arg5[%add3A_228] : memref<16384xf32, #tpu.memory_space<vmem>>[vector<16xi32>], vector<16xf32>,
        %mul3A_230 = arith.constant 32 : i32
        %mul3A_231 = arith.muli %scan3A_98, %mul3A_230 : i32
        %add3A_232 = arith.constant 9 : i32
        %add3A_233 = arith.addi %mul3A_231, %add3A_232 : i32
        %swap3A_234 = arith.index_cast %add3A_233 : i32 to index
        %swap3A_235 = arith.constant 0 : index
        %swap3A_236 = tpu.vector_load %arg7[%swap3A_234, %swap3A_235] {strides = array<i32>} : memref<1024x16xf32, #tpu.memory_space<vmem>>, vector<16xf32>,
        tpu.vector_store %arg7[%swap3A_234, %swap3A_235], %gather3A_229 {strides = array<i32>} : memref<1024x16xf32, #tpu.memory_space<vmem>>, vector<16xf32>,
        %mul3A_237 = arith.constant 512 : i32
        %mul3A_238 = arith.muli %scan3A_98, %mul3A_237 : i32
        %add3A_239 = arith.constant 40 : i32
        %add3A_240 = arith.addi %mul3A_238, %add3A_239 : i32
        %add3A_241 = vector.broadcast %add3A_240 : i32 to vector<16xi32>
        %add3A_242 = arith.addi %add3A_10, %add3A_241 : vector<16xi32>
        %gather3A_243 = tpu.vector_load_idx %arg5[%add3A_242] : memref<16384xf32, #tpu.memory_space<vmem>>[vector<16xi32>], vector<16xf32>,
        %mul3A_244 = arith.constant 32 : i32
        %mul3A_245 = arith.muli %scan3A_98, %mul3A_244 : i32
        %add3A_246 = arith.constant 10 : i32
        %add3A_247 = arith.addi %mul3A_245, %add3A_246 : i32
        %swap3A_248 = arith.index_cast %add3A_247 : i32 to index
        %swap3A_249 = arith.constant 0 : index
        %swap3A_250 = tpu.vector_load %arg7[%swap3A_248, %swap3A_249] {strides = array<i32>} : memref<1024x16xf32, #tpu.memory_space<vmem>>, vector<16xf32>,
        tpu.vector_store %arg7[%swap3A_248, %swap3A_249], %gather3A_243 {strides = array<i32>} : memref<1024x16xf32, #tpu.memory_space<vmem>>, vector<16xf32>,
        %mul3A_251 = arith.constant 512 : i32
        %mul3A_252 = arith.muli %scan3A_98, %mul3A_251 : i32
        %add3A_253 = arith.constant 44 : i32
        %add3A_254 = arith.addi %mul3A_252, %add3A_253 : i32
        %add3A_255 = vector.broadcast %add3A_254 : i32 to vector<16xi32>
        %add3A_256 = arith.addi %add3A_10, %add3A_255 : vector<16xi32>
        %gather3A_257 = tpu.vector_load_idx %arg5[%add3A_256] : memref<16384xf32, #tpu.memory_space<vmem>>[vector<16xi32>], vector<16xf32>,
        %mul3A_258 = arith.constant 32 : i32
        %mul3A_259 = arith.muli %scan3A_98, %mul3A_258 : i32
        %add3A_260 = arith.constant 11 : i32
        %add3A_261 = arith.addi %mul3A_259, %add3A_260 : i32
        %swap3A_262 = arith.index_cast %add3A_261 : i32 to index
        %swap3A_263 = arith.constant 0 : index
        %swap3A_264 = tpu.vector_load %arg7[%swap3A_262, %swap3A_263] {strides = array<i32>} : memref<1024x16xf32, #tpu.memory_space<vmem>>, vector<16xf32>,
        tpu.vector_store %arg7[%swap3A_262, %swap3A_263], %gather3A_257 {strides = array<i32>} : memref<1024x16xf32, #tpu.memory_space<vmem>>, vector<16xf32>,
        %mul3A_265 = arith.constant 512 : i32
        %mul3A_266 = arith.muli %scan3A_98, %mul3A_265 : i32
        %add3A_267 = arith.constant 48 : i32
        %add3A_268 = arith.addi %mul3A_266, %add3A_267 : i32
        %add3A_269 = vector.broadcast %add3A_268 : i32 to vector<16xi32>
        %add3A_270 = arith.addi %add3A_10, %add3A_269 : vector<16xi32>
        %gather3A_271 = tpu.vector_load_idx %arg5[%add3A_270] : memref<16384xf32, #tpu.memory_space<vmem>>[vector<16xi32>], vector<16xf32>,
        %mul3A_272 = arith.constant 32 : i32
        %mul3A_273 = arith.muli %scan3A_98, %mul3A_272 : i32
        %add3A_274 = arith.constant 12 : i32
        %add3A_275 = arith.addi %mul3A_273, %add3A_274 : i32
        %swap3A_276 = arith.index_cast %add3A_275 : i32 to index
        %swap3A_277 = arith.constant 0 : index
        %swap3A_278 = tpu.vector_load %arg7[%swap3A_276, %swap3A_277] {strides = array<i32>} : memref<1024x16xf32, #tpu.memory_space<vmem>>, vector<16xf32>,
        tpu.vector_store %arg7[%swap3A_276, %swap3A_277], %gather3A_271 {strides = array<i32>} : memref<1024x16xf32, #tpu.memory_space<vmem>>, vector<16xf32>,
        %mul3A_279 = arith.constant 512 : i32
        %mul3A_280 = arith.muli %scan3A_98, %mul3A_279 : i32
        %add3A_281 = arith.constant 52 : i32
        %add3A_282 = arith.addi %mul3A_280, %add3A_281 : i32
        %add3A_283 = vector.broadcast %add3A_282 : i32 to vector<16xi32>
        %add3A_284 = arith.addi %add3A_10, %add3A_283 : vector<16xi32>
        %gather3A_285 = tpu.vector_load_idx %arg5[%add3A_284] : memref<16384xf32, #tpu.memory_space<vmem>>[vector<16xi32>], vector<16xf32>,
        %mul3A_286 = arith.constant 32 : i32
        %mul3A_287 = arith.muli %scan3A_98, %mul3A_286 : i32
        %add3A_288 = arith.constant 13 : i32
        %add3A_289 = arith.addi %mul3A_287, %add3A_288 : i32
        %swap3A_290 = arith.index_cast %add3A_289 : i32 to index
        %swap3A_291 = arith.constant 0 : index
        %swap3A_292 = tpu.vector_load %arg7[%swap3A_290, %swap3A_291] {strides = array<i32>} : memref<1024x16xf32, #tpu.memory_space<vmem>>, vector<16xf32>,
        tpu.vector_store %arg7[%swap3A_290, %swap3A_291], %gather3A_285 {strides = array<i32>} : memref<1024x16xf32, #tpu.memory_space<vmem>>, vector<16xf32>,
        %mul3A_293 = arith.constant 512 : i32
        %mul3A_294 = arith.muli %scan3A_98, %mul3A_293 : i32
        %add3A_295 = arith.constant 56 : i32
        %add3A_296 = arith.addi %mul3A_294, %add3A_295 : i32
        %add3A_297 = vector.broadcast %add3A_296 : i32 to vector<16xi32>
        %add3A_298 = arith.addi %add3A_10, %add3A_297 : vector<16xi32>
        %gather3A_299 = tpu.vector_load_idx %arg5[%add3A_298] : memref<16384xf32, #tpu.memory_space<vmem>>[vector<16xi32>], vector<16xf32>,
        %mul3A_300 = arith.constant 32 : i32
        %mul3A_301 = arith.muli %scan3A_98, %mul3A_300 : i32
        %add3A_302 = arith.constant 14 : i32
        %add3A_303 = arith.addi %mul3A_301, %add3A_302 : i32
        %swap3A_304 = arith.index_cast %add3A_303 : i32 to index
        %swap3A_305 = arith.constant 0 : index
        %swap3A_306 = tpu.vector_load %arg7[%swap3A_304, %swap3A_305] {strides = array<i32>} : memref<1024x16xf32, #tpu.memory_space<vmem>>, vector<16xf32>,
        tpu.vector_store %arg7[%swap3A_304, %swap3A_305], %gather3A_299 {strides = array<i32>} : memref<1024x16xf32, #tpu.memory_space<vmem>>, vector<16xf32>,
        %mul3A_307 = arith.constant 512 : i32
        %mul3A_308 = arith.muli %scan3A_98, %mul3A_307 : i32
        %add3A_309 = arith.constant 60 : i32
        %add3A_310 = arith.addi %mul3A_308, %add3A_309 : i32
        %add3A_311 = vector.broadcast %add3A_310 : i32 to vector<16xi32>
        %add3A_312 = arith.addi %add3A_10, %add3A_311 : vector<16xi32>
        %gather3A_313 = tpu.vector_load_idx %arg5[%add3A_312] : memref<16384xf32, #tpu.memory_space<vmem>>[vector<16xi32>], vector<16xf32>,
        %mul3A_314 = arith.constant 32 : i32
        %mul3A_315 = arith.muli %scan3A_98, %mul3A_314 : i32
        %add3A_316 = arith.constant 15 : i32
        %add3A_317 = arith.addi %mul3A_315, %add3A_316 : i32
        %swap3A_318 = arith.index_cast %add3A_317 : i32 to index
        %swap3A_319 = arith.constant 0 : index
        %swap3A_320 = tpu.vector_load %arg7[%swap3A_318, %swap3A_319] {strides = array<i32>} : memref<1024x16xf32, #tpu.memory_space<vmem>>, vector<16xf32>,
        tpu.vector_store %arg7[%swap3A_318, %swap3A_319], %gather3A_313 {strides = array<i32>} : memref<1024x16xf32, #tpu.memory_space<vmem>>, vector<16xf32>,
        %mul3A_321 = arith.constant 512 : i32
        %mul3A_322 = arith.muli %scan3A_98, %mul3A_321 : i32
        %add3A_323 = arith.constant 64 : i32
        %add3A_324 = arith.addi %mul3A_322, %add3A_323 : i32
        %add3A_325 = vector.broadcast %add3A_324 : i32 to vector<16xi32>
        %add3A_326 = arith.addi %add3A_10, %add3A_325 : vector<16xi32>
        %gather3A_327 = tpu.vector_load_idx %arg5[%add3A_326] : memref<16384xf32, #tpu.memory_space<vmem>>[vector<16xi32>], vector<16xf32>,
        %mul3A_328 = arith.constant 32 : i32
        %mul3A_329 = arith.muli %scan3A_98, %mul3A_328 : i32
        %add3A_330 = arith.constant 16 : i32
        %add3A_331 = arith.addi %mul3A_329, %add3A_330 : i32
        %swap3A_332 = arith.index_cast %add3A_331 : i32 to index
        %swap3A_333 = arith.constant 0 : index
        %swap3A_334 = tpu.vector_load %arg7[%swap3A_332, %swap3A_333] {strides = array<i32>} : memref<1024x16xf32, #tpu.memory_space<vmem>>, vector<16xf32>,
        tpu.vector_store %arg7[%swap3A_332, %swap3A_333], %gather3A_327 {strides = array<i32>} : memref<1024x16xf32, #tpu.memory_space<vmem>>, vector<16xf32>,
        %mul3A_335 = arith.constant 512 : i32
        %mul3A_336 = arith.muli %scan3A_98, %mul3A_335 : i32
        %add3A_337 = arith.constant 68 : i32
        %add3A_338 = arith.addi %mul3A_336, %add3A_337 : i32
        %add3A_339 = vector.broadcast %add3A_338 : i32 to vector<16xi32>
        %add3A_340 = arith.addi %add3A_10, %add3A_339 : vector<16xi32>
        %gather3A_341 = tpu.vector_load_idx %arg5[%add3A_340] : memref<16384xf32, #tpu.memory_space<vmem>>[vector<16xi32>], vector<16xf32>,
        %mul3A_342 = arith.constant 32 : i32
        %mul3A_343 = arith.muli %scan3A_98, %mul3A_342 : i32
        %add3A_344 = arith.constant 17 : i32
        %add3A_345 = arith.addi %mul3A_343, %add3A_344 : i32
        %swap3A_346 = arith.index_cast %add3A_345 : i32 to index
        %swap3A_347 = arith.constant 0 : index
        %swap3A_348 = tpu.vector_load %arg7[%swap3A_346, %swap3A_347] {strides = array<i32>} : memref<1024x16xf32, #tpu.memory_space<vmem>>, vector<16xf32>,
        tpu.vector_store %arg7[%swap3A_346, %swap3A_347], %gather3A_341 {strides = array<i32>} : memref<1024x16xf32, #tpu.memory_space<vmem>>, vector<16xf32>,
        %mul3A_349 = arith.constant 512 : i32
        %mul3A_350 = arith.muli %scan3A_98, %mul3A_349 : i32
        %add3A_351 = arith.constant 72 : i32
        %add3A_352 = arith.addi %mul3A_350, %add3A_351 : i32
        %add3A_353 = vector.broadcast %add3A_352 : i32 to vector<16xi32>
        %add3A_354 = arith.addi %add3A_10, %add3A_353 : vector<16xi32>
        %gather3A_355 = tpu.vector_load_idx %arg5[%add3A_354] : memref<16384xf32, #tpu.memory_space<vmem>>[vector<16xi32>], vector<16xf32>,
        %mul3A_356 = arith.constant 32 : i32
        %mul3A_357 = arith.muli %scan3A_98, %mul3A_356 : i32
        %add3A_358 = arith.constant 18 : i32
        %add3A_359 = arith.addi %mul3A_357, %add3A_358 : i32
        %swap3A_360 = arith.index_cast %add3A_359 : i32 to index
        %swap3A_361 = arith.constant 0 : index
        %swap3A_362 = tpu.vector_load %arg7[%swap3A_360, %swap3A_361] {strides = array<i32>} : memref<1024x16xf32, #tpu.memory_space<vmem>>, vector<16xf32>,
        tpu.vector_store %arg7[%swap3A_360, %swap3A_361], %gather3A_355 {strides = array<i32>} : memref<1024x16xf32, #tpu.memory_space<vmem>>, vector<16xf32>,
        %mul3A_363 = arith.constant 512 : i32
        %mul3A_364 = arith.muli %scan3A_98, %mul3A_363 : i32
        %add3A_365 = arith.constant 76 : i32
        %add3A_366 = arith.addi %mul3A_364, %add3A_365 : i32
        %add3A_367 = vector.broadcast %add3A_366 : i32 to vector<16xi32>
        %add3A_368 = arith.addi %add3A_10, %add3A_367 : vector<16xi32>
        %gather3A_369 = tpu.vector_load_idx %arg5[%add3A_368] : memref<16384xf32, #tpu.memory_space<vmem>>[vector<16xi32>], vector<16xf32>,
        %mul3A_370 = arith.constant 32 : i32
        %mul3A_371 = arith.muli %scan3A_98, %mul3A_370 : i32
        %add3A_372 = arith.constant 19 : i32
        %add3A_373 = arith.addi %mul3A_371, %add3A_372 : i32
        %swap3A_374 = arith.index_cast %add3A_373 : i32 to index
        %swap3A_375 = arith.constant 0 : index
        %swap3A_376 = tpu.vector_load %arg7[%swap3A_374, %swap3A_375] {strides = array<i32>} : memref<1024x16xf32, #tpu.memory_space<vmem>>, vector<16xf32>,
        tpu.vector_store %arg7[%swap3A_374, %swap3A_375], %gather3A_369 {strides = array<i32>} : memref<1024x16xf32, #tpu.memory_space<vmem>>, vector<16xf32>,
        %mul3A_377 = arith.constant 512 : i32
        %mul3A_378 = arith.muli %scan3A_98, %mul3A_377 : i32
        %add3A_379 = arith.constant 80 : i32
        %add3A_380 = arith.addi %mul3A_378, %add3A_379 : i32
        %add3A_381 = vector.broadcast %add3A_380 : i32 to vector<16xi32>
        %add3A_382 = arith.addi %add3A_10, %add3A_381 : vector<16xi32>
        %gather3A_383 = tpu.vector_load_idx %arg5[%add3A_382] : memref<16384xf32, #tpu.memory_space<vmem>>[vector<16xi32>], vector<16xf32>,
        %mul3A_384 = arith.constant 32 : i32
        %mul3A_385 = arith.muli %scan3A_98, %mul3A_384 : i32
        %add3A_386 = arith.constant 20 : i32
        %add3A_387 = arith.addi %mul3A_385, %add3A_386 : i32
        %swap3A_388 = arith.index_cast %add3A_387 : i32 to index
        %swap3A_389 = arith.constant 0 : index
        %swap3A_390 = tpu.vector_load %arg7[%swap3A_388, %swap3A_389] {strides = array<i32>} : memref<1024x16xf32, #tpu.memory_space<vmem>>, vector<16xf32>,
        tpu.vector_store %arg7[%swap3A_388, %swap3A_389], %gather3A_383 {strides = array<i32>} : memref<1024x16xf32, #tpu.memory_space<vmem>>, vector<16xf32>,
        %mul3A_391 = arith.constant 512 : i32
        %mul3A_392 = arith.muli %scan3A_98, %mul3A_391 : i32
        %add3A_393 = arith.constant 84 : i32
        %add3A_394 = arith.addi %mul3A_392, %add3A_393 : i32
        %add3A_395 = vector.broadcast %add3A_394 : i32 to vector<16xi32>
        %add3A_396 = arith.addi %add3A_10, %add3A_395 : vector<16xi32>
        %gather3A_397 = tpu.vector_load_idx %arg5[%add3A_396] : memref<16384xf32, #tpu.memory_space<vmem>>[vector<16xi32>], vector<16xf32>,
        %mul3A_398 = arith.constant 32 : i32
        %mul3A_399 = arith.muli %scan3A_98, %mul3A_398 : i32
        %add3A_400 = arith.constant 21 : i32
        %add3A_401 = arith.addi %mul3A_399, %add3A_400 : i32
        %swap3A_402 = arith.index_cast %add3A_401 : i32 to index
        %swap3A_403 = arith.constant 0 : index
        %swap3A_404 = tpu.vector_load %arg7[%swap3A_402, %swap3A_403] {strides = array<i32>} : memref<1024x16xf32, #tpu.memory_space<vmem>>, vector<16xf32>,
        tpu.vector_store %arg7[%swap3A_402, %swap3A_403], %gather3A_397 {strides = array<i32>} : memref<1024x16xf32, #tpu.memory_space<vmem>>, vector<16xf32>,
        %mul3A_405 = arith.constant 512 : i32
        %mul3A_406 = arith.muli %scan3A_98, %mul3A_405 : i32
        %add3A_407 = arith.constant 88 : i32
        %add3A_408 = arith.addi %mul3A_406, %add3A_407 : i32
        %add3A_409 = vector.broadcast %add3A_408 : i32 to vector<16xi32>
        %add3A_410 = arith.addi %add3A_10, %add3A_409 : vector<16xi32>
        %gather3A_411 = tpu.vector_load_idx %arg5[%add3A_410] : memref<16384xf32, #tpu.memory_space<vmem>>[vector<16xi32>], vector<16xf32>,
        %mul3A_412 = arith.constant 32 : i32
        %mul3A_413 = arith.muli %scan3A_98, %mul3A_412 : i32
        %add3A_414 = arith.constant 22 : i32
        %add3A_415 = arith.addi %mul3A_413, %add3A_414 : i32
        %swap3A_416 = arith.index_cast %add3A_415 : i32 to index
        %swap3A_417 = arith.constant 0 : index
        %swap3A_418 = tpu.vector_load %arg7[%swap3A_416, %swap3A_417] {strides = array<i32>} : memref<1024x16xf32, #tpu.memory_space<vmem>>, vector<16xf32>,
        tpu.vector_store %arg7[%swap3A_416, %swap3A_417], %gather3A_411 {strides = array<i32>} : memref<1024x16xf32, #tpu.memory_space<vmem>>, vector<16xf32>,
        %mul3A_419 = arith.constant 512 : i32
        %mul3A_420 = arith.muli %scan3A_98, %mul3A_419 : i32
        %add3A_421 = arith.constant 92 : i32
        %add3A_422 = arith.addi %mul3A_420, %add3A_421 : i32
        %add3A_423 = vector.broadcast %add3A_422 : i32 to vector<16xi32>
        %add3A_424 = arith.addi %add3A_10, %add3A_423 : vector<16xi32>
        %gather3A_425 = tpu.vector_load_idx %arg5[%add3A_424] : memref<16384xf32, #tpu.memory_space<vmem>>[vector<16xi32>], vector<16xf32>,
        %mul3A_426 = arith.constant 32 : i32
        %mul3A_427 = arith.muli %scan3A_98, %mul3A_426 : i32
        %add3A_428 = arith.constant 23 : i32
        %add3A_429 = arith.addi %mul3A_427, %add3A_428 : i32
        %swap3A_430 = arith.index_cast %add3A_429 : i32 to index
        %swap3A_431 = arith.constant 0 : index
        %swap3A_432 = tpu.vector_load %arg7[%swap3A_430, %swap3A_431] {strides = array<i32>} : memref<1024x16xf32, #tpu.memory_space<vmem>>, vector<16xf32>,
        tpu.vector_store %arg7[%swap3A_430, %swap3A_431], %gather3A_425 {strides = array<i32>} : memref<1024x16xf32, #tpu.memory_space<vmem>>, vector<16xf32>,
        %mul3A_433 = arith.constant 512 : i32
        %mul3A_434 = arith.muli %scan3A_98, %mul3A_433 : i32
        %add3A_435 = arith.constant 96 : i32
        %add3A_436 = arith.addi %mul3A_434, %add3A_435 : i32
        %add3A_437 = vector.broadcast %add3A_436 : i32 to vector<16xi32>
        %add3A_438 = arith.addi %add3A_10, %add3A_437 : vector<16xi32>
        %gather3A_439 = tpu.vector_load_idx %arg5[%add3A_438] : memref<16384xf32, #tpu.memory_space<vmem>>[vector<16xi32>], vector<16xf32>,
        %mul3A_440 = arith.constant 32 : i32
        %mul3A_441 = arith.muli %scan3A_98, %mul3A_440 : i32
        %add3A_442 = arith.constant 24 : i32
        %add3A_443 = arith.addi %mul3A_441, %add3A_442 : i32
        %swap3A_444 = arith.index_cast %add3A_443 : i32 to index
        %swap3A_445 = arith.constant 0 : index
        %swap3A_446 = tpu.vector_load %arg7[%swap3A_444, %swap3A_445] {strides = array<i32>} : memref<1024x16xf32, #tpu.memory_space<vmem>>, vector<16xf32>,
        tpu.vector_store %arg7[%swap3A_444, %swap3A_445], %gather3A_439 {strides = array<i32>} : memref<1024x16xf32, #tpu.memory_space<vmem>>, vector<16xf32>,
        %mul3A_447 = arith.constant 512 : i32
        %mul3A_448 = arith.muli %scan3A_98, %mul3A_447 : i32
        %add3A_449 = arith.constant 100 : i32
        %add3A_450 = arith.addi %mul3A_448, %add3A_449 : i32
        %add3A_451 = vector.broadcast %add3A_450 : i32 to vector<16xi32>
        %add3A_452 = arith.addi %add3A_10, %add3A_451 : vector<16xi32>
        %gather3A_453 = tpu.vector_load_idx %arg5[%add3A_452] : memref<16384xf32, #tpu.memory_space<vmem>>[vector<16xi32>], vector<16xf32>,
        %mul3A_454 = arith.constant 32 : i32
        %mul3A_455 = arith.muli %scan3A_98, %mul3A_454 : i32
        %add3A_456 = arith.constant 25 : i32
        %add3A_457 = arith.addi %mul3A_455, %add3A_456 : i32
        %swap3A_458 = arith.index_cast %add3A_457 : i32 to index
        %swap3A_459 = arith.constant 0 : index
        %swap3A_460 = tpu.vector_load %arg7[%swap3A_458, %swap3A_459] {strides = array<i32>} : memref<1024x16xf32, #tpu.memory_space<vmem>>, vector<16xf32>,
        tpu.vector_store %arg7[%swap3A_458, %swap3A_459], %gather3A_453 {strides = array<i32>} : memref<1024x16xf32, #tpu.memory_space<vmem>>, vector<16xf32>,
        %mul3A_461 = arith.constant 512 : i32
        %mul3A_462 = arith.muli %scan3A_98, %mul3A_461 : i32
        %add3A_463 = arith.constant 104 : i32
        %add3A_464 = arith.addi %mul3A_462, %add3A_463 : i32
        %add3A_465 = vector.broadcast %add3A_464 : i32 to vector<16xi32>
        %add3A_466 = arith.addi %add3A_10, %add3A_465 : vector<16xi32>
        %gather3A_467 = tpu.vector_load_idx %arg5[%add3A_466] : memref<16384xf32, #tpu.memory_space<vmem>>[vector<16xi32>], vector<16xf32>,
        %mul3A_468 = arith.constant 32 : i32
        %mul3A_469 = arith.muli %scan3A_98, %mul3A_468 : i32
        %add3A_470 = arith.constant 26 : i32
        %add3A_471 = arith.addi %mul3A_469, %add3A_470 : i32
        %swap3A_472 = arith.index_cast %add3A_471 : i32 to index
        %swap3A_473 = arith.constant 0 : index
        %swap3A_474 = tpu.vector_load %arg7[%swap3A_472, %swap3A_473] {strides = array<i32>} : memref<1024x16xf32, #tpu.memory_space<vmem>>, vector<16xf32>,
        tpu.vector_store %arg7[%swap3A_472, %swap3A_473], %gather3A_467 {strides = array<i32>} : memref<1024x16xf32, #tpu.memory_space<vmem>>, vector<16xf32>,
        %mul3A_475 = arith.constant 512 : i32
        %mul3A_476 = arith.muli %scan3A_98, %mul3A_475 : i32
        %add3A_477 = arith.constant 108 : i32
        %add3A_478 = arith.addi %mul3A_476, %add3A_477 : i32
        %add3A_479 = vector.broadcast %add3A_478 : i32 to vector<16xi32>
        %add3A_480 = arith.addi %add3A_10, %add3A_479 : vector<16xi32>
        %gather3A_481 = tpu.vector_load_idx %arg5[%add3A_480] : memref<16384xf32, #tpu.memory_space<vmem>>[vector<16xi32>], vector<16xf32>,
        %mul3A_482 = arith.constant 32 : i32
        %mul3A_483 = arith.muli %scan3A_98, %mul3A_482 : i32
        %add3A_484 = arith.constant 27 : i32
        %add3A_485 = arith.addi %mul3A_483, %add3A_484 : i32
        %swap3A_486 = arith.index_cast %add3A_485 : i32 to index
        %swap3A_487 = arith.constant 0 : index
        %swap3A_488 = tpu.vector_load %arg7[%swap3A_486, %swap3A_487] {strides = array<i32>} : memref<1024x16xf32, #tpu.memory_space<vmem>>, vector<16xf32>,
        tpu.vector_store %arg7[%swap3A_486, %swap3A_487], %gather3A_481 {strides = array<i32>} : memref<1024x16xf32, #tpu.memory_space<vmem>>, vector<16xf32>,
        %mul3A_489 = arith.constant 512 : i32
        %mul3A_490 = arith.muli %scan3A_98, %mul3A_489 : i32
        %add3A_491 = arith.constant 112 : i32
        %add3A_492 = arith.addi %mul3A_490, %add3A_491 : i32
        %add3A_493 = vector.broadcast %add3A_492 : i32 to vector<16xi32>
        %add3A_494 = arith.addi %add3A_10, %add3A_493 : vector<16xi32>
        %gather3A_495 = tpu.vector_load_idx %arg5[%add3A_494] : memref<16384xf32, #tpu.memory_space<vmem>>[vector<16xi32>], vector<16xf32>,
        %mul3A_496 = arith.constant 32 : i32
        %mul3A_497 = arith.muli %scan3A_98, %mul3A_496 : i32
        %add3A_498 = arith.constant 28 : i32
        %add3A_499 = arith.addi %mul3A_497, %add3A_498 : i32
        %swap3A_500 = arith.index_cast %add3A_499 : i32 to index
        %swap3A_501 = arith.constant 0 : index
        %swap3A_502 = tpu.vector_load %arg7[%swap3A_500, %swap3A_501] {strides = array<i32>} : memref<1024x16xf32, #tpu.memory_space<vmem>>, vector<16xf32>,
        tpu.vector_store %arg7[%swap3A_500, %swap3A_501], %gather3A_495 {strides = array<i32>} : memref<1024x16xf32, #tpu.memory_space<vmem>>, vector<16xf32>,
        %mul3A_503 = arith.constant 512 : i32
        %mul3A_504 = arith.muli %scan3A_98, %mul3A_503 : i32
        %add3A_505 = arith.constant 116 : i32
        %add3A_506 = arith.addi %mul3A_504, %add3A_505 : i32
        %add3A_507 = vector.broadcast %add3A_506 : i32 to vector<16xi32>
        %add3A_508 = arith.addi %add3A_10, %add3A_507 : vector<16xi32>
        %gather3A_509 = tpu.vector_load_idx %arg5[%add3A_508] : memref<16384xf32, #tpu.memory_space<vmem>>[vector<16xi32>], vector<16xf32>,
        %mul3A_510 = arith.constant 32 : i32
        %mul3A_511 = arith.muli %scan3A_98, %mul3A_510 : i32
        %add3A_512 = arith.constant 29 : i32
        %add3A_513 = arith.addi %mul3A_511, %add3A_512 : i32
        %swap3A_514 = arith.index_cast %add3A_513 : i32 to index
        %swap3A_515 = arith.constant 0 : index
        %swap3A_516 = tpu.vector_load %arg7[%swap3A_514, %swap3A_515] {strides = array<i32>} : memref<1024x16xf32, #tpu.memory_space<vmem>>, vector<16xf32>,
        tpu.vector_store %arg7[%swap3A_514, %swap3A_515], %gather3A_509 {strides = array<i32>} : memref<1024x16xf32, #tpu.memory_space<vmem>>, vector<16xf32>,
        %mul3A_517 = arith.constant 512 : i32
        %mul3A_518 = arith.muli %scan3A_98, %mul3A_517 : i32
        %add3A_519 = arith.constant 120 : i32
        %add3A_520 = arith.addi %mul3A_518, %add3A_519 : i32
        %add3A_521 = vector.broadcast %add3A_520 : i32 to vector<16xi32>
        %add3A_522 = arith.addi %add3A_10, %add3A_521 : vector<16xi32>
        %gather3A_523 = tpu.vector_load_idx %arg5[%add3A_522] : memref<16384xf32, #tpu.memory_space<vmem>>[vector<16xi32>], vector<16xf32>,
        %mul3A_524 = arith.constant 32 : i32
        %mul3A_525 = arith.muli %scan3A_98, %mul3A_524 : i32
        %add3A_526 = arith.constant 30 : i32
        %add3A_527 = arith.addi %mul3A_525, %add3A_526 : i32
        %swap3A_528 = arith.index_cast %add3A_527 : i32 to index
        %swap3A_529 = arith.constant 0 : index
        %swap3A_530 = tpu.vector_load %arg7[%swap3A_528, %swap3A_529] {strides = array<i32>} : memref<1024x16xf32, #tpu.memory_space<vmem>>, vector<16xf32>,
        tpu.vector_store %arg7[%swap3A_528, %swap3A_529], %gather3A_523 {strides = array<i32>} : memref<1024x16xf32, #tpu.memory_space<vmem>>, vector<16xf32>,
        %mul3A_531 = arith.constant 512 : i32
        %mul3A_532 = arith.muli %scan3A_98, %mul3A_531 : i32
        %add3A_533 = arith.constant 124 : i32
        %add3A_534 = arith.addi %mul3A_532, %add3A_533 : i32
        %add3A_535 = vector.broadcast %add3A_534 : i32 to vector<16xi32>
        %add3A_536 = arith.addi %add3A_10, %add3A_535 : vector<16xi32>
        %gather3A_537 = tpu.vector_load_idx %arg5[%add3A_536] : memref<16384xf32, #tpu.memory_space<vmem>>[vector<16xi32>], vector<16xf32>,
        %mul3A_538 = arith.constant 32 : i32
        %mul3A_539 = arith.muli %scan3A_98, %mul3A_538 : i32
        %add3A_540 = arith.constant 31 : i32
        %add3A_541 = arith.addi %mul3A_539, %add3A_540 : i32
        %swap3A_542 = arith.index_cast %add3A_541 : i32 to index
        %swap3A_543 = arith.constant 0 : index
        %swap3A_544 = tpu.vector_load %arg7[%swap3A_542, %swap3A_543] {strides = array<i32>} : memref<1024x16xf32, #tpu.memory_space<vmem>>, vector<16xf32>,
        tpu.vector_store %arg7[%swap3A_542, %swap3A_543], %gather3A_537 {strides = array<i32>} : memref<1024x16xf32, #tpu.memory_space<vmem>>, vector<16xf32>,
      }
      %scan3A_85 = arith.constant 32 : i32
      %add3A_86 = arith.constant 1 : i32
      %add3A_87 = arith.addi %mul3A_34, %add3A_86 : i32
      %mul3A_88 = arith.constant 32 : i32
      %mul3A_89 = arith.muli %add3A_87, %mul3A_88 : i32
      %add3A_90 = arith.addi %mul3A_2, %mul3A_89 : i32
      %multiple_of3A_91 = tpu.assume_multiple %add3A_90, 32 : i32
      %mul3A_92 = arith.constant 32 : i32
      %mul3A_93 = arith.muli %multiple_of3A_91, %mul3A_92 : i32
      %dma_start3A_94 = arith.constant 0 : i32
      %dma_start3A_95 = tpu.memref_slice %arg3[%mul3A_93, %dma_start3A_94] : memref<1048576x16xf32, #tpu.memory_space<hbm>> -> memref<1024x16xf32, #tpu.memory_space<hbm>>
      %dma_start3A_96 = arith.constant 0 : i32
      %dma_start3A_97 = tpu.memref_slice %arg3[%mul3A_93, %dma_start3A_96] : memref<1048576x16xf32, #tpu.memory_space<hbm>> -> memref<1024x16xf32, #tpu.memory_space<hbm>>
      tpu.enqueue_dma source(%arg7 : memref<1024x16xf32, #tpu.memory_space<vmem>>) target(%dma_start3A_97 : memref<1024x16xf32, #tpu.memory_space<hbm>>) target_semaphore(%arg11 : memref<!tpu.dma_semaphore, #tpu.memory_space<semaphore_mem>>)
    }
    %scan3A_20 = arith.constant 16 : i32
    %dma_wait3A = arith.constant 0 : i32
    %dma_wait3A_21 = arith.constant 0 : i32
    %dma_wait3A_22 = tpu.memref_slice %arg3[%dma_wait3A, %dma_wait3A_21] : memref<1048576x16xf32, #tpu.memory_space<hbm>> -> memref<1024x16xf32, #tpu.memory_space<hbm>>
    %dma_wait3A_23 = arith.constant 0 : i32
    %dma_wait3A_24 = arith.constant 0 : i32
    %dma_wait3A_25 = tpu.memref_slice %arg3[%dma_wait3A_23, %dma_wait3A_24] : memref<1048576x16xf32, #tpu.memory_space<hbm>> -> memref<1024x16xf32, #tpu.memory_space<hbm>>
    tpu.wait_dma2 semaphore(%arg10 : memref<!tpu.dma_semaphore, #tpu.memory_space<semaphore_mem>>) src(%arg6 : memref<1024x16xf32, #tpu.memory_space<vmem>>) dst(%dma_wait3A_25 : memref<1024x16xf32, #tpu.memory_space<hbm>>)
    %dma_wait3A_26 = arith.constant 0 : i32
    %dma_wait3A_27 = arith.constant 0 : i32
    %dma_wait3A_28 = tpu.memref_slice %arg3[%dma_wait3A_26, %dma_wait3A_27] : memref<1048576x16xf32, #tpu.memory_space<hbm>> -> memref<1024x16xf32, #tpu.memory_space<hbm>>
    %dma_wait3A_29 = arith.constant 0 : i32
    %dma_wait3A_30 = arith.constant 0 : i32
    %dma_wait3A_31 = tpu.memref_slice %arg3[%dma_wait3A_29, %dma_wait3A_30] : memref<1048576x16xf32, #tpu.memory_space<hbm>> -> memref<1024x16xf32, #tpu.memory_space<hbm>>
    tpu.wait_dma2 semaphore(%arg11 : memref<!tpu.dma_semaphore, #tpu.memory_space<semaphore_mem>>) src(%arg7 : memref<1024x16xf32, #tpu.memory_space<vmem>>) dst(%dma_wait3A_31 : memref<1024x16xf32, #tpu.memory_space<hbm>>)
    return
  }
}

</mosaic_0001>

<sc_bundles>
// kernel: kernel.4.cloned.1.call-start
scs
__scs_entry_jumppad:
0x0: {  	(pc) =	sbr.rel $0x88, $3  }
0x1: {  	(tag) =	ssettag $0x0;
	lr =	simm.s32 $0x1  }
0x2: {  	[smem:$0x3F9F] =	sst lr;
	_ =	strace $0xD0000000  }
0x3: {  	_ = 	snop  }
0x4: {  	_ = 	snop  }
0x5: {  	_ = 	snop  }
0x6: {  	_ = 	snop  }
0x7: {  	_ = 	snop  }
__scs_overlays_trampoline_lowered:
0x8: {  	[smem:$0x3FAE] =	sst s0  }
0x9: {  	[smem:$0x3FAF] =	sst s1  }
0xa: {  	[smem:$0x3FB0] =	sst s2  }
0xb: {  	[smem:$0x3FB1] =	sst s3  }
0xc: {  	[smem:$0x3FB2] =	sst s4  }
0xd: {  	[smem:$0x3FB3] =	sst s5  }
0xe: {  	[smem:$0x3FB4] =	sst s6  }
0xf: {  	[smem:$0x3FB5] =	sst s7  }
0x10: {  	[smem:$0x3FB6] =	sst s8  }
0x11: {  	[smem:$0x3FB7] =	sst s9;
	s0 =	simm.s32 @!p0 $0x0  }
0x12: {  	s1 =	sld [smem:$0x3F9D];
	s0 =	simm.s32 @p0 $0x1  }
0x13: {  	[smem:$0x3FB8] =	sst s0;
	s0 =	simm.s32 @!p1 $0x0  }
0x14: {  	s2 =	sld [smem:$0x3F9C];
	s0 =	simm.s32 @p1 $0x1  }
0x15: {  	[smem:$0x3FB9] =	sst s0;
	s0 =	simm.s32 @!p2 $0x0  }
0x16: {  	s3 =	sld [smem:$0x3FDB];
	s0 =	simm.s32 @p2 $0x1  }
0x17: {  	s4 =	simm.s32 $0x1BF5;
	[smem:$0x3FBB] =	sst s0  }
0x18: {  	s0 =	sld [smem:$0x3F9E];
	_ =	swait.ge [sflag:s4], $0x0  }
0x19: {  	s7 =	sld [smem:$0x3F9F]  }
0x1a: {  	s8 =	sadd.s32 $0xFFFFE003, lr  }
0x1b: {  	s9 =	sadd.s32 $0xFFFFFEF7, lr;
	s5 =	simm.s32 $0xFFFFFFFF;
	p2 =	slt.u32 s8, $0xFFFFF086  }
0x1c: {  	p1 =	slt.u32 s9, $0xF7A;
	s5 =	simm.s32 @!p2 $0x0  }
0x1d: {  	s5 =	simm.s32 @p1 $0x1;
	p0 =	seq.s32 s7, s2  }
0x1e: {  	s7 =	smul.u32 @!p0 $0xF7A, s2;
	p2 =	seq.s32 @!p0 s5, $0x0  }
0x1f: {  	s9 =	smul.u32 $0xF7A, s1;
	s8 =	simm.s32 @!p0 $0x1BF5;
	p2 =	por !p2, p0  }
0x20: {  	[sflag:s8] =	ssyncset.s32 @!p0 $0xFFFFF086;
	s6 =	sadd.s32 @!p0 s3, s7;
	s7 =	simm.s32 @!p0 $0x108  }
0x21: {  	s3 =	sadd.s32 s3, s9;
	s6 =	sadd.s32 @!p0 $0x88, s6;
	s7 =	simm.s32 @p2 $0x1082  }
0x22: {  	[simem:s7], [sflag:s8] =	dma.local @!p0 [hbm:s6], $0xF7A  }
0x23: {  	s9 =	sor.u32 $0xD0000000, s2;
	s6 =	simm.s32 $0x108;
	_ =	swait.ge @!p0 [sflag:s8], $0x0  }
0x24: {  	s3 =	sadd.s32 $0x88, s3;
	s6 =	simm.s32 @!p1 $0x1082;
	[sflag:s4] =	ssyncset.s32 $0xFFFFF086  }
0x25: {  	[simem:s6], [sflag:s4] =	dma.local [hbm:s3], $0xF7A  }
0x26: {  	[smem:$0x3F9F] =	sst s1;
	(tag) =	ssettag s2;
	_ =	strace s9  }
0x27: {  	s1 =	sld [smem:$0x3FAF]  }
0x28: {  	s2 =	sld [smem:$0x3FB0]  }
0x29: {  	s4 =	sld [smem:$0x3FB2]  }
0x2a: {  	p0 =	seq.s32 s5, $0x0;
	s5 =	sld [smem:$0x3FB3]  }
0x2b: {  	s6 =	sld [smem:$0x3FB4]  }
0x2c: {  	s7 =	sld [smem:$0x3FB5]  }
0x2d: {  	s3 =	simm.s32 $0x108;
	s8 =	sld [smem:$0x3FB6]  }
0x2e: {  	s3 =	simm.s32 @!p0 $0x1082;
	s9 =	sld [smem:$0x3FB7]  }
0x2f: {  	lr =	sadd.s32 s0, s3;
	s0 =	sld [smem:$0x3FAE]  }
0x30: {  	s3 =	sld [smem:$0x3FB1]  }
0x31: {  	[smem:$0x3FBA] =	sst s10  }
0x32: {  	s10 =	sld [smem:$0x3FB8];
	_ =	sdelay $0x3  }
0x33: {  	p0 =	seq.s32 s10, $0x1;
	s10 =	sld [smem:$0x3FBA];
	_ =	sdelay $0x3  }
0x34: {  	[smem:$0x3FBA] =	sst s10  }
0x35: {  	s10 =	sld [smem:$0x3FB9];
	_ =	sdelay $0x3  }
0x36: {  	p1 =	seq.s32 s10, $0x1;
	s10 =	sld [smem:$0x3FBA];
	_ =	sdelay $0x3  }
0x37: {  	[smem:$0x3FBA] =	sst s10  }
0x38: {  	s10 =	sld [smem:$0x3FBB]  }
0x39: {  	_ = 	snop;
	(pc) =	sbr.ind lr, $3  }
0x3a: {  	_ = 	snop  }
0x3b: {  	_ = 	snop  }
0x3c: {  	p2 =	seq.s32 s10, $0x1;
	s10 =	sld [smem:$0x3FBA]  }
0x3d: {  	_ =	shalt  }
0x3e: {  	_ =	shalt  }
0x3f: {  	_ =	shalt  }
0x40: {  	_ =	shalt  }
0x41: {  	_ =	shalt  }
0x42: {  	_ =	shalt  }
0x43: {  	_ =	shalt  }
0x44: {  	_ =	shalt  }
0x45: {  	_ =	shalt  }
0x46: {  	_ =	shalt  }
0x47: {  	_ =	shalt  }
0x48: {  	_ =	shalt  }
0x49: {  	_ =	shalt  }
0x4a: {  	_ =	shalt  }
0x4b: {  	_ =	shalt  }
0x4c: {  	_ =	shalt  }
0x4d: {  	_ =	shalt  }
0x4e: {  	_ =	shalt  }
0x4f: {  	_ =	shalt  }
0x50: {  	_ =	shalt  }
0x51: {  	_ =	shalt  }
0x52: {  	_ =	shalt  }
0x53: {  	_ =	shalt  }
0x54: {  	_ =	shalt  }
0x55: {  	_ =	shalt  }
0x56: {  	_ =	shalt  }
0x57: {  	_ =	shalt  }
0x58: {  	_ =	shalt  }
0x59: {  	_ =	shalt  }
0x5a: {  	_ =	shalt  }
0x5b: {  	_ =	shalt  }
0x5c: {  	_ =	shalt  }
0x5d: {  	_ =	shalt  }
0x5e: {  	_ =	shalt  }
0x5f: {  	_ =	shalt  }
0x60: {  	_ =	shalt  }
0x61: {  	_ =	shalt  }
0x62: {  	_ =	shalt  }
0x63: {  	_ =	shalt  }
0x64: {  	_ =	shalt  }
0x65: {  	_ =	shalt  }
0x66: {  	_ =	shalt  }
0x67: {  	_ =	shalt  }
0x68: {  	_ =	shalt  }
0x69: {  	_ =	shalt  }
0x6a: {  	_ =	shalt  }
0x6b: {  	_ =	shalt  }
0x6c: {  	_ =	shalt  }
0x6d: {  	_ =	shalt  }
0x6e: {  	_ =	shalt  }
0x6f: {  	_ =	shalt  }
0x70: {  	_ =	shalt  }
0x71: {  	_ =	shalt  }
0x72: {  	_ =	shalt  }
0x73: {  	_ =	shalt  }
0x74: {  	_ =	shalt  }
0x75: {  	_ =	shalt  }
0x76: {  	_ =	shalt  }
0x77: {  	_ =	shalt  }
0x78: {  	_ =	shalt  }
0x79: {  	_ =	shalt  }
0x7a: {  	_ =	shalt  }
0x7b: {  	_ =	shalt  }
0x7c: {  	_ =	shalt  }
0x7d: {  	_ =	shalt  }
0x7e: {  	_ =	shalt  }
0x7f: {  	_ =	shalt  }
0x80: {  	_ =	shalt  }
0x81: {  	_ =	shalt  }
0x82: {  	_ =	shalt  }
0x83: {  	_ =	shalt  }
0x84: {  	_ =	shalt  }
0x85: {  	_ =	shalt  }
0x86: {  	_ =	shalt  }
0x87: {  	_ =	shalt  }
.Lfunc_end0:
.L_simem_size_0:
called_computation_lowered:
.L_overlay_start_0:
0x88: {  	s2 =	sld [smem:$0x3FD9]  }
0x89: {  	s3 =	sld [smem:$0x3FFE];
	_ =	sdelay $0x1  }
0x8a: {  	s1 =	srdreg.scid  }
0x8b: {  	s0 =	sand.u32 $0x1, s1  }
0x8c: {  	s17 =	sshll.u32 s0, $0xA;
	s2 =	sadd.s32 s3, s2  }
0x8d: {  	s2 =	sadd.s32 s2, s17  }
0x8e: {  	[smem:$0x3FC6] =	sst s2  }
0x8f: {  	_ = 	snop  }
0x90: {  	s2 =	sld [smem:$0x3FC9];
	(tm) =	ssettm $0x1  }
0x91: {  	s18 =	sld [smem:$0x3FFB];
	_ =	sdelay $0x3  }
0x92: {  	_ =	strace s18  }
0x93: {  	s3 =	sld [smem:$0x3FFC];
	_ =	sdelay $0x3  }
0x94: {  	_ =	strace s3  }
0x95: {  	s3 =	sld [smem:$0x3FFD];
	_ =	sdelay $0x3  }
0x96: {  	_ =	strace s3  }
0x97: {  	_ =	strace $0x8FFFFFFF  }
0x98: {  	s19 =	sld [smem:$0x3FDB];
	_ =	sdelay $0x1  }
0x99: {  	s4 =	simm.s32 $_scs_section_size  }
0x9a: {  	s5 =	simm.s32 $_size__tile_overlayer_lowered;
	s6 =	simm.s32 $_tile_overlayer_lowered  }
0x9b: {  	s22 =	simm.s32 $0x1BFF;
	s21 =	sshll.u32 s6, $0x1;
	s3 =	sadd.s32 s4, s19  }
0x9c: {  	s7 =	simm.s32 $0x0;
	s20 =	sshll.u32 s5, $0x1;
	s5 =	sadd.s32 s21, s3  }
0x9d: {  	[timem:s7], [sflag:s22] =	dma.local [hbm:s5], s20  }
0x9e: {  	_ =	swait.ge [sflag:s22], s20  }
0x9f: {  	s4 =	ssub.s32 $0x0, s20;
	[sflag:s22] =	ssyncset.done $0x0  }
0xa0: {  	[sflag:s22] =	ssyncadd.s32 s4;
	_ =	sdelay $0x1  }
0xa1: {  	s23 =	simm.s32 $0x1B8B  }
0xa2: {  	_ =	swait.ge [sflag:s23], $0x1  }
0xa3: {  	[sflag:s23] =	ssyncset.done $0x0  }
0xa4: {  	s25 =	simm.s32 $0x1B8E;
	s24 =	sld [smem:$0x3FFE];
	[sflag:s23] =	ssyncadd.s32 $0xFFFFFFFF  }
0xa5: {  	s26 =	simm.s32 $execute0_lowered;
	[smem:$0x3FD2] =	sst s25  }
0xa6: {  	s5 =	sshll.u32 s26, $0x1;
	_ =	strace $0x80000046;
	[dreg:$0x1] =	wrdreg $0xFFFFFFFF  }
0xa7: {  	s28 =	simm.s32 $_size_execute0_lowered;
	s3 =	sadd.s32 s3, s5;
	[dreg:$0x0] =	wrdreg $0x0  }
0xa8: {  	s5 =	sshll.u32 s28, $0x1;
	[dreg:$0x2] =	wrdreg s3  }
0xa9: {  	[dreg:$0x3] =	wrdreg s5  }
0xaa: {  	[dreg:$0x4] =	wrdreg $0xC0  }
0xab: {  	_ =	task [dreg:s7], $0x5FFFF  }
0xac: {  	[dreg:$0x1] =	wrdreg $0xFFFFFFFF  }
0xad: {  	[dreg:$0x0] =	wrdreg $0x60  }
0xae: {  	[dreg:$0x2] =	wrdreg s2  }
0xaf: {  	[dreg:$0x3] =	wrdreg s24  }
0xb0: {  	[dreg:$0x4] =	wrdreg $0x9  }
0xb1: {  	_ =	task.clear_ibuf [dreg:s7], $0x5FFFF;
	_ =	strace $0x90000046  }
0xb2: {  	s29 =	simm.s32 $0x9;
	_ =	strace $0x80000048  }
0xb3: {  	_ =	swait.ge [sflag:s29], $0x1  }
0xb4: {  	[sflag:s29] =	ssyncadd.s32 $0xFFFFFFFF  }
0xb5: {  	_ =	strace $0x90000048  }
0xb6: {  	_ =	sfence  }
0xb7: {  	s30 =	sld [smem:$0x0];
	_ =	sdelay $0x2  }
0xb8: {  	s31 =	sshll.u32 s1, $0xD;
	s1 =	sshrl.u32 s1, $0x2  }
0xb9: {  	s3 =	sand.u32 $0x4000, s31;
	s1 =	sadd.s32 s1, s30  }
0xba: {  	s0 =	sor.u32 s3, s0;
	s1 =	sshll.u32 s1, $0x11  }
0xbb: {  	s0 =	sor.u32 s1, s0  }
0xbc: {  	s0 =	sadd.s32 $0x8F2B, s0  }
0xbd: {  	[sflag:s0] =	ssyncadd.remote.s32 $0x1  }
0xbe: {  	_ =	sfence.sel $0xFFFF  }
0xbf: {  	[dreg:$0x0] =	wrdreg $0xFFFFFFFF;
	(pc) =	sbr.abs _section_cstart, $3  }
0xc0: {  	[dreg:$0x1] =	wrdreg $0xFFFFFFFF  }
0xc1: {  	_ =	task.clear_ibuf [dreg:s7], $0x2FFFF;
	_ =	strace $0x9FFFFFFF  }
0xc2: {  	(tm) =	ssettm $0x7FFFFFFF  }
0xc3: {  	_ =	shalt  }
tec
execute0_lowered:
.L_overlay_start_1:
0x0: {  	(tag) =	ssettag $0x1  }
0x1: {  	v0 =	vimm.s32 $0x183;
	vm0 =	vcmask $0x300  }
0x2: {  	vm14 =	vcmask $0x704;
	v0 =	vsel vm0, $0x0, v0  }
0x3: {  	vm15 =	vcmask $0xB08;
	v0 =	vsel vm14, $0x80, v0  }
0x4: {  	vm4 =	vcmask $0xF0C;
	v0 =	vsel vm15, $0x100, v0  }
0x5: {  	vm5 =	vcmask $0x1310;
	v0 =	vsel vm4, $0x180, v0  }
0x6: {  	s1 =	rddreg [dreg:$0x0];
	vm6 =	vcmask $0x1714;
	v0 =	vsel vm5, $0x1, v0  }
0x7: {  	s5 =	rddreg [dreg:$0x1];
	vm7 =	vcmask $0x1B18;
	v0 =	vsel vm6, $0x81, v0  }
0x8: {  	s0 =	rddreg [dreg:$0x2];
	s2 =	simm.s32 $0x0;
	s4 =	srdreg.scid;
	vm8 =	vcmask $0x1F1C;
	v0 =	vsel vm7, $0x101, v0  }
0x9: {  	s3 =	stileid.u32;
	vm9 =	vcmask $0x2320;
	s10 =	simm.s32 $0x4000;
	s11 =	simm.s32 $0x1;
	v0 =	vsel vm8, $0x181, v0  }
0xa: {  	vm10 =	vcmask $0x2724;
	s12 =	simm.s32 $0x8000;
	s13 =	simm.s32 $0x2;
	s14 =	simm.s32 $0x4;
	v0 =	vsel vm9, $0x2, v0  }
0xb: {  	vm11 =	vcmask $0x2B28;
	s15 =	simm.s32 $0xC000;
	s16 =	simm.s32 $0x3;
	s17 =	simm.s32 $0x0;
	v0 =	vsel vm10, $0x82, v0  }
0xc: {  	vm12 =	vcmask $0x2F2C;
	[smem:$0x7FF] =	sst s2;
	s4 =	sand.u32 $0x1, s4;
	s7 =	sshll.u32 s3, $0xB;
	v0 =	vsel vm11, $0x102, v0  }
0xd: {  	vm13 =	vcmask $0x3330;
	s5 =	sadd.s32 $0x800, s5;
	s6 =	ssub.s32 $0x2, s4;
	s4 =	sshll.u32 s4, $0xA;
	v0 =	vsel vm12, $0x182, v0  }
0xe: {  	_ =	strace $0x80000047;
	vm14 =	vcmask $0x3734;
	s8 =	sshrl.u32 s6, $0x1;
	s4 =	sor.u32 s4, s7;
	v0 =	vsel vm13, $0x3, v0  }
0xf: {  	vm15 =	vcmask $0x3B38;
	s9 =	ssub.s32 s6, s8;
	s7 =	sshll.u32 s4, $0x6;
	s8 =	sor.u32 $0x40, s4;
	v0 =	vsel vm14, $0x83, v0  }
0x10: {  	s6 =	sadd.s32 s1, s7;
	s7 =	sadd.s32 s5, s7;
	s9 =	smax.u32 s9, $0x1;
	v0 =	vsel vm15, $0x103, v0  }
.LBB2_1:
0x11: {  	[tilespmem:s2], [sflag:$0x1] =	stream.linear.gather [hbm4b:s6+s2], $0x4000, $0x38;
	[tilespmem:$0x10000] =	vst v63  }
0x12: {  	s18 =	simm.s32 $0x0  }
.LBB2_2:
0x13: {  	s20 =	sshll.u32 s18, $0x6  }
0x14: {  	s19 =	sor.u32 s20, s4  }
0x15: {  	s19 =	sshll.u32 s19, $0x6  }
0x16: {  	s19 =	sor.u32 $0x800, s19  }
0x17: {  	s21 =	sadd.s32 s1, s19  }
0x18: {  	[tilespmem:s10], [sflag:$0x2] =	stream.linear.gather [hbm4b:s21+s2], $0x4000, $0x38;
	[tilespmem:$0x10000] =	vst v63  }
0x19: {  	s24 =	simm.s32 $0x0;
	_ =	swait.ge [sflag:s11], $0x4000  }
0x1a: {  	p0 =	seq.s32 s18, $0x0;
	v1 =	vor.u32 s24, v0;
	[sflag:s11] =	ssyncset.done $0x0  }
0x1b: {  	s21 =	simm.s32 @!p0 $0x3;
	[sflag:s11] =	ssyncadd.s32 $0xFFFFC000  }
0x1c: {  	_ =	swait.ge @!p0 [sflag:s21], $0x4000  }
0x1d: {  	[sflag:s21] =	ssyncset.done @!p0 $0x0  }
0x1e: {  	[sflag:s21] =	ssyncadd.s32 @!p0 $0xFFFFC000  }
0x1f: {  	s25 =	simm.s32 $0x4;
	v1 =	vld.idx.msk [tilespmem:v1+s2+$0x0], $0xffff  }
0x20: {  	v2 =	vor.u32 s25, v0;
	_ =	sdelay $0x2  }
0x21: {  	s21 =	simm.s32 $0x8100  }
0x22: {  	[tilespmem:s21+$0xFFFFFF00] =	vst v1  }
0x23: {  	s22 =	simm.s32 $0x8;
	v1 =	vld.idx.msk [tilespmem:v2+s2+$0x0], $0xffff  }
0x24: {  	v2 =	vor.u32 s22, v0;
	_ =	sdelay $0x3  }
0x25: {  	[tilespmem:s21+$0xFFFFFF10] =	vst v1  }
0x26: {  	s26 =	simm.s32 $0xC;
	v1 =	vld.idx.msk [tilespmem:v2+s2+$0x0], $0xffff  }
0x27: {  	v2 =	vor.u32 s26, v0;
	_ =	sdelay $0x3  }
0x28: {  	[tilespmem:s21+$0xFFFFFF20] =	vst v1  }
0x29: {  	s28 =	simm.s32 $0x10;
	v1 =	vld.idx.msk [tilespmem:v2+s2+$0x0], $0xffff  }
0x2a: {  	v2 =	vor.u32 s28, v0;
	_ =	sdelay $0x3  }
0x2b: {  	[tilespmem:s21+$0xFFFFFF30] =	vst v1  }
0x2c: {  	s29 =	simm.s32 $0x14;
	v1 =	vld.idx.msk [tilespmem:v2+s2+$0x0], $0xffff  }
0x2d: {  	v2 =	vor.u32 s29, v0;
	_ =	sdelay $0x3  }
0x2e: {  	[tilespmem:s21+$0xFFFFFF40] =	vst v1  }
0x2f: {  	s30 =	simm.s32 $0x18;
	v1 =	vld.idx.msk [tilespmem:v2+s2+$0x0], $0xffff  }
0x30: {  	v2 =	vor.u32 s30, v0;
	_ =	sdelay $0x3  }
0x31: {  	[tilespmem:s21+$0xFFFFFF50] =	vst v1  }
0x32: {  	s31 =	simm.s32 $0x1C;
	v1 =	vld.idx.msk [tilespmem:v2+s2+$0x0], $0xffff  }
0x33: {  	v2 =	vor.u32 s31, v0;
	_ =	sdelay $0x3  }
0x34: {  	[tilespmem:s21+$0xFFFFFF60] =	vst v1  }
0x35: {  	s23 =	simm.s32 $0x20;
	v1 =	vld.idx.msk [tilespmem:v2+s2+$0x0], $0xffff  }
0x36: {  	v2 =	vor.u32 s23, v0;
	_ =	sdelay $0x3  }
0x37: {  	[tilespmem:s21+$0xFFFFFF70] =	vst v1  }
0x38: {  	s24 =	simm.s32 $0x24;
	v1 =	vld.idx.msk [tilespmem:v2+s2+$0x0], $0xffff  }
0x39: {  	v2 =	vor.u32 s24, v0;
	_ =	sdelay $0x3  }
0x3a: {  	[tilespmem:s21+$0xFFFFFF80] =	vst v1  }
0x3b: {  	s25 =	simm.s32 $0x28;
	v1 =	vld.idx.msk [tilespmem:v2+s2+$0x0], $0xffff  }
0x3c: {  	v2 =	vor.u32 s25, v0;
	_ =	sdelay $0x3  }
0x3d: {  	[tilespmem:s21+$0xFFFFFF90] =	vst v1  }
0x3e: {  	s26 =	simm.s32 $0x2C;
	v1 =	vld.idx.msk [tilespmem:v2+s2+$0x0], $0xffff  }
0x3f: {  	v2 =	vor.u32 s26, v0;
	_ =	sdelay $0x3  }
0x40: {  	[tilespmem:s21+$0xFFFFFFA0] =	vst v1  }
0x41: {  	s28 =	simm.s32 $0x30;
	v1 =	vld.idx.msk [tilespmem:v2+s2+$0x0], $0xffff  }
0x42: {  	v2 =	vor.u32 s28, v0;
	_ =	sdelay $0x3  }
0x43: {  	[tilespmem:s21+$0xFFFFFFB0] =	vst v1  }
0x44: {  	s29 =	simm.s32 $0x34;
	v1 =	vld.idx.msk [tilespmem:v2+s2+$0x0], $0xffff  }
0x45: {  	v2 =	vor.u32 s29, v0;
	_ =	sdelay $0x3  }
0x46: {  	[tilespmem:s21+$0xFFFFFFC0] =	vst v1  }
0x47: {  	s30 =	simm.s32 $0x38;
	v1 =	vld.idx.msk [tilespmem:v2+s2+$0x0], $0xffff  }
0x48: {  	v2 =	vor.u32 s30, v0;
	_ =	sdelay $0x3  }
0x49: {  	[tilespmem:s21+$0xFFFFFFD0] =	vst v1  }
0x4a: {  	s31 =	simm.s32 $0x3C;
	v1 =	vld.idx.msk [tilespmem:v2+s2+$0x0], $0xffff  }
0x4b: {  	v2 =	vor.u32 s31, v0;
	_ =	sdelay $0x3  }
0x4c: {  	[tilespmem:s21+$0xFFFFFFE0] =	vst v1  }
0x4d: {  	s23 =	simm.s32 $0x40;
	v1 =	vld.idx.msk [tilespmem:v2+s2+$0x0], $0xffff  }
0x4e: {  	v2 =	vor.u32 s23, v0;
	_ =	sdelay $0x3  }
0x4f: {  	[tilespmem:s21+$0xFFFFFFF0] =	vst v1  }
0x50: {  	s24 =	simm.s32 $0x44;
	v1 =	vld.idx.msk [tilespmem:v2+s2+$0x0], $0xffff  }
0x51: {  	v2 =	vor.u32 s24, v0;
	_ =	sdelay $0x3  }
0x52: {  	[tilespmem:s21+$0x0] =	vst v1  }
0x53: {  	s25 =	simm.s32 $0x48;
	v1 =	vld.idx.msk [tilespmem:v2+s2+$0x0], $0xffff  }
0x54: {  	v2 =	vor.u32 s25, v0;
	_ =	sdelay $0x3  }
0x55: {  	[tilespmem:s21+$0x10] =	vst v1  }
0x56: {  	s26 =	simm.s32 $0x4C;
	v1 =	vld.idx.msk [tilespmem:v2+s2+$0x0], $0xffff  }
0x57: {  	v2 =	vor.u32 s26, v0;
	_ =	sdelay $0x3  }
0x58: {  	[tilespmem:s21+$0x20] =	vst v1  }
0x59: {  	s28 =	simm.s32 $0x50;
	v1 =	vld.idx.msk [tilespmem:v2+s2+$0x0], $0xffff  }
0x5a: {  	v2 =	vor.u32 s28, v0;
	_ =	sdelay $0x3  }
0x5b: {  	[tilespmem:s21+$0x30] =	vst v1  }
0x5c: {  	s29 =	simm.s32 $0x54;
	v1 =	vld.idx.msk [tilespmem:v2+s2+$0x0], $0xffff  }
0x5d: {  	v2 =	vor.u32 s29, v0;
	_ =	sdelay $0x3  }
0x5e: {  	[tilespmem:s21+$0x40] =	vst v1  }
0x5f: {  	s30 =	simm.s32 $0x58;
	v1 =	vld.idx.msk [tilespmem:v2+s2+$0x0], $0xffff  }
0x60: {  	v2 =	vor.u32 s30, v0;
	_ =	sdelay $0x3  }
0x61: {  	[tilespmem:s21+$0x50] =	vst v1  }
0x62: {  	s31 =	simm.s32 $0x5C;
	v1 =	vld.idx.msk [tilespmem:v2+s2+$0x0], $0xffff  }
0x63: {  	v2 =	vor.u32 s31, v0;
	_ =	sdelay $0x3  }
0x64: {  	[tilespmem:s21+$0x60] =	vst v1  }
0x65: {  	s23 =	simm.s32 $0x60;
	v1 =	vld.idx.msk [tilespmem:v2+s2+$0x0], $0xffff  }
0x66: {  	v2 =	vor.u32 s23, v0;
	_ =	sdelay $0x3  }
0x67: {  	[tilespmem:s21+$0x70] =	vst v1  }
0x68: {  	s24 =	simm.s32 $0x64;
	v1 =	vld.idx.msk [tilespmem:v2+s2+$0x0], $0xffff  }
0x69: {  	v2 =	vor.u32 s24, v0;
	_ =	sdelay $0x3  }
0x6a: {  	[tilespmem:s21+$0x80] =	vst v1  }
0x6b: {  	s25 =	simm.s32 $0x68;
	v1 =	vld.idx.msk [tilespmem:v2+s2+$0x0], $0xffff  }
0x6c: {  	v2 =	vor.u32 s25, v0;
	_ =	sdelay $0x3  }
0x6d: {  	[tilespmem:s21+$0x90] =	vst v1  }
0x6e: {  	s26 =	simm.s32 $0x6C;
	v1 =	vld.idx.msk [tilespmem:v2+s2+$0x0], $0xffff  }
0x6f: {  	v2 =	vor.u32 s26, v0;
	_ =	sdelay $0x3  }
0x70: {  	[tilespmem:s21+$0xA0] =	vst v1  }
0x71: {  	s28 =	simm.s32 $0x70;
	v1 =	vld.idx.msk [tilespmem:v2+s2+$0x0], $0xffff  }
0x72: {  	v2 =	vor.u32 s28, v0;
	_ =	sdelay $0x3  }
0x73: {  	[tilespmem:s21+$0xB0] =	vst v1  }
0x74: {  	s29 =	simm.s32 $0x74;
	v1 =	vld.idx.msk [tilespmem:v2+s2+$0x0], $0xffff  }
0x75: {  	v2 =	vor.u32 s29, v0;
	_ =	sdelay $0x3  }
0x76: {  	[tilespmem:s21+$0xC0] =	vst v1  }
0x77: {  	s30 =	simm.s32 $0x78;
	v1 =	vld.idx.msk [tilespmem:v2+s2+$0x0], $0xffff  }
0x78: {  	v2 =	vor.u32 s30, v0;
	_ =	sdelay $0x3  }
0x79: {  	[tilespmem:s21+$0xD0] =	vst v1  }
0x7a: {  	s31 =	simm.s32 $0x7C;
	v1 =	vld.idx.msk [tilespmem:v2+s2+$0x0], $0xffff  }
0x7b: {  	v2 =	vor.u32 s31, v0;
	_ =	sdelay $0x3  }
0x7c: {  	[tilespmem:s21+$0xE0] =	vst v1  }
0x7d: {  	s22 =	simm.s32 $0x27C;
	s23 =	simm.s32 $0x47C;
	s24 =	simm.s32 $0x200;
	v1 =	vld.idx.msk [tilespmem:v2+s2+$0x0], $0xffff  }
.LBB2_3:
0x7e: {  	p1 =	sne.s32 s23, $0x3E7C;
	v2 =	vor.u32 s24, v0;
	_ =	sdelay $0x3  }
0x7f: {  	[tilespmem:s21+$0xF0] =	vst v1  }
0x80: {  	v1 =	vld.idx.msk [tilespmem:v2+s2+$0x0], $0xffff  }
0x81: {  	s24 =	sadd.s32 $0xFFFFFF88, s22  }
0x82: {  	v2 =	vor.u32 s24, v0;
	_ =	sdelay $0x2  }
0x83: {  	s21 =	sadd.s32 $0x200, s21  }
0x84: {  	[tilespmem:s21+$0xFFFFFF00] =	vst v1  }
0x85: {  	v1 =	vld.idx.msk [tilespmem:v2+s2+$0x0], $0xffff  }
0x86: {  	s24 =	sadd.s32 $0xFFFFFF8C, s22  }
0x87: {  	v2 =	vor.u32 s24, v0;
	_ =	sdelay $0x3  }
0x88: {  	[tilespmem:s21+$0xFFFFFF10] =	vst v1  }
0x89: {  	v1 =	vld.idx.msk [tilespmem:v2+s2+$0x0], $0xffff  }
0x8a: {  	s24 =	sadd.s32 $0xFFFFFF90, s22  }
0x8b: {  	v2 =	vor.u32 s24, v0;
	_ =	sdelay $0x3  }
0x8c: {  	[tilespmem:s21+$0xFFFFFF20] =	vst v1  }
0x8d: {  	v1 =	vld.idx.msk [tilespmem:v2+s2+$0x0], $0xffff  }
0x8e: {  	s24 =	sadd.s32 $0xFFFFFF94, s22  }
0x8f: {  	v2 =	vor.u32 s24, v0;
	_ =	sdelay $0x3  }
0x90: {  	[tilespmem:s21+$0xFFFFFF30] =	vst v1  }
0x91: {  	v1 =	vld.idx.msk [tilespmem:v2+s2+$0x0], $0xffff  }
0x92: {  	s24 =	sadd.s32 $0xFFFFFF98, s22  }
0x93: {  	v2 =	vor.u32 s24, v0;
	_ =	sdelay $0x3  }
0x94: {  	[tilespmem:s21+$0xFFFFFF40] =	vst v1  }
0x95: {  	v1 =	vld.idx.msk [tilespmem:v2+s2+$0x0], $0xffff  }
0x96: {  	s24 =	sadd.s32 $0xFFFFFF9C, s22  }
0x97: {  	v2 =	vor.u32 s24, v0;
	_ =	sdelay $0x3  }
0x98: {  	[tilespmem:s21+$0xFFFFFF50] =	vst v1  }
0x99: {  	v1 =	vld.idx.msk [tilespmem:v2+s2+$0x0], $0xffff  }
0x9a: {  	s24 =	sadd.s32 $0xFFFFFFA0, s22  }
0x9b: {  	v2 =	vor.u32 s24, v0;
	_ =	sdelay $0x3  }
0x9c: {  	[tilespmem:s21+$0xFFFFFF60] =	vst v1  }
0x9d: {  	v1 =	vld.idx.msk [tilespmem:v2+s2+$0x0], $0xffff  }
0x9e: {  	s24 =	sadd.s32 $0xFFFFFFA4, s22  }
0x9f: {  	v2 =	vor.u32 s24, v0;
	_ =	sdelay $0x3  }
0xa0: {  	[tilespmem:s21+$0xFFFFFF70] =	vst v1  }
0xa1: {  	v1 =	vld.idx.msk [tilespmem:v2+s2+$0x0], $0xffff  }
0xa2: {  	s24 =	sadd.s32 $0xFFFFFFA8, s22  }
0xa3: {  	v2 =	vor.u32 s24, v0;
	_ =	sdelay $0x3  }
0xa4: {  	[tilespmem:s21+$0xFFFFFF80] =	vst v1  }
0xa5: {  	v1 =	vld.idx.msk [tilespmem:v2+s2+$0x0], $0xffff  }
0xa6: {  	s24 =	sadd.s32 $0xFFFFFFAC, s22  }
0xa7: {  	v2 =	vor.u32 s24, v0;
	_ =	sdelay $0x3  }
0xa8: {  	[tilespmem:s21+$0xFFFFFF90] =	vst v1  }
0xa9: {  	v1 =	vld.idx.msk [tilespmem:v2+s2+$0x0], $0xffff  }
0xaa: {  	s24 =	sadd.s32 $0xFFFFFFB0, s22  }
0xab: {  	v2 =	vor.u32 s24, v0;
	_ =	sdelay $0x3  }
0xac: {  	[tilespmem:s21+$0xFFFFFFA0] =	vst v1  }
0xad: {  	v1 =	vld.idx.msk [tilespmem:v2+s2+$0x0], $0xffff  }
0xae: {  	s24 =	sadd.s32 $0xFFFFFFB4, s22  }
0xaf: {  	v2 =	vor.u32 s24, v0;
	_ =	sdelay $0x3  }
0xb0: {  	[tilespmem:s21+$0xFFFFFFB0] =	vst v1  }
0xb1: {  	v1 =	vld.idx.msk [tilespmem:v2+s2+$0x0], $0xffff  }
0xb2: {  	s24 =	sadd.s32 $0xFFFFFFB8, s22  }
0xb3: {  	v2 =	vor.u32 s24, v0;
	_ =	sdelay $0x3  }
0xb4: {  	[tilespmem:s21+$0xFFFFFFC0] =	vst v1  }
0xb5: {  	v1 =	vld.idx.msk [tilespmem:v2+s2+$0x0], $0xffff  }
0xb6: {  	s24 =	sadd.s32 $0xFFFFFFBC, s22  }
0xb7: {  	v2 =	vor.u32 s24, v0;
	_ =	sdelay $0x3  }
0xb8: {  	[tilespmem:s21+$0xFFFFFFD0] =	vst v1  }
0xb9: {  	v1 =	vld.idx.msk [tilespmem:v2+s2+$0x0], $0xffff  }
0xba: {  	s24 =	sadd.s32 $0xFFFFFFC0, s22  }
0xbb: {  	v2 =	vor.u32 s24, v0;
	_ =	sdelay $0x3  }
0xbc: {  	[tilespmem:s21+$0xFFFFFFE0] =	vst v1  }
0xbd: {  	v1 =	vld.idx.msk [tilespmem:v2+s2+$0x0], $0xffff  }
0xbe: {  	s24 =	sadd.s32 $0xFFFFFFC4, s22  }
0xbf: {  	v2 =	vor.u32 s24, v0;
	_ =	sdelay $0x3  }
0xc0: {  	[tilespmem:s21+$0xFFFFFFF0] =	vst v1  }
0xc1: {  	v1 =	vld.idx.msk [tilespmem:v2+s2+$0x0], $0xffff  }
0xc2: {  	s24 =	sadd.s32 $0xFFFFFFC8, s22  }
0xc3: {  	v2 =	vor.u32 s24, v0;
	_ =	sdelay $0x3  }
0xc4: {  	[tilespmem:s21+$0x0] =	vst v1  }
0xc5: {  	v1 =	vld.idx.msk [tilespmem:v2+s2+$0x0], $0xffff  }
0xc6: {  	s24 =	sadd.s32 $0xFFFFFFCC, s22  }
0xc7: {  	v2 =	vor.u32 s24, v0;
	_ =	sdelay $0x3  }
0xc8: {  	[tilespmem:s21+$0x10] =	vst v1  }
0xc9: {  	v1 =	vld.idx.msk [tilespmem:v2+s2+$0x0], $0xffff  }
0xca: {  	s24 =	sadd.s32 $0xFFFFFFD0, s22  }
0xcb: {  	v2 =	vor.u32 s24, v0;
	_ =	sdelay $0x3  }
0xcc: {  	[tilespmem:s21+$0x20] =	vst v1  }
0xcd: {  	v1 =	vld.idx.msk [tilespmem:v2+s2+$0x0], $0xffff  }
0xce: {  	s24 =	sadd.s32 $0xFFFFFFD4, s22  }
0xcf: {  	v2 =	vor.u32 s24, v0;
	_ =	sdelay $0x3  }
0xd0: {  	[tilespmem:s21+$0x30] =	vst v1  }
0xd1: {  	v1 =	vld.idx.msk [tilespmem:v2+s2+$0x0], $0xffff  }
0xd2: {  	s24 =	sadd.s32 $0xFFFFFFD8, s22  }
0xd3: {  	v2 =	vor.u32 s24, v0;
	_ =	sdelay $0x3  }
0xd4: {  	[tilespmem:s21+$0x40] =	vst v1  }
0xd5: {  	v1 =	vld.idx.msk [tilespmem:v2+s2+$0x0], $0xffff  }
0xd6: {  	s24 =	sadd.s32 $0xFFFFFFDC, s22  }
0xd7: {  	v2 =	vor.u32 s24, v0;
	_ =	sdelay $0x3  }
0xd8: {  	[tilespmem:s21+$0x50] =	vst v1  }
0xd9: {  	v1 =	vld.idx.msk [tilespmem:v2+s2+$0x0], $0xffff  }
0xda: {  	s24 =	sadd.s32 $0xFFFFFFE0, s22  }
0xdb: {  	v2 =	vor.u32 s24, v0;
	_ =	sdelay $0x3  }
0xdc: {  	[tilespmem:s21+$0x60] =	vst v1  }
0xdd: {  	v1 =	vld.idx.msk [tilespmem:v2+s2+$0x0], $0xffff  }
0xde: {  	s24 =	sadd.s32 $0xFFFFFFE4, s22  }
0xdf: {  	v2 =	vor.u32 s24, v0;
	_ =	sdelay $0x3  }
0xe0: {  	[tilespmem:s21+$0x70] =	vst v1  }
0xe1: {  	v1 =	vld.idx.msk [tilespmem:v2+s2+$0x0], $0xffff  }
0xe2: {  	s24 =	sadd.s32 $0xFFFFFFE8, s22  }
0xe3: {  	v2 =	vor.u32 s24, v0;
	_ =	sdelay $0x3  }
0xe4: {  	[tilespmem:s21+$0x80] =	vst v1  }
0xe5: {  	v1 =	vld.idx.msk [tilespmem:v2+s2+$0x0], $0xffff  }
0xe6: {  	s24 =	sadd.s32 $0xFFFFFFEC, s22  }
0xe7: {  	v2 =	vor.u32 s24, v0;
	_ =	sdelay $0x3  }
0xe8: {  	[tilespmem:s21+$0x90] =	vst v1  }
0xe9: {  	v1 =	vld.idx.msk [tilespmem:v2+s2+$0x0], $0xffff  }
0xea: {  	s24 =	sadd.s32 $0xFFFFFFF0, s22  }
0xeb: {  	v2 =	vor.u32 s24, v0;
	_ =	sdelay $0x3  }
0xec: {  	[tilespmem:s21+$0xA0] =	vst v1  }
0xed: {  	v1 =	vld.idx.msk [tilespmem:v2+s2+$0x0], $0xffff  }
0xee: {  	s24 =	sadd.s32 $0xFFFFFFF4, s22  }
0xef: {  	v2 =	vor.u32 s24, v0;
	_ =	sdelay $0x3  }
0xf0: {  	[tilespmem:s21+$0xB0] =	vst v1  }
0xf1: {  	v1 =	vld.idx.msk [tilespmem:v2+s2+$0x0], $0xffff  }
0xf2: {  	s24 =	sadd.s32 $0xFFFFFFF8, s22  }
0xf3: {  	v2 =	vor.u32 s24, v0;
	_ =	sdelay $0x3  }
0xf4: {  	[tilespmem:s21+$0xC0] =	vst v1  }
0xf5: {  	v1 =	vld.idx.msk [tilespmem:v2+s2+$0x0], $0xffff  }
0xf6: {  	s24 =	sadd.s32 $0xFFFFFFFC, s22  }
0xf7: {  	v2 =	vor.u32 s24, v0;
	_ =	sdelay $0x3  }
0xf8: {  	[tilespmem:s21+$0xD0] =	vst v1  }
0xf9: {  	v1 =	vld.idx.msk [tilespmem:v2+s2+$0x0], $0xffff;
	_ =	sdelay $0x1  }
0xfa: {  	v2 =	vor.u32 s22, v0;
	s22 =	smov.u32 s23;
	_ =	sdelay $0x1  }
.Ltmp0:
0xfb: {  	(pc) =	sbr.rel @p1 .LBB2_3-.Ltmp0, $4  }
0xfc: {  	_ = 	snop  }
0xfd: {  	[tilespmem:s21+$0xE0] =	vst v1  }
0xfe: {  	v1 =	vld.idx.msk [tilespmem:v2+s2+$0x0], $0xffff  }
0xff: {  	s23 =	sadd.s32 $0x200, s23;
	s24 =	sadd.s32 $0xFFFFFF84, s22  }
0x100: {  	v2 =	vor.u32 s24, v0;
	_ =	sdelay $0x3  }
0x101: {  	[tilespmem:s21+$0xF0] =	vst v1  }
0x102: {  	s23 =	sadd.s32 $0xFFFFFF88, s22;
	v1 =	vld.idx.msk [tilespmem:v2+s2+$0x0], $0xffff  }
0x103: {  	v2 =	vor.u32 s23, v0;
	_ =	sdelay $0x2  }
0x104: {  	s21 =	sadd.s32 $0x200, s21  }
0x105: {  	[tilespmem:s21+$0xFFFFFF00] =	vst v1  }
0x106: {  	s29 =	sadd.s32 $0xFFFFFF8C, s22;
	v1 =	vld.idx.msk [tilespmem:v2+s2+$0x0], $0xffff  }
0x107: {  	v2 =	vor.u32 s29, v0;
	_ =	sdelay $0x3  }
0x108: {  	[tilespmem:s21+$0xFFFFFF10] =	vst v1  }
0x109: {  	s30 =	sadd.s32 $0xFFFFFF90, s22;
	v1 =	vld.idx.msk [tilespmem:v2+s2+$0x0], $0xffff  }
0x10a: {  	v2 =	vor.u32 s30, v0;
	_ =	sdelay $0x3  }
0x10b: {  	[tilespmem:s21+$0xFFFFFF20] =	vst v1  }
0x10c: {  	s31 =	sadd.s32 $0xFFFFFF94, s22;
	v1 =	vld.idx.msk [tilespmem:v2+s2+$0x0], $0xffff  }
0x10d: {  	v2 =	vor.u32 s31, v0;
	_ =	sdelay $0x3  }
0x10e: {  	[tilespmem:s21+$0xFFFFFF30] =	vst v1  }
0x10f: {  	s24 =	sadd.s32 $0xFFFFFF98, s22;
	v1 =	vld.idx.msk [tilespmem:v2+s2+$0x0], $0xffff  }
0x110: {  	v2 =	vor.u32 s24, v0;
	_ =	sdelay $0x3  }
0x111: {  	[tilespmem:s21+$0xFFFFFF40] =	vst v1  }
0x112: {  	s25 =	sadd.s32 $0xFFFFFF9C, s22;
	v1 =	vld.idx.msk [tilespmem:v2+s2+$0x0], $0xffff  }
0x113: {  	v2 =	vor.u32 s25, v0;
	_ =	sdelay $0x3  }
0x114: {  	[tilespmem:s21+$0xFFFFFF50] =	vst v1  }
0x115: {  	s26 =	sadd.s32 $0xFFFFFFA0, s22;
	v1 =	vld.idx.msk [tilespmem:v2+s2+$0x0], $0xffff  }
0x116: {  	v2 =	vor.u32 s26, v0;
	_ =	sdelay $0x3  }
0x117: {  	[tilespmem:s21+$0xFFFFFF60] =	vst v1  }
0x118: {  	s28 =	sadd.s32 $0xFFFFFFA4, s22;
	v1 =	vld.idx.msk [tilespmem:v2+s2+$0x0], $0xffff  }
0x119: {  	v2 =	vor.u32 s28, v0;
	_ =	sdelay $0x3  }
0x11a: {  	[tilespmem:s21+$0xFFFFFF70] =	vst v1  }
0x11b: {  	s29 =	sadd.s32 $0xFFFFFFA8, s22;
	v1 =	vld.idx.msk [tilespmem:v2+s2+$0x0], $0xffff  }
0x11c: {  	v2 =	vor.u32 s29, v0;
	_ =	sdelay $0x3  }
0x11d: {  	[tilespmem:s21+$0xFFFFFF80] =	vst v1  }
0x11e: {  	s30 =	sadd.s32 $0xFFFFFFAC, s22;
	v1 =	vld.idx.msk [tilespmem:v2+s2+$0x0], $0xffff  }
0x11f: {  	v2 =	vor.u32 s30, v0;
	_ =	sdelay $0x3  }
0x120: {  	[tilespmem:s21+$0xFFFFFF90] =	vst v1  }
0x121: {  	s31 =	sadd.s32 $0xFFFFFFB0, s22;
	v1 =	vld.idx.msk [tilespmem:v2+s2+$0x0], $0xffff  }
0x122: {  	v2 =	vor.u32 s31, v0;
	_ =	sdelay $0x3  }
0x123: {  	[tilespmem:s21+$0xFFFFFFA0] =	vst v1  }
0x124: {  	s24 =	sadd.s32 $0xFFFFFFB4, s22;
	v1 =	vld.idx.msk [tilespmem:v2+s2+$0x0], $0xffff  }
0x125: {  	v2 =	vor.u32 s24, v0;
	_ =	sdelay $0x3  }
0x126: {  	[tilespmem:s21+$0xFFFFFFB0] =	vst v1  }
0x127: {  	s25 =	sadd.s32 $0xFFFFFFB8, s22;
	v1 =	vld.idx.msk [tilespmem:v2+s2+$0x0], $0xffff  }
0x128: {  	v2 =	vor.u32 s25, v0;
	_ =	sdelay $0x3  }
0x129: {  	[tilespmem:s21+$0xFFFFFFC0] =	vst v1  }
0x12a: {  	s26 =	sadd.s32 $0xFFFFFFBC, s22;
	v1 =	vld.idx.msk [tilespmem:v2+s2+$0x0], $0xffff  }
0x12b: {  	v2 =	vor.u32 s26, v0;
	_ =	sdelay $0x3  }
0x12c: {  	[tilespmem:s21+$0xFFFFFFD0] =	vst v1  }
0x12d: {  	s28 =	sadd.s32 $0xFFFFFFC0, s22;
	v1 =	vld.idx.msk [tilespmem:v2+s2+$0x0], $0xffff  }
0x12e: {  	v2 =	vor.u32 s28, v0;
	_ =	sdelay $0x3  }
0x12f: {  	[tilespmem:s21+$0xFFFFFFE0] =	vst v1  }
0x130: {  	s29 =	sadd.s32 $0xFFFFFFC4, s22;
	v1 =	vld.idx.msk [tilespmem:v2+s2+$0x0], $0xffff  }
0x131: {  	v2 =	vor.u32 s29, v0;
	_ =	sdelay $0x3  }
0x132: {  	[tilespmem:s21+$0xFFFFFFF0] =	vst v1  }
0x133: {  	s30 =	sadd.s32 $0xFFFFFFC8, s22;
	v1 =	vld.idx.msk [tilespmem:v2+s2+$0x0], $0xffff  }
0x134: {  	v2 =	vor.u32 s30, v0;
	_ =	sdelay $0x3  }
0x135: {  	[tilespmem:s21+$0x0] =	vst v1  }
0x136: {  	s31 =	sadd.s32 $0xFFFFFFCC, s22;
	v1 =	vld.idx.msk [tilespmem:v2+s2+$0x0], $0xffff  }
0x137: {  	v2 =	vor.u32 s31, v0;
	_ =	sdelay $0x3  }
0x138: {  	[tilespmem:s21+$0x10] =	vst v1  }
0x139: {  	s24 =	sadd.s32 $0xFFFFFFD0, s22;
	v1 =	vld.idx.msk [tilespmem:v2+s2+$0x0], $0xffff  }
0x13a: {  	v2 =	vor.u32 s24, v0;
	_ =	sdelay $0x3  }
0x13b: {  	[tilespmem:s21+$0x20] =	vst v1  }
0x13c: {  	s25 =	sadd.s32 $0xFFFFFFD4, s22;
	v1 =	vld.idx.msk [tilespmem:v2+s2+$0x0], $0xffff  }
0x13d: {  	v2 =	vor.u32 s25, v0;
	_ =	sdelay $0x3  }
0x13e: {  	[tilespmem:s21+$0x30] =	vst v1  }
0x13f: {  	s26 =	sadd.s32 $0xFFFFFFD8, s22;
	v1 =	vld.idx.msk [tilespmem:v2+s2+$0x0], $0xffff  }
0x140: {  	v2 =	vor.u32 s26, v0;
	_ =	sdelay $0x3  }
0x141: {  	[tilespmem:s21+$0x40] =	vst v1  }
0x142: {  	s28 =	sadd.s32 $0xFFFFFFDC, s22;
	v1 =	vld.idx.msk [tilespmem:v2+s2+$0x0], $0xffff  }
0x143: {  	v2 =	vor.u32 s28, v0;
	_ =	sdelay $0x3  }
0x144: {  	[tilespmem:s21+$0x50] =	vst v1  }
0x145: {  	s29 =	sadd.s32 $0xFFFFFFE0, s22;
	v1 =	vld.idx.msk [tilespmem:v2+s2+$0x0], $0xffff  }
0x146: {  	v2 =	vor.u32 s29, v0;
	_ =	sdelay $0x3  }
0x147: {  	[tilespmem:s21+$0x60] =	vst v1  }
0x148: {  	s30 =	sadd.s32 $0xFFFFFFE4, s22;
	v1 =	vld.idx.msk [tilespmem:v2+s2+$0x0], $0xffff  }
0x149: {  	v2 =	vor.u32 s30, v0;
	_ =	sdelay $0x3  }
0x14a: {  	[tilespmem:s21+$0x70] =	vst v1  }
0x14b: {  	s31 =	sadd.s32 $0xFFFFFFE8, s22;
	v1 =	vld.idx.msk [tilespmem:v2+s2+$0x0], $0xffff  }
0x14c: {  	v2 =	vor.u32 s31, v0;
	_ =	sdelay $0x3  }
0x14d: {  	[tilespmem:s21+$0x80] =	vst v1  }
0x14e: {  	s24 =	sadd.s32 $0xFFFFFFEC, s22;
	v1 =	vld.idx.msk [tilespmem:v2+s2+$0x0], $0xffff  }
0x14f: {  	v2 =	vor.u32 s24, v0;
	_ =	sdelay $0x3  }
0x150: {  	[tilespmem:s21+$0x90] =	vst v1  }
0x151: {  	s25 =	sadd.s32 $0xFFFFFFF0, s22;
	v1 =	vld.idx.msk [tilespmem:v2+s2+$0x0], $0xffff  }
0x152: {  	v2 =	vor.u32 s25, v0;
	_ =	sdelay $0x3  }
0x153: {  	[tilespmem:s21+$0xA0] =	vst v1  }
0x154: {  	s26 =	sadd.s32 $0xFFFFFFF4, s22;
	v1 =	vld.idx.msk [tilespmem:v2+s2+$0x0], $0xffff  }
0x155: {  	v2 =	vor.u32 s26, v0;
	_ =	sdelay $0x3  }
0x156: {  	[tilespmem:s21+$0xB0] =	vst v1  }
0x157: {  	s28 =	sadd.s32 $0xFFFFFFF8, s22;
	v1 =	vld.idx.msk [tilespmem:v2+s2+$0x0], $0xffff  }
0x158: {  	v2 =	vor.u32 s28, v0;
	_ =	sdelay $0x3  }
0x159: {  	[tilespmem:s21+$0xC0] =	vst v1  }
0x15a: {  	s29 =	sadd.s32 $0xFFFFFFFC, s22;
	v1 =	vld.idx.msk [tilespmem:v2+s2+$0x0], $0xffff  }
0x15b: {  	v2 =	vor.u32 s29, v0;
	_ =	sdelay $0x3  }
0x15c: {  	[tilespmem:s21+$0xD0] =	vst v1  }
0x15d: {  	v1 =	vld.idx.msk [tilespmem:v2+s2+$0x0], $0xffff  }
0x15e: {  	v2 =	vor.u32 s22, v0;
	_ =	sdelay $0x3  }
0x15f: {  	[tilespmem:s21+$0xE0] =	vst v1  }
0x160: {  	v1 =	vld.idx.msk [tilespmem:v2+s2+$0x0], $0xffff  }
0x161: {  	p1 =	sne.s32 s18, $0xF  }
.Ltmp1:
0x162: {  	_ = 	snop;
	(pc) =	sbr.rel @p1 .LBB2_6-.Ltmp1, $4  }
0x163: {  	_ = 	snop  }
0x164: {  	s30 =	sshll.u32 s18, $0xC  }
0x165: {  	s31 =	sadd.s32 s30, s7;
	[tilespmem:s21+$0xF0] =	vst v1  }
0x166: {  	[hbm4b:s31+s2] =	stream.linear.scatter [tilespmem:s12], [sflag:$0x3], $0x4000, $0x38;
	[tilespmem:$0x10000] =	vst v63  }
.Ltmp2:
0x167: {  	(pc) =	sbr.rel .LBB2_7-.Ltmp2, $4  }
0x168: {  	_ = 	snop  }
0x169: {  	_ =	swait.ge [sflag:s13], $0x4000  }
0x16a: {  	[sflag:s13] =	ssyncset.done $0x0  }
0x16b: {  	[sflag:s13] =	ssyncadd.s32 $0xFFFFC000  }
.LBB2_6:
0x16c: {  	s20 =	sadd.s32 s20, s8  }
0x16d: {  	s20 =	sshll.u32 s20, $0x6  }
.Ltmp3:
0x16e: {  	s20 =	sadd.s32 s1, s20;
	(pc) =	sbr.rel @p0 .LBB2_8-.Ltmp3, $4  }
0x16f: {  	[tilespmem:s2], [sflag:$0x1] =	stream.linear.gather [hbm4b:s20+s2], $0x4000, $0x38;
	[tilespmem:$0x10000] =	vst v63  }
0x170: {  	_ =	swait.ge [sflag:s13], $0x4000  }
0x171: {  	[sflag:s13] =	ssyncset.done $0x0  }
0x172: {  	[sflag:s13] =	ssyncadd.s32 $0xFFFFC000  }
.LBB2_7:
0x173: {  	_ =	swait.ge [sflag:s14], $0x4000  }
0x174: {  	[sflag:s14] =	ssyncset.done $0x0  }
0x175: {  	[sflag:s14] =	ssyncadd.s32 $0xFFFFC000  }
.LBB2_8:
0x176: {  	s20 =	simm.s32 $0x0  }
0x177: {  	v1 =	vor.u32 s20, v0;
	_ =	sdelay $0x4  }
0x178: {  	s29 =	simm.s32 $0x4;
	v1 =	vld.idx.msk [tilespmem:v1+s10+$0x0], $0xffff  }
0x179: {  	v2 =	vor.u32 s29, v0;
	_ =	sdelay $0x2  }
0x17a: {  	s20 =	simm.s32 $0xC100  }
0x17b: {  	[tilespmem:s20+$0xFFFFFF00] =	vst v1  }
0x17c: {  	s21 =	simm.s32 $0x8;
	v1 =	vld.idx.msk [tilespmem:v2+s10+$0x0], $0xffff  }
0x17d: {  	v2 =	vor.u32 s21, v0;
	_ =	sdelay $0x3  }
0x17e: {  	[tilespmem:s20+$0xFFFFFF10] =	vst v1  }
0x17f: {  	s30 =	simm.s32 $0xC;
	v1 =	vld.idx.msk [tilespmem:v2+s10+$0x0], $0xffff  }
0x180: {  	v2 =	vor.u32 s30, v0;
	_ =	sdelay $0x3  }
0x181: {  	[tilespmem:s20+$0xFFFFFF20] =	vst v1  }
0x182: {  	s31 =	simm.s32 $0x10;
	v1 =	vld.idx.msk [tilespmem:v2+s10+$0x0], $0xffff  }
0x183: {  	v2 =	vor.u32 s31, v0;
	_ =	sdelay $0x3  }
0x184: {  	[tilespmem:s20+$0xFFFFFF30] =	vst v1  }
0x185: {  	s22 =	simm.s32 $0x14;
	v1 =	vld.idx.msk [tilespmem:v2+s10+$0x0], $0xffff  }
0x186: {  	v2 =	vor.u32 s22, v0;
	_ =	sdelay $0x3  }
0x187: {  	[tilespmem:s20+$0xFFFFFF40] =	vst v1  }
0x188: {  	s23 =	simm.s32 $0x18;
	v1 =	vld.idx.msk [tilespmem:v2+s10+$0x0], $0xffff  }
0x189: {  	v2 =	vor.u32 s23, v0;
	_ =	sdelay $0x3  }
0x18a: {  	[tilespmem:s20+$0xFFFFFF50] =	vst v1  }
0x18b: {  	s24 =	simm.s32 $0x1C;
	v1 =	vld.idx.msk [tilespmem:v2+s10+$0x0], $0xffff  }
0x18c: {  	v2 =	vor.u32 s24, v0;
	_ =	sdelay $0x3  }
0x18d: {  	[tilespmem:s20+$0xFFFFFF60] =	vst v1  }
0x18e: {  	s25 =	simm.s32 $0x20;
	v1 =	vld.idx.msk [tilespmem:v2+s10+$0x0], $0xffff  }
0x18f: {  	v2 =	vor.u32 s25, v0;
	_ =	sdelay $0x3  }
0x190: {  	[tilespmem:s20+$0xFFFFFF70] =	vst v1  }
0x191: {  	s26 =	simm.s32 $0x24;
	v1 =	vld.idx.msk [tilespmem:v2+s10+$0x0], $0xffff  }
0x192: {  	v2 =	vor.u32 s26, v0;
	_ =	sdelay $0x3  }
0x193: {  	[tilespmem:s20+$0xFFFFFF80] =	vst v1  }
0x194: {  	s28 =	simm.s32 $0x28;
	v1 =	vld.idx.msk [tilespmem:v2+s10+$0x0], $0xffff  }
0x195: {  	v2 =	vor.u32 s28, v0;
	_ =	sdelay $0x3  }
0x196: {  	[tilespmem:s20+$0xFFFFFF90] =	vst v1  }
0x197: {  	s29 =	simm.s32 $0x2C;
	v1 =	vld.idx.msk [tilespmem:v2+s10+$0x0], $0xffff  }
0x198: {  	v2 =	vor.u32 s29, v0;
	_ =	sdelay $0x3  }
0x199: {  	[tilespmem:s20+$0xFFFFFFA0] =	vst v1  }
0x19a: {  	s30 =	simm.s32 $0x30;
	v1 =	vld.idx.msk [tilespmem:v2+s10+$0x0], $0xffff  }
0x19b: {  	v2 =	vor.u32 s30, v0;
	_ =	sdelay $0x3  }
0x19c: {  	[tilespmem:s20+$0xFFFFFFB0] =	vst v1  }
0x19d: {  	s31 =	simm.s32 $0x34;
	v1 =	vld.idx.msk [tilespmem:v2+s10+$0x0], $0xffff  }
0x19e: {  	v2 =	vor.u32 s31, v0;
	_ =	sdelay $0x3  }
0x19f: {  	[tilespmem:s20+$0xFFFFFFC0] =	vst v1  }
0x1a0: {  	s22 =	simm.s32 $0x38;
	v1 =	vld.idx.msk [tilespmem:v2+s10+$0x0], $0xffff  }
0x1a1: {  	v2 =	vor.u32 s22, v0;
	_ =	sdelay $0x3  }
0x1a2: {  	[tilespmem:s20+$0xFFFFFFD0] =	vst v1  }
0x1a3: {  	s23 =	simm.s32 $0x3C;
	v1 =	vld.idx.msk [tilespmem:v2+s10+$0x0], $0xffff  }
0x1a4: {  	v2 =	vor.u32 s23, v0;
	_ =	sdelay $0x3  }
0x1a5: {  	[tilespmem:s20+$0xFFFFFFE0] =	vst v1  }
0x1a6: {  	s24 =	simm.s32 $0x40;
	v1 =	vld.idx.msk [tilespmem:v2+s10+$0x0], $0xffff  }
0x1a7: {  	v2 =	vor.u32 s24, v0;
	_ =	sdelay $0x3  }
0x1a8: {  	[tilespmem:s20+$0xFFFFFFF0] =	vst v1  }
0x1a9: {  	s25 =	simm.s32 $0x44;
	v1 =	vld.idx.msk [tilespmem:v2+s10+$0x0], $0xffff  }
0x1aa: {  	v2 =	vor.u32 s25, v0;
	_ =	sdelay $0x3  }
0x1ab: {  	[tilespmem:s20+$0x0] =	vst v1  }
0x1ac: {  	s26 =	simm.s32 $0x48;
	v1 =	vld.idx.msk [tilespmem:v2+s10+$0x0], $0xffff  }
0x1ad: {  	v2 =	vor.u32 s26, v0;
	_ =	sdelay $0x3  }
0x1ae: {  	[tilespmem:s20+$0x10] =	vst v1  }
0x1af: {  	s28 =	simm.s32 $0x4C;
	v1 =	vld.idx.msk [tilespmem:v2+s10+$0x0], $0xffff  }
0x1b0: {  	v2 =	vor.u32 s28, v0;
	_ =	sdelay $0x3  }
0x1b1: {  	[tilespmem:s20+$0x20] =	vst v1  }
0x1b2: {  	s29 =	simm.s32 $0x50;
	v1 =	vld.idx.msk [tilespmem:v2+s10+$0x0], $0xffff  }
0x1b3: {  	v2 =	vor.u32 s29, v0;
	_ =	sdelay $0x3  }
0x1b4: {  	[tilespmem:s20+$0x30] =	vst v1  }
0x1b5: {  	s30 =	simm.s32 $0x54;
	v1 =	vld.idx.msk [tilespmem:v2+s10+$0x0], $0xffff  }
0x1b6: {  	v2 =	vor.u32 s30, v0;
	_ =	sdelay $0x3  }
0x1b7: {  	[tilespmem:s20+$0x40] =	vst v1  }
0x1b8: {  	s31 =	simm.s32 $0x58;
	v1 =	vld.idx.msk [tilespmem:v2+s10+$0x0], $0xffff  }
0x1b9: {  	v2 =	vor.u32 s31, v0;
	_ =	sdelay $0x3  }
0x1ba: {  	[tilespmem:s20+$0x50] =	vst v1  }
0x1bb: {  	s22 =	simm.s32 $0x5C;
	v1 =	vld.idx.msk [tilespmem:v2+s10+$0x0], $0xffff  }
0x1bc: {  	v2 =	vor.u32 s22, v0;
	_ =	sdelay $0x3  }
0x1bd: {  	[tilespmem:s20+$0x60] =	vst v1  }
0x1be: {  	s23 =	simm.s32 $0x60;
	v1 =	vld.idx.msk [tilespmem:v2+s10+$0x0], $0xffff  }
0x1bf: {  	v2 =	vor.u32 s23, v0;
	_ =	sdelay $0x3  }
0x1c0: {  	[tilespmem:s20+$0x70] =	vst v1  }
0x1c1: {  	s24 =	simm.s32 $0x64;
	v1 =	vld.idx.msk [tilespmem:v2+s10+$0x0], $0xffff  }
0x1c2: {  	v2 =	vor.u32 s24, v0;
	_ =	sdelay $0x3  }
0x1c3: {  	[tilespmem:s20+$0x80] =	vst v1  }
0x1c4: {  	s25 =	simm.s32 $0x68;
	v1 =	vld.idx.msk [tilespmem:v2+s10+$0x0], $0xffff  }
0x1c5: {  	v2 =	vor.u32 s25, v0;
	_ =	sdelay $0x3  }
0x1c6: {  	[tilespmem:s20+$0x90] =	vst v1  }
0x1c7: {  	s26 =	simm.s32 $0x6C;
	v1 =	vld.idx.msk [tilespmem:v2+s10+$0x0], $0xffff  }
0x1c8: {  	v2 =	vor.u32 s26, v0;
	_ =	sdelay $0x3  }
0x1c9: {  	[tilespmem:s20+$0xA0] =	vst v1  }
0x1ca: {  	s28 =	simm.s32 $0x70;
	v1 =	vld.idx.msk [tilespmem:v2+s10+$0x0], $0xffff  }
0x1cb: {  	v2 =	vor.u32 s28, v0;
	_ =	sdelay $0x3  }
0x1cc: {  	[tilespmem:s20+$0xB0] =	vst v1  }
0x1cd: {  	s29 =	simm.s32 $0x74;
	v1 =	vld.idx.msk [tilespmem:v2+s10+$0x0], $0xffff  }
0x1ce: {  	v2 =	vor.u32 s29, v0;
	_ =	sdelay $0x3  }
0x1cf: {  	[tilespmem:s20+$0xC0] =	vst v1  }
0x1d0: {  	s30 =	simm.s32 $0x78;
	v1 =	vld.idx.msk [tilespmem:v2+s10+$0x0], $0xffff  }
0x1d1: {  	v2 =	vor.u32 s30, v0;
	_ =	sdelay $0x3  }
0x1d2: {  	[tilespmem:s20+$0xD0] =	vst v1  }
0x1d3: {  	s31 =	simm.s32 $0x7C;
	v1 =	vld.idx.msk [tilespmem:v2+s10+$0x0], $0xffff  }
0x1d4: {  	v2 =	vor.u32 s31, v0;
	_ =	sdelay $0x3  }
0x1d5: {  	[tilespmem:s20+$0xE0] =	vst v1  }
0x1d6: {  	s21 =	simm.s32 $0x27C;
	s22 =	simm.s32 $0x47C;
	s23 =	simm.s32 $0x200;
	v1 =	vld.idx.msk [tilespmem:v2+s10+$0x0], $0xffff  }
.LBB2_9:
0x1d7: {  	p0 =	sne.s32 s22, $0x3E7C;
	v2 =	vor.u32 s23, v0;
	_ =	sdelay $0x3  }
0x1d8: {  	[tilespmem:s20+$0xF0] =	vst v1  }
0x1d9: {  	v1 =	vld.idx.msk [tilespmem:v2+s10+$0x0], $0xffff  }
0x1da: {  	s23 =	sadd.s32 $0xFFFFFF88, s21  }
0x1db: {  	v2 =	vor.u32 s23, v0;
	_ =	sdelay $0x2  }
0x1dc: {  	s20 =	sadd.s32 $0x200, s20  }
0x1dd: {  	[tilespmem:s20+$0xFFFFFF00] =	vst v1  }
0x1de: {  	v1 =	vld.idx.msk [tilespmem:v2+s10+$0x0], $0xffff  }
0x1df: {  	s23 =	sadd.s32 $0xFFFFFF8C, s21  }
0x1e0: {  	v2 =	vor.u32 s23, v0;
	_ =	sdelay $0x3  }
0x1e1: {  	[tilespmem:s20+$0xFFFFFF10] =	vst v1  }
0x1e2: {  	v1 =	vld.idx.msk [tilespmem:v2+s10+$0x0], $0xffff  }
0x1e3: {  	s23 =	sadd.s32 $0xFFFFFF90, s21  }
0x1e4: {  	v2 =	vor.u32 s23, v0;
	_ =	sdelay $0x3  }
0x1e5: {  	[tilespmem:s20+$0xFFFFFF20] =	vst v1  }
0x1e6: {  	v1 =	vld.idx.msk [tilespmem:v2+s10+$0x0], $0xffff  }
0x1e7: {  	s23 =	sadd.s32 $0xFFFFFF94, s21  }
0x1e8: {  	v2 =	vor.u32 s23, v0;
	_ =	sdelay $0x3  }
0x1e9: {  	[tilespmem:s20+$0xFFFFFF30] =	vst v1  }
0x1ea: {  	v1 =	vld.idx.msk [tilespmem:v2+s10+$0x0], $0xffff  }
0x1eb: {  	s23 =	sadd.s32 $0xFFFFFF98, s21  }
0x1ec: {  	v2 =	vor.u32 s23, v0;
	_ =	sdelay $0x3  }
0x1ed: {  	[tilespmem:s20+$0xFFFFFF40] =	vst v1  }
0x1ee: {  	v1 =	vld.idx.msk [tilespmem:v2+s10+$0x0], $0xffff  }
0x1ef: {  	s23 =	sadd.s32 $0xFFFFFF9C, s21  }
0x1f0: {  	v2 =	vor.u32 s23, v0;
	_ =	sdelay $0x3  }
0x1f1: {  	[tilespmem:s20+$0xFFFFFF50] =	vst v1  }
0x1f2: {  	v1 =	vld.idx.msk [tilespmem:v2+s10+$0x0], $0xffff  }
0x1f3: {  	s23 =	sadd.s32 $0xFFFFFFA0, s21  }
0x1f4: {  	v2 =	vor.u32 s23, v0;
	_ =	sdelay $0x3  }
0x1f5: {  	[tilespmem:s20+$0xFFFFFF60] =	vst v1  }
0x1f6: {  	v1 =	vld.idx.msk [tilespmem:v2+s10+$0x0], $0xffff  }
0x1f7: {  	s23 =	sadd.s32 $0xFFFFFFA4, s21  }
0x1f8: {  	v2 =	vor.u32 s23, v0;
	_ =	sdelay $0x3  }
0x1f9: {  	[tilespmem:s20+$0xFFFFFF70] =	vst v1  }
0x1fa: {  	v1 =	vld.idx.msk [tilespmem:v2+s10+$0x0], $0xffff  }
0x1fb: {  	s23 =	sadd.s32 $0xFFFFFFA8, s21  }
0x1fc: {  	v2 =	vor.u32 s23, v0;
	_ =	sdelay $0x3  }
0x1fd: {  	[tilespmem:s20+$0xFFFFFF80] =	vst v1  }
0x1fe: {  	v1 =	vld.idx.msk [tilespmem:v2+s10+$0x0], $0xffff  }
0x1ff: {  	s23 =	sadd.s32 $0xFFFFFFAC, s21  }
0x200: {  	v2 =	vor.u32 s23, v0;
	_ =	sdelay $0x3  }
0x201: {  	[tilespmem:s20+$0xFFFFFF90] =	vst v1  }
0x202: {  	v1 =	vld.idx.msk [tilespmem:v2+s10+$0x0], $0xffff  }
0x203: {  	s23 =	sadd.s32 $0xFFFFFFB0, s21  }
0x204: {  	v2 =	vor.u32 s23, v0;
	_ =	sdelay $0x3  }
0x205: {  	[tilespmem:s20+$0xFFFFFFA0] =	vst v1  }
0x206: {  	v1 =	vld.idx.msk [tilespmem:v2+s10+$0x0], $0xffff  }
0x207: {  	s23 =	sadd.s32 $0xFFFFFFB4, s21  }
0x208: {  	v2 =	vor.u32 s23, v0;
	_ =	sdelay $0x3  }
0x209: {  	[tilespmem:s20+$0xFFFFFFB0] =	vst v1  }
0x20a: {  	v1 =	vld.idx.msk [tilespmem:v2+s10+$0x0], $0xffff  }
0x20b: {  	s23 =	sadd.s32 $0xFFFFFFB8, s21  }
0x20c: {  	v2 =	vor.u32 s23, v0;
	_ =	sdelay $0x3  }
0x20d: {  	[tilespmem:s20+$0xFFFFFFC0] =	vst v1  }
0x20e: {  	v1 =	vld.idx.msk [tilespmem:v2+s10+$0x0], $0xffff  }
0x20f: {  	s23 =	sadd.s32 $0xFFFFFFBC, s21  }
0x210: {  	v2 =	vor.u32 s23, v0;
	_ =	sdelay $0x3  }
0x211: {  	[tilespmem:s20+$0xFFFFFFD0] =	vst v1  }
0x212: {  	v1 =	vld.idx.msk [tilespmem:v2+s10+$0x0], $0xffff  }
0x213: {  	s23 =	sadd.s32 $0xFFFFFFC0, s21  }
0x214: {  	v2 =	vor.u32 s23, v0;
	_ =	sdelay $0x3  }
0x215: {  	[tilespmem:s20+$0xFFFFFFE0] =	vst v1  }
0x216: {  	v1 =	vld.idx.msk [tilespmem:v2+s10+$0x0], $0xffff  }
0x217: {  	s23 =	sadd.s32 $0xFFFFFFC4, s21  }
0x218: {  	v2 =	vor.u32 s23, v0;
	_ =	sdelay $0x3  }
0x219: {  	[tilespmem:s20+$0xFFFFFFF0] =	vst v1  }
0x21a: {  	v1 =	vld.idx.msk [tilespmem:v2+s10+$0x0], $0xffff  }
0x21b: {  	s23 =	sadd.s32 $0xFFFFFFC8, s21  }
0x21c: {  	v2 =	vor.u32 s23, v0;
	_ =	sdelay $0x3  }
0x21d: {  	[tilespmem:s20+$0x0] =	vst v1  }
0x21e: {  	v1 =	vld.idx.msk [tilespmem:v2+s10+$0x0], $0xffff  }
0x21f: {  	s23 =	sadd.s32 $0xFFFFFFCC, s21  }
0x220: {  	v2 =	vor.u32 s23, v0;
	_ =	sdelay $0x3  }
0x221: {  	[tilespmem:s20+$0x10] =	vst v1  }
0x222: {  	v1 =	vld.idx.msk [tilespmem:v2+s10+$0x0], $0xffff  }
0x223: {  	s23 =	sadd.s32 $0xFFFFFFD0, s21  }
0x224: {  	v2 =	vor.u32 s23, v0;
	_ =	sdelay $0x3  }
0x225: {  	[tilespmem:s20+$0x20] =	vst v1  }
0x226: {  	v1 =	vld.idx.msk [tilespmem:v2+s10+$0x0], $0xffff  }
0x227: {  	s23 =	sadd.s32 $0xFFFFFFD4, s21  }
0x228: {  	v2 =	vor.u32 s23, v0;
	_ =	sdelay $0x3  }
0x229: {  	[tilespmem:s20+$0x30] =	vst v1  }
0x22a: {  	v1 =	vld.idx.msk [tilespmem:v2+s10+$0x0], $0xffff  }
0x22b: {  	s23 =	sadd.s32 $0xFFFFFFD8, s21  }
0x22c: {  	v2 =	vor.u32 s23, v0;
	_ =	sdelay $0x3  }
0x22d: {  	[tilespmem:s20+$0x40] =	vst v1  }
0x22e: {  	v1 =	vld.idx.msk [tilespmem:v2+s10+$0x0], $0xffff  }
0x22f: {  	s23 =	sadd.s32 $0xFFFFFFDC, s21  }
0x230: {  	v2 =	vor.u32 s23, v0;
	_ =	sdelay $0x3  }
0x231: {  	[tilespmem:s20+$0x50] =	vst v1  }
0x232: {  	v1 =	vld.idx.msk [tilespmem:v2+s10+$0x0], $0xffff  }
0x233: {  	s23 =	sadd.s32 $0xFFFFFFE0, s21  }
0x234: {  	v2 =	vor.u32 s23, v0;
	_ =	sdelay $0x3  }
0x235: {  	[tilespmem:s20+$0x60] =	vst v1  }
0x236: {  	v1 =	vld.idx.msk [tilespmem:v2+s10+$0x0], $0xffff  }
0x237: {  	s23 =	sadd.s32 $0xFFFFFFE4, s21  }
0x238: {  	v2 =	vor.u32 s23, v0;
	_ =	sdelay $0x3  }
0x239: {  	[tilespmem:s20+$0x70] =	vst v1  }
0x23a: {  	v1 =	vld.idx.msk [tilespmem:v2+s10+$0x0], $0xffff  }
0x23b: {  	s23 =	sadd.s32 $0xFFFFFFE8, s21  }
0x23c: {  	v2 =	vor.u32 s23, v0;
	_ =	sdelay $0x3  }
0x23d: {  	[tilespmem:s20+$0x80] =	vst v1  }
0x23e: {  	v1 =	vld.idx.msk [tilespmem:v2+s10+$0x0], $0xffff  }
0x23f: {  	s23 =	sadd.s32 $0xFFFFFFEC, s21  }
0x240: {  	v2 =	vor.u32 s23, v0;
	_ =	sdelay $0x3  }
0x241: {  	[tilespmem:s20+$0x90] =	vst v1  }
0x242: {  	v1 =	vld.idx.msk [tilespmem:v2+s10+$0x0], $0xffff  }
0x243: {  	s23 =	sadd.s32 $0xFFFFFFF0, s21  }
0x244: {  	v2 =	vor.u32 s23, v0;
	_ =	sdelay $0x3  }
0x245: {  	[tilespmem:s20+$0xA0] =	vst v1  }
0x246: {  	v1 =	vld.idx.msk [tilespmem:v2+s10+$0x0], $0xffff  }
0x247: {  	s23 =	sadd.s32 $0xFFFFFFF4, s21  }
0x248: {  	v2 =	vor.u32 s23, v0;
	_ =	sdelay $0x3  }
0x249: {  	[tilespmem:s20+$0xB0] =	vst v1  }
0x24a: {  	v1 =	vld.idx.msk [tilespmem:v2+s10+$0x0], $0xffff  }
0x24b: {  	s23 =	sadd.s32 $0xFFFFFFF8, s21  }
0x24c: {  	v2 =	vor.u32 s23, v0;
	_ =	sdelay $0x3  }
0x24d: {  	[tilespmem:s20+$0xC0] =	vst v1  }
0x24e: {  	v1 =	vld.idx.msk [tilespmem:v2+s10+$0x0], $0xffff  }
0x24f: {  	s23 =	sadd.s32 $0xFFFFFFFC, s21  }
0x250: {  	v2 =	vor.u32 s23, v0;
	_ =	sdelay $0x3  }
0x251: {  	[tilespmem:s20+$0xD0] =	vst v1  }
0x252: {  	v1 =	vld.idx.msk [tilespmem:v2+s10+$0x0], $0xffff;
	_ =	sdelay $0x1  }
0x253: {  	v2 =	vor.u32 s21, v0;
	s21 =	smov.u32 s22;
	_ =	sdelay $0x1  }
.Ltmp4:
0x254: {  	(pc) =	sbr.rel @p0 .LBB2_9-.Ltmp4, $4  }
0x255: {  	_ = 	snop  }
0x256: {  	[tilespmem:s20+$0xE0] =	vst v1  }
0x257: {  	v1 =	vld.idx.msk [tilespmem:v2+s10+$0x0], $0xffff  }
0x258: {  	s22 =	sadd.s32 $0x200, s22;
	s23 =	sadd.s32 $0xFFFFFF84, s21  }
0x259: {  	v2 =	vor.u32 s23, v0;
	_ =	sdelay $0x3  }
0x25a: {  	[tilespmem:s20+$0xF0] =	vst v1  }
0x25b: {  	s22 =	sadd.s32 $0xFFFFFF88, s21;
	v1 =	vld.idx.msk [tilespmem:v2+s10+$0x0], $0xffff  }
0x25c: {  	v2 =	vor.u32 s22, v0;
	_ =	sdelay $0x2  }
0x25d: {  	s20 =	sadd.s32 $0x200, s20  }
0x25e: {  	[tilespmem:s20+$0xFFFFFF00] =	vst v1  }
0x25f: {  	s26 =	sadd.s32 $0xFFFFFF8C, s21;
	v1 =	vld.idx.msk [tilespmem:v2+s10+$0x0], $0xffff  }
0x260: {  	v2 =	vor.u32 s26, v0;
	_ =	sdelay $0x3  }
0x261: {  	[tilespmem:s20+$0xFFFFFF10] =	vst v1  }
0x262: {  	s28 =	sadd.s32 $0xFFFFFF90, s21;
	v1 =	vld.idx.msk [tilespmem:v2+s10+$0x0], $0xffff  }
0x263: {  	v2 =	vor.u32 s28, v0;
	_ =	sdelay $0x3  }
0x264: {  	[tilespmem:s20+$0xFFFFFF20] =	vst v1  }
0x265: {  	s29 =	sadd.s32 $0xFFFFFF94, s21;
	v1 =	vld.idx.msk [tilespmem:v2+s10+$0x0], $0xffff  }
0x266: {  	v2 =	vor.u32 s29, v0;
	_ =	sdelay $0x3  }
0x267: {  	[tilespmem:s20+$0xFFFFFF30] =	vst v1  }
0x268: {  	s30 =	sadd.s32 $0xFFFFFF98, s21;
	v1 =	vld.idx.msk [tilespmem:v2+s10+$0x0], $0xffff  }
0x269: {  	v2 =	vor.u32 s30, v0;
	_ =	sdelay $0x3  }
0x26a: {  	[tilespmem:s20+$0xFFFFFF40] =	vst v1  }
0x26b: {  	s31 =	sadd.s32 $0xFFFFFF9C, s21;
	v1 =	vld.idx.msk [tilespmem:v2+s10+$0x0], $0xffff  }
0x26c: {  	v2 =	vor.u32 s31, v0;
	_ =	sdelay $0x3  }
0x26d: {  	[tilespmem:s20+$0xFFFFFF50] =	vst v1  }
0x26e: {  	s23 =	sadd.s32 $0xFFFFFFA0, s21;
	v1 =	vld.idx.msk [tilespmem:v2+s10+$0x0], $0xffff  }
0x26f: {  	v2 =	vor.u32 s23, v0;
	_ =	sdelay $0x3  }
0x270: {  	[tilespmem:s20+$0xFFFFFF60] =	vst v1  }
0x271: {  	s24 =	sadd.s32 $0xFFFFFFA4, s21;
	v1 =	vld.idx.msk [tilespmem:v2+s10+$0x0], $0xffff  }
0x272: {  	v2 =	vor.u32 s24, v0;
	_ =	sdelay $0x3  }
0x273: {  	[tilespmem:s20+$0xFFFFFF70] =	vst v1  }
0x274: {  	s25 =	sadd.s32 $0xFFFFFFA8, s21;
	v1 =	vld.idx.msk [tilespmem:v2+s10+$0x0], $0xffff  }
0x275: {  	v2 =	vor.u32 s25, v0;
	_ =	sdelay $0x3  }
0x276: {  	[tilespmem:s20+$0xFFFFFF80] =	vst v1  }
0x277: {  	s26 =	sadd.s32 $0xFFFFFFAC, s21;
	v1 =	vld.idx.msk [tilespmem:v2+s10+$0x0], $0xffff  }
0x278: {  	v2 =	vor.u32 s26, v0;
	_ =	sdelay $0x3  }
0x279: {  	[tilespmem:s20+$0xFFFFFF90] =	vst v1  }
0x27a: {  	s28 =	sadd.s32 $0xFFFFFFB0, s21;
	v1 =	vld.idx.msk [tilespmem:v2+s10+$0x0], $0xffff  }
0x27b: {  	v2 =	vor.u32 s28, v0;
	_ =	sdelay $0x3  }
0x27c: {  	[tilespmem:s20+$0xFFFFFFA0] =	vst v1  }
0x27d: {  	s29 =	sadd.s32 $0xFFFFFFB4, s21;
	v1 =	vld.idx.msk [tilespmem:v2+s10+$0x0], $0xffff  }
0x27e: {  	v2 =	vor.u32 s29, v0;
	_ =	sdelay $0x3  }
0x27f: {  	[tilespmem:s20+$0xFFFFFFB0] =	vst v1  }
0x280: {  	s30 =	sadd.s32 $0xFFFFFFB8, s21;
	v1 =	vld.idx.msk [tilespmem:v2+s10+$0x0], $0xffff  }
0x281: {  	v2 =	vor.u32 s30, v0;
	_ =	sdelay $0x3  }
0x282: {  	[tilespmem:s20+$0xFFFFFFC0] =	vst v1  }
0x283: {  	s31 =	sadd.s32 $0xFFFFFFBC, s21;
	v1 =	vld.idx.msk [tilespmem:v2+s10+$0x0], $0xffff  }
0x284: {  	v2 =	vor.u32 s31, v0;
	_ =	sdelay $0x3  }
0x285: {  	[tilespmem:s20+$0xFFFFFFD0] =	vst v1  }
0x286: {  	s23 =	sadd.s32 $0xFFFFFFC0, s21;
	v1 =	vld.idx.msk [tilespmem:v2+s10+$0x0], $0xffff  }
0x287: {  	v2 =	vor.u32 s23, v0;
	_ =	sdelay $0x3  }
0x288: {  	[tilespmem:s20+$0xFFFFFFE0] =	vst v1  }
0x289: {  	s24 =	sadd.s32 $0xFFFFFFC4, s21;
	v1 =	vld.idx.msk [tilespmem:v2+s10+$0x0], $0xffff  }
0x28a: {  	v2 =	vor.u32 s24, v0;
	_ =	sdelay $0x3  }
0x28b: {  	[tilespmem:s20+$0xFFFFFFF0] =	vst v1  }
0x28c: {  	s25 =	sadd.s32 $0xFFFFFFC8, s21;
	v1 =	vld.idx.msk [tilespmem:v2+s10+$0x0], $0xffff  }
0x28d: {  	v2 =	vor.u32 s25, v0;
	_ =	sdelay $0x3  }
0x28e: {  	[tilespmem:s20+$0x0] =	vst v1  }
0x28f: {  	s26 =	sadd.s32 $0xFFFFFFCC, s21;
	v1 =	vld.idx.msk [tilespmem:v2+s10+$0x0], $0xffff  }
0x290: {  	v2 =	vor.u32 s26, v0;
	_ =	sdelay $0x3  }
0x291: {  	[tilespmem:s20+$0x10] =	vst v1  }
0x292: {  	s28 =	sadd.s32 $0xFFFFFFD0, s21;
	v1 =	vld.idx.msk [tilespmem:v2+s10+$0x0], $0xffff  }
0x293: {  	v2 =	vor.u32 s28, v0;
	_ =	sdelay $0x3  }
0x294: {  	[tilespmem:s20+$0x20] =	vst v1  }
0x295: {  	s29 =	sadd.s32 $0xFFFFFFD4, s21;
	v1 =	vld.idx.msk [tilespmem:v2+s10+$0x0], $0xffff  }
0x296: {  	v2 =	vor.u32 s29, v0;
	_ =	sdelay $0x3  }
0x297: {  	[tilespmem:s20+$0x30] =	vst v1  }
0x298: {  	s30 =	sadd.s32 $0xFFFFFFD8, s21;
	v1 =	vld.idx.msk [tilespmem:v2+s10+$0x0], $0xffff  }
0x299: {  	v2 =	vor.u32 s30, v0;
	_ =	sdelay $0x3  }
0x29a: {  	[tilespmem:s20+$0x40] =	vst v1  }
0x29b: {  	s31 =	sadd.s32 $0xFFFFFFDC, s21;
	v1 =	vld.idx.msk [tilespmem:v2+s10+$0x0], $0xffff  }
0x29c: {  	v2 =	vor.u32 s31, v0;
	_ =	sdelay $0x3  }
0x29d: {  	[tilespmem:s20+$0x50] =	vst v1  }
0x29e: {  	s23 =	sadd.s32 $0xFFFFFFE0, s21;
	v1 =	vld.idx.msk [tilespmem:v2+s10+$0x0], $0xffff  }
0x29f: {  	v2 =	vor.u32 s23, v0;
	_ =	sdelay $0x3  }
0x2a0: {  	[tilespmem:s20+$0x60] =	vst v1  }
0x2a1: {  	s24 =	sadd.s32 $0xFFFFFFE4, s21;
	v1 =	vld.idx.msk [tilespmem:v2+s10+$0x0], $0xffff  }
0x2a2: {  	v2 =	vor.u32 s24, v0;
	_ =	sdelay $0x3  }
0x2a3: {  	[tilespmem:s20+$0x70] =	vst v1  }
0x2a4: {  	s25 =	sadd.s32 $0xFFFFFFE8, s21;
	v1 =	vld.idx.msk [tilespmem:v2+s10+$0x0], $0xffff  }
0x2a5: {  	v2 =	vor.u32 s25, v0;
	_ =	sdelay $0x3  }
0x2a6: {  	[tilespmem:s20+$0x80] =	vst v1  }
0x2a7: {  	s26 =	sadd.s32 $0xFFFFFFEC, s21;
	v1 =	vld.idx.msk [tilespmem:v2+s10+$0x0], $0xffff  }
0x2a8: {  	v2 =	vor.u32 s26, v0;
	_ =	sdelay $0x3  }
0x2a9: {  	[tilespmem:s20+$0x90] =	vst v1  }
0x2aa: {  	s28 =	sadd.s32 $0xFFFFFFF0, s21;
	v1 =	vld.idx.msk [tilespmem:v2+s10+$0x0], $0xffff  }
0x2ab: {  	v2 =	vor.u32 s28, v0;
	_ =	sdelay $0x3  }
0x2ac: {  	[tilespmem:s20+$0xA0] =	vst v1  }
0x2ad: {  	s29 =	sadd.s32 $0xFFFFFFF4, s21;
	v1 =	vld.idx.msk [tilespmem:v2+s10+$0x0], $0xffff  }
0x2ae: {  	v2 =	vor.u32 s29, v0;
	_ =	sdelay $0x3  }
0x2af: {  	[tilespmem:s20+$0xB0] =	vst v1  }
0x2b0: {  	s30 =	sadd.s32 $0xFFFFFFF8, s21;
	v1 =	vld.idx.msk [tilespmem:v2+s10+$0x0], $0xffff  }
0x2b1: {  	v2 =	vor.u32 s30, v0;
	_ =	sdelay $0x3  }
0x2b2: {  	[tilespmem:s20+$0xC0] =	vst v1  }
0x2b3: {  	s31 =	sadd.s32 $0xFFFFFFFC, s21;
	v1 =	vld.idx.msk [tilespmem:v2+s10+$0x0], $0xffff  }
0x2b4: {  	v2 =	vor.u32 s31, v0;
	_ =	sdelay $0x3  }
0x2b5: {  	[tilespmem:s20+$0xD0] =	vst v1  }
0x2b6: {  	v1 =	vld.idx.msk [tilespmem:v2+s10+$0x0], $0xffff  }
0x2b7: {  	v2 =	vor.u32 s21, v0;
	_ =	sdelay $0x3  }
0x2b8: {  	[tilespmem:s20+$0xE0] =	vst v1  }
0x2b9: {  	s18 =	sadd.s32 $0x1, s18;
	v1 =	vld.idx.msk [tilespmem:v2+s10+$0x0], $0xffff  }
0x2ba: {  	p0 =	sne.s32 s18, $0x10  }
.Ltmp5:
0x2bb: {  	_ = 	snop;
	(pc) =	sbr.rel @p0 .LBB2_2-.Ltmp5, $3  }
0x2bc: {  	_ =	sdelay $0x1  }
0x2bd: {  	s19 =	sadd.s32 s5, s19;
	[tilespmem:s20+$0xF0] =	vst v1  }
0x2be: {  	[hbm4b:s19+s2] =	stream.linear.scatter [tilespmem:s15], [sflag:$0x4], $0x4000, $0x38;
	[tilespmem:$0x10000] =	vst v63  }
0x2bf: {  	s17 =	sadd.s32 $0x1, s17  }
0x2c0: {  	_ =	swait.ge [sflag:s16], $0x4000;
	p0 =	sne.s32 s17, s9  }
.Ltmp6:
0x2c1: {  	[sflag:s16] =	ssyncset.done $0x0;
	(pc) =	sbr.rel @p0 .LBB2_1-.Ltmp6, $4  }
0x2c2: {  	[sflag:s16] =	ssyncadd.s32 $0xFFFFC000  }
0x2c3: {  	_ =	swait.ge [sflag:s14], $0x4000  }
0x2c4: {  	[sflag:s14] =	ssyncset.done $0x0  }
0x2c5: {  	[sflag:s14] =	ssyncadd.s32 $0xFFFFC000  }
0x2c6: {  	_ =	sfence.sel $0x180000  }
0x2c7: {  	[bflag:$0x0] =	sbarrier.arrive $0xFFFF  }
0x2c8: {  	p0 =	sne.s32 s3, $0x0;
	_ =	strace $0x90000047  }
0x2c9: {  	s0 =	sadd.s32 @!p0 $0x100000, s0;
	[bflag:$0x2] =	sbarrier.arrive $0xFFFF  }
0x2ca: {  	[sflag:s0] =	ssyncadd.tile.s32 @!p0 $0x1;
	_ =	shalt  }
.Lfunc_end2:
_tile_overlayer_lowered:
.L_overlay_start_2:
0x2cb: {  	(tag) =	ssettag $0x2  }
0x2cc: {  	s0 =	rddreg [dreg:$0x0];
	s2 =	stileid.u32  }
0x2cd: {  	s1 =	rddreg [dreg:$0x1];
	p0 =	sne.s32 s2, $0x0  }
0x2ce: {  	s3 =	rddreg [dreg:$0x2];
	[bflag:$0x3] =	sbarrier.arrive $0xFFFF;
	s2 =	simm.s32 @!p0 $0x1C05  }
0x2cf: {  	[timem:s3], [sflag:s2] =	dma.local @!p0 [hbm:s0], s1  }
0x2d0: {  	s0 =	simm.s32 @!p0 $0x5  }
0x2d1: {  	_ =	swait.ge @!p0 [sflag:s0], s1  }
0x2d2: {  	s1 =	ssub.s32 @!p0 $0x0, s1;
	[sflag:s0] =	ssyncset.done @!p0 $0x0  }
0x2d3: {  	[sflag:s0] =	ssyncadd.s32 @!p0 s1  }
0x2d4: {  	[bflag:$0x3] =	sbarrier.arrive $0xFFFF  }
0x2d5: {  	_ =	shalt  }

// kernel: kernel.7.cloned.1.call-start
scs
__scs_entry_jumppad:
0x0: {  	(pc) =	sbr.rel $0x88, $3  }
0x1: {  	(tag) =	ssettag $0x0;
	lr =	simm.s32 $0x1  }
0x2: {  	[smem:$0x3F9F] =	sst lr;
	_ =	strace $0xD0000000  }
0x3: {  	_ = 	snop  }
0x4: {  	_ = 	snop  }
0x5: {  	_ = 	snop  }
0x6: {  	_ = 	snop  }
0x7: {  	_ = 	snop  }
__scs_overlays_trampoline_lowered:
0x8: {  	[smem:$0x3FAE] =	sst s0  }
0x9: {  	[smem:$0x3FAF] =	sst s1  }
0xa: {  	[smem:$0x3FB0] =	sst s2  }
0xb: {  	[smem:$0x3FB1] =	sst s3  }
0xc: {  	[smem:$0x3FB2] =	sst s4  }
0xd: {  	[smem:$0x3FB3] =	sst s5  }
0xe: {  	[smem:$0x3FB4] =	sst s6  }
0xf: {  	[smem:$0x3FB5] =	sst s7  }
0x10: {  	[smem:$0x3FB6] =	sst s8  }
0x11: {  	[smem:$0x3FB7] =	sst s9;
	s0 =	simm.s32 @!p0 $0x0  }
0x12: {  	s1 =	sld [smem:$0x3F9D];
	s0 =	simm.s32 @p0 $0x1  }
0x13: {  	[smem:$0x3FB8] =	sst s0;
	s0 =	simm.s32 @!p1 $0x0  }
0x14: {  	s2 =	sld [smem:$0x3F9C];
	s0 =	simm.s32 @p1 $0x1  }
0x15: {  	[smem:$0x3FB9] =	sst s0;
	s0 =	simm.s32 @!p2 $0x0  }
0x16: {  	s3 =	sld [smem:$0x3FDB];
	s0 =	simm.s32 @p2 $0x1  }
0x17: {  	s4 =	simm.s32 $0x1BF5;
	[smem:$0x3FBB] =	sst s0  }
0x18: {  	s0 =	sld [smem:$0x3F9E];
	_ =	swait.ge [sflag:s4], $0x0  }
0x19: {  	s7 =	sld [smem:$0x3F9F]  }
0x1a: {  	s8 =	sadd.s32 $0xFFFFE003, lr  }
0x1b: {  	s9 =	sadd.s32 $0xFFFFFEF7, lr;
	s5 =	simm.s32 $0xFFFFFFFF;
	p2 =	slt.u32 s8, $0xFFFFF086  }
0x1c: {  	p1 =	slt.u32 s9, $0xF7A;
	s5 =	simm.s32 @!p2 $0x0  }
0x1d: {  	s5 =	simm.s32 @p1 $0x1;
	p0 =	seq.s32 s7, s2  }
0x1e: {  	s7 =	smul.u32 @!p0 $0xF7A, s2;
	p2 =	seq.s32 @!p0 s5, $0x0  }
0x1f: {  	s9 =	smul.u32 $0xF7A, s1;
	s8 =	simm.s32 @!p0 $0x1BF5;
	p2 =	por !p2, p0  }
0x20: {  	[sflag:s8] =	ssyncset.s32 @!p0 $0xFFFFF086;
	s6 =	sadd.s32 @!p0 s3, s7;
	s7 =	simm.s32 @!p0 $0x108  }
0x21: {  	s3 =	sadd.s32 s3, s9;
	s6 =	sadd.s32 @!p0 $0x88, s6;
	s7 =	simm.s32 @p2 $0x1082  }
0x22: {  	[simem:s7], [sflag:s8] =	dma.local @!p0 [hbm:s6], $0xF7A  }
0x23: {  	s9 =	sor.u32 $0xD0000000, s2;
	s6 =	simm.s32 $0x108;
	_ =	swait.ge @!p0 [sflag:s8], $0x0  }
0x24: {  	s3 =	sadd.s32 $0x88, s3;
	s6 =	simm.s32 @!p1 $0x1082;
	[sflag:s4] =	ssyncset.s32 $0xFFFFF086  }
0x25: {  	[simem:s6], [sflag:s4] =	dma.local [hbm:s3], $0xF7A  }
0x26: {  	[smem:$0x3F9F] =	sst s1;
	(tag) =	ssettag s2;
	_ =	strace s9  }
0x27: {  	s1 =	sld [smem:$0x3FAF]  }
0x28: {  	s2 =	sld [smem:$0x3FB0]  }
0x29: {  	s4 =	sld [smem:$0x3FB2]  }
0x2a: {  	p0 =	seq.s32 s5, $0x0;
	s5 =	sld [smem:$0x3FB3]  }
0x2b: {  	s6 =	sld [smem:$0x3FB4]  }
0x2c: {  	s7 =	sld [smem:$0x3FB5]  }
0x2d: {  	s3 =	simm.s32 $0x108;
	s8 =	sld [smem:$0x3FB6]  }
0x2e: {  	s3 =	simm.s32 @!p0 $0x1082;
	s9 =	sld [smem:$0x3FB7]  }
0x2f: {  	lr =	sadd.s32 s0, s3;
	s0 =	sld [smem:$0x3FAE]  }
0x30: {  	s3 =	sld [smem:$0x3FB1]  }
0x31: {  	[smem:$0x3FBA] =	sst s10  }
0x32: {  	s10 =	sld [smem:$0x3FB8];
	_ =	sdelay $0x3  }
0x33: {  	p0 =	seq.s32 s10, $0x1;
	s10 =	sld [smem:$0x3FBA];
	_ =	sdelay $0x3  }
0x34: {  	[smem:$0x3FBA] =	sst s10  }
0x35: {  	s10 =	sld [smem:$0x3FB9];
	_ =	sdelay $0x3  }
0x36: {  	p1 =	seq.s32 s10, $0x1;
	s10 =	sld [smem:$0x3FBA];
	_ =	sdelay $0x3  }
0x37: {  	[smem:$0x3FBA] =	sst s10  }
0x38: {  	s10 =	sld [smem:$0x3FBB]  }
0x39: {  	_ = 	snop;
	(pc) =	sbr.ind lr, $3  }
0x3a: {  	_ = 	snop  }
0x3b: {  	_ = 	snop  }
0x3c: {  	p2 =	seq.s32 s10, $0x1;
	s10 =	sld [smem:$0x3FBA]  }
0x3d: {  	_ =	shalt  }
0x3e: {  	_ =	shalt  }
0x3f: {  	_ =	shalt  }
0x40: {  	_ =	shalt  }
0x41: {  	_ =	shalt  }
0x42: {  	_ =	shalt  }
0x43: {  	_ =	shalt  }
0x44: {  	_ =	shalt  }
0x45: {  	_ =	shalt  }
0x46: {  	_ =	shalt  }
0x47: {  	_ =	shalt  }
0x48: {  	_ =	shalt  }
0x49: {  	_ =	shalt  }
0x4a: {  	_ =	shalt  }
0x4b: {  	_ =	shalt  }
0x4c: {  	_ =	shalt  }
0x4d: {  	_ =	shalt  }
0x4e: {  	_ =	shalt  }
0x4f: {  	_ =	shalt  }
0x50: {  	_ =	shalt  }
0x51: {  	_ =	shalt  }
0x52: {  	_ =	shalt  }
0x53: {  	_ =	shalt  }
0x54: {  	_ =	shalt  }
0x55: {  	_ =	shalt  }
0x56: {  	_ =	shalt  }
0x57: {  	_ =	shalt  }
0x58: {  	_ =	shalt  }
0x59: {  	_ =	shalt  }
0x5a: {  	_ =	shalt  }
0x5b: {  	_ =	shalt  }
0x5c: {  	_ =	shalt  }
0x5d: {  	_ =	shalt  }
0x5e: {  	_ =	shalt  }
0x5f: {  	_ =	shalt  }
0x60: {  	_ =	shalt  }
0x61: {  	_ =	shalt  }
0x62: {  	_ =	shalt  }
0x63: {  	_ =	shalt  }
0x64: {  	_ =	shalt  }
0x65: {  	_ =	shalt  }
0x66: {  	_ =	shalt  }
0x67: {  	_ =	shalt  }
0x68: {  	_ =	shalt  }
0x69: {  	_ =	shalt  }
0x6a: {  	_ =	shalt  }
0x6b: {  	_ =	shalt  }
0x6c: {  	_ =	shalt  }
0x6d: {  	_ =	shalt  }
0x6e: {  	_ =	shalt  }
0x6f: {  	_ =	shalt  }
0x70: {  	_ =	shalt  }
0x71: {  	_ =	shalt  }
0x72: {  	_ =	shalt  }
0x73: {  	_ =	shalt  }
0x74: {  	_ =	shalt  }
0x75: {  	_ =	shalt  }
0x76: {  	_ =	shalt  }
0x77: {  	_ =	shalt  }
0x78: {  	_ =	shalt  }
0x79: {  	_ =	shalt  }
0x7a: {  	_ =	shalt  }
0x7b: {  	_ =	shalt  }
0x7c: {  	_ =	shalt  }
0x7d: {  	_ =	shalt  }
0x7e: {  	_ =	shalt  }
0x7f: {  	_ =	shalt  }
0x80: {  	_ =	shalt  }
0x81: {  	_ =	shalt  }
0x82: {  	_ =	shalt  }
0x83: {  	_ =	shalt  }
0x84: {  	_ =	shalt  }
0x85: {  	_ =	shalt  }
0x86: {  	_ =	shalt  }
0x87: {  	_ =	shalt  }
.Lfunc_end0:
.L_simem_size_0:
called_computation.1_lowered:
.L_overlay_start_0:
0x88: {  	s2 =	sld [smem:$0x3FD9]  }
0x89: {  	s3 =	sld [smem:$0x3FFE];
	_ =	sdelay $0x1  }
0x8a: {  	s1 =	srdreg.scid  }
0x8b: {  	s0 =	sand.u32 $0x1, s1  }
0x8c: {  	s17 =	sshll.u32 s0, $0xA;
	s2 =	sadd.s32 s3, s2  }
0x8d: {  	s2 =	sadd.s32 s2, s17  }
0x8e: {  	[smem:$0x3FC6] =	sst s2  }
0x8f: {  	_ = 	snop  }
0x90: {  	s2 =	sld [smem:$0x3FC8]  }
0x91: {  	s18 =	sld [smem:$0x3FD0];
	(tm) =	ssettm $0x1  }
0x92: {  	s4 =	sld [smem:$0x3FFB];
	_ =	sdelay $0x3  }
0x93: {  	_ =	strace s4  }
0x94: {  	s4 =	sld [smem:$0x3FFC];
	_ =	sdelay $0x3  }
0x95: {  	_ =	strace s4  }
0x96: {  	s4 =	sld [smem:$0x3FFD];
	_ =	sdelay $0x3  }
0x97: {  	_ =	strace s4  }
0x98: {  	_ =	strace $0x8FFFFFFF  }
0x99: {  	s19 =	sld [smem:$0x3FDB];
	_ =	sdelay $0x1  }
0x9a: {  	s5 =	simm.s32 $_scs_section_size  }
0x9b: {  	s6 =	simm.s32 $_size__tile_overlayer_lowered;
	s7 =	simm.s32 $_tile_overlayer_lowered  }
0x9c: {  	s22 =	simm.s32 $0x1BFF;
	s21 =	sshll.u32 s7, $0x1;
	s4 =	sadd.s32 s5, s19  }
0x9d: {  	s8 =	simm.s32 $0x0;
	s20 =	sshll.u32 s6, $0x1;
	s6 =	sadd.s32 s21, s4  }
0x9e: {  	[timem:s8], [sflag:s22] =	dma.local [hbm:s6], s20  }
0x9f: {  	_ =	swait.ge [sflag:s22], s20  }
0xa0: {  	s5 =	ssub.s32 $0x0, s20;
	[sflag:s22] =	ssyncset.done $0x0  }
0xa1: {  	[sflag:s22] =	ssyncadd.s32 s5;
	_ =	sdelay $0x1  }
0xa2: {  	s23 =	simm.s32 $0x1B8B  }
0xa3: {  	_ =	swait.ge [sflag:s23], $0x1  }
0xa4: {  	[sflag:s23] =	ssyncset.done $0x0  }
0xa5: {  	s25 =	simm.s32 $0x1B8E;
	s24 =	sld [smem:$0x3FFE];
	[sflag:s23] =	ssyncadd.s32 $0xFFFFFFFF  }
0xa6: {  	s26 =	simm.s32 $execute0_lowered;
	[smem:$0x3FD2] =	sst s25  }
0xa7: {  	s6 =	sshll.u32 s26, $0x1;
	_ =	strace $0x80000049;
	[dreg:$0x1] =	wrdreg $0xFFFFFFFF  }
0xa8: {  	s28 =	simm.s32 $_size_execute0_lowered;
	s4 =	sadd.s32 s4, s6;
	[dreg:$0x0] =	wrdreg $0x0  }
0xa9: {  	s6 =	sshll.u32 s28, $0x1;
	[dreg:$0x2] =	wrdreg s4  }
0xaa: {  	[dreg:$0x3] =	wrdreg s6  }
0xab: {  	[dreg:$0x4] =	wrdreg $0xC0  }
0xac: {  	_ =	task [dreg:s8], $0x5FFFF  }
0xad: {  	[dreg:$0x1] =	wrdreg $0xFFFFFFFF  }
0xae: {  	[dreg:$0x0] =	wrdreg $0x60  }
0xaf: {  	[dreg:$0x2] =	wrdreg s24  }
0xb0: {  	[dreg:$0x3] =	wrdreg s2  }
0xb1: {  	[dreg:$0x4] =	wrdreg s18  }
0xb2: {  	[dreg:$0x5] =	wrdreg $0x9  }
0xb3: {  	_ =	task.clear_ibuf [dreg:s8], $0x6FFFF;
	_ =	strace $0x90000049  }
0xb4: {  	s29 =	simm.s32 $0x9;
	_ =	strace $0x8000004B  }
0xb5: {  	_ =	swait.ge [sflag:s29], $0x1  }
0xb6: {  	[sflag:s29] =	ssyncadd.s32 $0xFFFFFFFF  }
0xb7: {  	_ =	strace $0x9000004B  }
0xb8: {  	_ =	sfence  }
0xb9: {  	s30 =	sld [smem:$0x0];
	_ =	sdelay $0x2  }
0xba: {  	s31 =	sshll.u32 s1, $0xD;
	s1 =	sshrl.u32 s1, $0x2  }
0xbb: {  	s3 =	sand.u32 $0x4000, s31;
	s1 =	sadd.s32 s1, s30  }
0xbc: {  	s0 =	sor.u32 s3, s0;
	s1 =	sshll.u32 s1, $0x11  }
0xbd: {  	s0 =	sor.u32 s1, s0  }
0xbe: {  	s0 =	sadd.s32 $0x8F2B, s0  }
0xbf: {  	[sflag:s0] =	ssyncadd.remote.s32 $0x1  }
0xc0: {  	_ =	sfence.sel $0xFFFF  }
0xc1: {  	[dreg:$0x0] =	wrdreg $0xFFFFFFFF;
	(pc) =	sbr.abs _section_cstart, $3  }
0xc2: {  	[dreg:$0x1] =	wrdreg $0xFFFFFFFF  }
0xc3: {  	_ =	task.clear_ibuf [dreg:s8], $0x2FFFF;
	_ =	strace $0x9FFFFFFF  }
0xc4: {  	(tm) =	ssettm $0x7FFFFFFF  }
0xc5: {  	_ =	shalt  }
tec
execute0_lowered:
.L_overlay_start_1:
0x0: {  	(tag) =	ssettag $0x1  }
0x1: {  	s0 =	rddreg [dreg:$0x0]  }
0x2: {  	s1 =	rddreg [dreg:$0x1]  }
0x3: {  	s2 =	rddreg [dreg:$0x2]  }
0x4: {  	s4 =	simm.s32 $0x0;
	s3 =	srdreg.scid;
	s5 =	stileid.u32  }
0x5: {  	s13 =	simm.s32 $0x1000;
	s14 =	simm.s32 $0x1;
	s15 =	simm.s32 $0x200  }
0x6: {  	s16 =	simm.s32 $0x2000;
	s24 =	simm.s32 $0x1800;
	s25 =	simm.s32 $0x2  }
0x7: {  	s26 =	simm.s32 $0x6000;
	s9 =	simm.s32 $0xA000;
	s12 =	simm.s32 $0x4  }
0x8: {  	s17 =	simm.s32 $0x6;
	s18 =	simm.s32 $0xC000;
	s19 =	simm.s32 $0x0  }
0x9: {  	[smem:$0x7FF] =	sst s4;
	s3 =	sand.u32 $0x1, s3;
	s6 =	sshll.u32 s5, $0x13  }
0xa: {  	s5 =	sadd.s32 $0x800, s0;
	_ =	strace $0x8000004A;
	s7 =	sshll.u32 s3, $0x12  }
0xb: {  	s3 =	ssub.s32 $0x2, s3;
	s6 =	sor.u32 s7, s6;
	s7 =	sadd.s32 $0x200800, s0  }
0xc: {  	s28 =	sshrl.u32 s3, $0x1;
	s8 =	sshrl.u32 s6, $0x3;
	s31 =	sor.u32 $0x1000, s6  }
0xd: {  	s0 =	ssub.s32 s3, s28;
	s29 =	sadd.s32 s1, s8;
	[dreg:$0x6] =	wrdreg s31  }
0xe: {  	s10 =	sshll.u32 s6, $0x2;
	s30 =	sadd.s32 s7, s8;
	[dreg:$0x4] =	wrdreg s29  }
0xf: {  	v0 =	vlaneseq.u32;
	s3 =	simm.s32 $0x9000;
	s0 =	smax.u32 s0, $0x1;
	[dreg:$0x5] =	wrdreg s30  }
0x10: {  	v0 =	vmul.u32 $0x8, v0;
	s8 =	simm.s32 $0x3;
	[dreg:$0x7] =	wrdreg s0;
	s0 =	simm.s32 $0x1E00  }
.LBB2_1:
0x11: {  	[dreg:$0x8] =	wrdreg s19  }
0x12: {  	s11 =	rddreg [dreg:$0x4]  }
0x13: {  	[tilespmem:s4], [sflag:$0x1] =	stream.linear.gather [hbm4b:s11+s4], $0x800, $0x38;
	[tilespmem:$0xE000] =	vst v63  }
0x14: {  	s21 =	rddreg [dreg:$0x5]  }
0x15: {  	[tilespmem:s13], [sflag:$0x1] =	stream.linear.gather [hbm4b:s21+s4], $0x800, $0x38;
	[tilespmem:$0xE000] =	vst v63  }
0x16: {  	_ =	swait.ge [sflag:s14], $0x800  }
0x17: {  	[sflag:s14] =	ssyncset.done $0x0  }
0x18: {  	[sflag:s14] =	ssyncadd.s32 $0xFFFFF800  }
0x19: {  	_ =	swait.ge [sflag:s14], $0x800  }
0x1a: {  	[sflag:s14] =	ssyncset.done $0x0  }
0x1b: {  	[sflag:s14] =	ssyncadd.s32 $0xFFFFF800  }
0x1c: {  	[tilespmem:s16], [sflag:$0x3] =	stream.indirect.gather [hbm4b:s5+s15], $0x8, s13, s15, $0xb8;
	[tilespmem:$0xE000] =	vst v63  }
0x1d: {  	s22 =	simm.s32 $0x1200;
	s23 =	simm.s32 $0x3000  }
0x1e: {  	[tilespmem:s23], [sflag:$0x3] =	stream.indirect.gather [hbm4b:s5+s15], $0x8, s22, s15, $0xb8;
	[tilespmem:$0xE000] =	vst v63  }
0x1f: {  	s28 =	simm.s32 $0x1400;
	s29 =	simm.s32 $0x4000  }
0x20: {  	[tilespmem:s29], [sflag:$0x3] =	stream.indirect.gather [hbm4b:s5+s15], $0x8, s28, s15, $0xb8;
	[tilespmem:$0xE000] =	vst v63  }
0x21: {  	s30 =	simm.s32 $0x1600;
	s31 =	simm.s32 $0x5000;
	s19 =	simm.s32 $0x0  }
0x22: {  	[tilespmem:s31], [sflag:$0x3] =	stream.indirect.gather [hbm4b:s5+s15], $0x8, s30, s15, $0xb8;
	[tilespmem:$0xE000] =	vst v63  }
.LBB2_2:
0x23: {  	s20 =	sshllo.u32 s19, $0x1  }
0x24: {  	s11 =	sshll.u32 s20, $0xB  }
0x25: {  	s11 =	sadd.s32 s6, s11  }
0x26: {  	s11 =	sshrl.u32 s11, $0x3  }
0x27: {  	s22 =	simm.s32 $0x800;
	s21 =	sadd.s32 s1, s11  }
0x28: {  	[tilespmem:s22], [sflag:$0x2] =	stream.linear.gather [hbm4b:s21+s4], $0x800, $0x38;
	[tilespmem:$0xE000] =	vst v63  }
0x29: {  	s11 =	sadd.s32 s7, s11  }
0x2a: {  	[tilespmem:s24], [sflag:$0x2] =	stream.linear.gather [hbm4b:s11+s4], $0x800, $0x38;
	[tilespmem:$0xE000] =	vst v63  }
0x2b: {  	_ =	swait.ge [sflag:s25], $0x800  }
0x2c: {  	[sflag:s25] =	ssyncset.done $0x0  }
0x2d: {  	[sflag:s25] =	ssyncadd.s32 $0xFFFFF800  }
0x2e: {  	_ =	swait.ge [sflag:s25], $0x800  }
0x2f: {  	[sflag:s25] =	ssyncset.done $0x0  }
0x30: {  	[sflag:s25] =	ssyncadd.s32 $0xFFFFF800  }
0x31: {  	[tilespmem:s26], [sflag:$0x4] =	stream.indirect.gather [hbm4b:s5+s15], $0x8, s24, s15, $0xb8;
	[tilespmem:$0xE000] =	vst v63  }
0x32: {  	s23 =	simm.s32 $0x1A00;
	s29 =	simm.s32 $0x7000  }
0x33: {  	[tilespmem:s29], [sflag:$0x4] =	stream.indirect.gather [hbm4b:s5+s15], $0x8, s23, s15, $0xb8;
	[tilespmem:$0xE000] =	vst v63  }
0x34: {  	s30 =	simm.s32 $0x1C00;
	s31 =	simm.s32 $0x8000  }
0x35: {  	[tilespmem:s31], [sflag:$0x4] =	stream.indirect.gather [hbm4b:s5+s15], $0x8, s30, s15, $0xb8;
	[tilespmem:$0xE000] =	vst v63  }
0x36: {  	_ = 	snop  }
0x37: {  	[tilespmem:s3], [sflag:$0x4] =	stream.indirect.gather [hbm4b:s5+s15], $0x8, s0, s15, $0xb8;
	[tilespmem:$0xE000] =	vst v63  }
0x38: {  	_ =	swait.ge [sflag:s8], $0x4000  }
0x39: {  	p0 =	seq.s32 s19, $0x0;
	[sflag:s8] =	ssyncset.done $0x0  }
0x3a: {  	s11 =	simm.s32 @!p0 $0x5;
	[sflag:s8] =	ssyncadd.s32 $0xFFFFC000  }
0x3b: {  	s28 =	simm.s32 $0x0;
	_ =	swait.ge @!p0 [sflag:s11], $0x2000  }
0x3c: {  	s21 =	simm.s32 $0x10;
	s22 =	simm.s32 $0x0;
	[sflag:s11] =	ssyncset.done @!p0 $0x0  }
0x3d: {  	s23 =	simm.s32 $0x0;
	[sflag:s11] =	ssyncadd.s32 @!p0 $0xFFFFE000;
	s11 =	simm.s32 $0x0  }
.LBB2_3:
0x3e: {  	s29 =	sshra.s32 s11, $0x2  }
0x3f: {  	v1 =	vld [tilespmem:s29+$0x0];
	_ =	sdelay $0x3  }
0x40: {  	v2 =	vmov s28  }
0x41: {  	v2 =	vshll.u32 v2, $0x3;
	v1 =	vshll.u32 v1, $0x2  }
0x42: {  	v2 =	vor.u32 v0, v2;
	v1 =	vand.u32 $0x4, v1  }
0x43: {  	v1 =	vor.u32 v2, v1;
	_ =	sdelay $0x4  }
0x44: {  	v2 =	vld.idx.msk [tilespmem:v1+s16+$0x0], $0xffff  }
0x45: {  	v3 =	vor.u32 $0x1, v1  }
0x46: {  	s30 =	sand.u32 $0x1E00, s11  }
0x47: {  	s31 =	sand.u32 $0x60, s28;
	s30 =	sor.u32 $0xA000, s30  }
0x48: {  	s31 =	sor.u32 s31, s30  }
0x49: {  	[tilespmem:s31+$0x0] =	vst v2  }
0x4a: {  	v2 =	vld.idx.msk [tilespmem:v3+s16+$0x0], $0xffff  }
0x4b: {  	v3 =	vor.u32 $0x2, v1;
	_ =	sdelay $0x3  }
0x4c: {  	[tilespmem:s31+$0x80] =	vst v2  }
0x4d: {  	v2 =	vld.idx.msk [tilespmem:v3+s16+$0x0], $0xffff  }
0x4e: {  	v1 =	vor.u32 $0x3, v1;
	_ =	sdelay $0x3  }
0x4f: {  	[tilespmem:s31+$0x100] =	vst v2  }
0x50: {  	v1 =	vld.idx.msk [tilespmem:v1+s16+$0x0], $0xffff  }
0x51: {  	s31 =	sand.u32 $0x3, s22  }
0x52: {  	s31 =	sshll.u32 s31, $0x5  }
0x53: {  	s31 =	sadd.s32 s31, s11  }
0x54: {  	s31 =	sor.u32 $0x180, s31  }
0x55: {  	[tilespmem:s31+$0xA000] =	vst v1  }
0x56: {  	v1 =	vld [tilespmem:s29+$0x10];
	_ =	sdelay $0x2  }
0x57: {  	s31 =	sadd.s32 $0x10, s28  }
0x58: {  	v2 =	vmov s31  }
0x59: {  	v2 =	vshll.u32 v2, $0x3;
	v1 =	vshll.u32 v1, $0x2  }
0x5a: {  	v2 =	vor.u32 v0, v2;
	v1 =	vand.u32 $0x4, v1  }
0x5b: {  	v1 =	vor.u32 v2, v1;
	_ =	sdelay $0x4  }
0x5c: {  	v2 =	vld.idx.msk [tilespmem:v1+s16+$0x0], $0xffff  }
0x5d: {  	v3 =	vor.u32 $0x1, v1;
	_ =	sdelay $0x1  }
0x5e: {  	s29 =	sand.u32 $0x70, s31  }
0x5f: {  	s29 =	sor.u32 s29, s30  }
0x60: {  	[tilespmem:s29+$0x0] =	vst v2  }
0x61: {  	v2 =	vld.idx.msk [tilespmem:v3+s16+$0x0], $0xffff  }
0x62: {  	v3 =	vor.u32 $0x2, v1;
	_ =	sdelay $0x3  }
0x63: {  	[tilespmem:s29+$0x80] =	vst v2  }
0x64: {  	v2 =	vld.idx.msk [tilespmem:v3+s16+$0x0], $0xffff  }
0x65: {  	v1 =	vor.u32 $0x3, v1;
	_ =	sdelay $0x3  }
0x66: {  	[tilespmem:s29+$0x100] =	vst v2  }
0x67: {  	p1 =	sne.s32 s28, $0x7E0;
	v1 =	vld.idx.msk [tilespmem:v1+s16+$0x0], $0xffff  }
.Ltmp0:
0x68: {  	s31 =	sand.u32 $0x7, s23;
	(pc) =	sbr.rel @p1 .LBB2_3-.Ltmp0, $4  }
0x69: {  	s29 =	sshll.u32 s31, $0x4  }
0x6a: {  	s29 =	sadd.s32 s29, s21  }
0x6b: {  	s22 =	sadd.s32 $0x1, s22;
	s11 =	sadd.s32 $0x80, s11;
	s29 =	sor.u32 $0x180, s29  }
0x6c: {  	s28 =	sadd.s32 $0x20, s28;
	s23 =	sadd.s32 $0x2, s23;
	s21 =	sadd.s32 $0x80, s21;
	[tilespmem:s29+$0xA000] =	vst v1  }
0x6d: {  	p1 =	sne.s32 s19, $0x3F  }
.Ltmp1:
0x6e: {  	s11 =	sshll.u32 s19, $0xE;
	(pc) =	sbr.rel @p1 .LBB2_6-.Ltmp1, $4  }
0x6f: {  	s11 =	sadd.s32 s10, s11  }
0x70: {  	s11 =	sshrl.u32 s11, $0x3  }
0x71: {  	s11 =	sadd.s32 s2, s11  }
0x72: {  	[hbm4b:s11+s4] =	stream.linear.scatter [tilespmem:s9], [sflag:$0x5], $0x2000, $0x38;
	[tilespmem:$0xE000] =	vst v63  }
.Ltmp2:
0x73: {  	(pc) =	sbr.rel .LBB2_7-.Ltmp2, $4  }
0x74: {  	_ = 	snop  }
0x75: {  	_ =	swait.ge [sflag:s12], $0x4000  }
0x76: {  	[sflag:s12] =	ssyncset.done $0x0  }
0x77: {  	[sflag:s12] =	ssyncadd.s32 $0xFFFFC000  }
.LBB2_6:
0x78: {  	s11 =	sshll.u32 s19, $0xC;
	s21 =	rddreg [dreg:$0x6]  }
0x79: {  	s11 =	sadd.s32 s11, s21  }
0x7a: {  	s11 =	sshrl.u32 s11, $0x3  }
0x7b: {  	s31 =	sadd.s32 s1, s11  }
0x7c: {  	[tilespmem:s4], [sflag:$0x1] =	stream.linear.gather [hbm4b:s31+s4], $0x800, $0x38;
	[tilespmem:$0xE000] =	vst v63  }
0x7d: {  	s11 =	sadd.s32 s7, s11  }
0x7e: {  	[tilespmem:s13], [sflag:$0x1] =	stream.linear.gather [hbm4b:s11+s4], $0x800, $0x38;
	[tilespmem:$0xE000] =	vst v63  }
0x7f: {  	_ =	swait.ge [sflag:s14], $0x800  }
0x80: {  	[sflag:s14] =	ssyncset.done $0x0  }
0x81: {  	[sflag:s14] =	ssyncadd.s32 $0xFFFFF800  }
0x82: {  	_ =	swait.ge [sflag:s14], $0x800  }
0x83: {  	[sflag:s14] =	ssyncset.done $0x0  }
0x84: {  	[sflag:s14] =	ssyncadd.s32 $0xFFFFF800  }
0x85: {  	[tilespmem:s16], [sflag:$0x3] =	stream.indirect.gather [hbm4b:s5+s15], $0x8, s13, s15, $0xb8;
	[tilespmem:$0xE000] =	vst v63  }
0x86: {  	s22 =	simm.s32 $0x1200;
	s23 =	simm.s32 $0x3000  }
0x87: {  	[tilespmem:s23], [sflag:$0x3] =	stream.indirect.gather [hbm4b:s5+s15], $0x8, s22, s15, $0xb8;
	[tilespmem:$0xE000] =	vst v63  }
0x88: {  	s28 =	simm.s32 $0x1400;
	s29 =	simm.s32 $0x4000  }
0x89: {  	[tilespmem:s29], [sflag:$0x3] =	stream.indirect.gather [hbm4b:s5+s15], $0x8, s28, s15, $0xb8;
	[tilespmem:$0xE000] =	vst v63  }
.Ltmp3:
0x8a: {  	s30 =	simm.s32 $0x1600;
	s31 =	simm.s32 $0x5000;
	(pc) =	sbr.rel @p0 .LBB2_8-.Ltmp3, $4  }
0x8b: {  	[tilespmem:s31], [sflag:$0x3] =	stream.indirect.gather [hbm4b:s5+s15], $0x8, s30, s15, $0xb8;
	[tilespmem:$0xE000] =	vst v63  }
0x8c: {  	_ =	swait.ge [sflag:s12], $0x4000  }
0x8d: {  	[sflag:s12] =	ssyncset.done $0x0  }
0x8e: {  	[sflag:s12] =	ssyncadd.s32 $0xFFFFC000  }
.LBB2_7:
0x8f: {  	_ =	swait.ge [sflag:s17], $0x2000  }
0x90: {  	[sflag:s17] =	ssyncset.done $0x0  }
0x91: {  	[sflag:s17] =	ssyncadd.s32 $0xFFFFE000  }
.LBB2_8:
0x92: {  	s21 =	simm.s32 $0x10;
	s22 =	simm.s32 $0x0  }
0x93: {  	s11 =	simm.s32 $0x0;
	s23 =	simm.s32 $0x0;
	s28 =	simm.s32 $0x0  }
.LBB2_9:
0x94: {  	s29 =	sshra.s32 s11, $0x2  }
0x95: {  	v1 =	vld [tilespmem:s29+$0x800];
	_ =	sdelay $0x3  }
0x96: {  	v2 =	vmov s28  }
0x97: {  	v2 =	vshll.u32 v2, $0x3;
	v1 =	vshll.u32 v1, $0x2  }
0x98: {  	v2 =	vor.u32 v0, v2;
	v1 =	vand.u32 $0x4, v1  }
0x99: {  	v1 =	vor.u32 v2, v1;
	_ =	sdelay $0x4  }
0x9a: {  	v2 =	vld.idx.msk [tilespmem:v1+s26+$0x0], $0xffff  }
0x9b: {  	v3 =	vor.u32 $0x1, v1  }
0x9c: {  	s30 =	sand.u32 $0x1E00, s11  }
0x9d: {  	s31 =	sand.u32 $0x60, s28;
	s30 =	sor.u32 $0xC000, s30  }
0x9e: {  	s31 =	sor.u32 s31, s30  }
0x9f: {  	[tilespmem:s31+$0x0] =	vst v2  }
0xa0: {  	v2 =	vld.idx.msk [tilespmem:v3+s26+$0x0], $0xffff  }
0xa1: {  	v3 =	vor.u32 $0x2, v1;
	_ =	sdelay $0x3  }
0xa2: {  	[tilespmem:s31+$0x80] =	vst v2  }
0xa3: {  	v2 =	vld.idx.msk [tilespmem:v3+s26+$0x0], $0xffff  }
0xa4: {  	v1 =	vor.u32 $0x3, v1;
	_ =	sdelay $0x3  }
0xa5: {  	[tilespmem:s31+$0x100] =	vst v2  }
0xa6: {  	v1 =	vld.idx.msk [tilespmem:v1+s26+$0x0], $0xffff  }
0xa7: {  	s31 =	sand.u32 $0x3, s22  }
0xa8: {  	s31 =	sshll.u32 s31, $0x5  }
0xa9: {  	s31 =	sadd.s32 s31, s11  }
0xaa: {  	s31 =	sor.u32 $0x180, s31  }
0xab: {  	[tilespmem:s31+$0xC000] =	vst v1  }
0xac: {  	v1 =	vld [tilespmem:s29+$0x810];
	_ =	sdelay $0x2  }
0xad: {  	s31 =	sadd.s32 $0x10, s28  }
0xae: {  	v2 =	vmov s31  }
0xaf: {  	v2 =	vshll.u32 v2, $0x3;
	v1 =	vshll.u32 v1, $0x2  }
0xb0: {  	v2 =	vor.u32 v0, v2;
	v1 =	vand.u32 $0x4, v1  }
0xb1: {  	v1 =	vor.u32 v2, v1;
	_ =	sdelay $0x4  }
0xb2: {  	v2 =	vld.idx.msk [tilespmem:v1+s26+$0x0], $0xffff  }
0xb3: {  	v3 =	vor.u32 $0x1, v1;
	_ =	sdelay $0x1  }
0xb4: {  	s29 =	sand.u32 $0x70, s31  }
0xb5: {  	s29 =	sor.u32 s29, s30  }
0xb6: {  	[tilespmem:s29+$0x0] =	vst v2  }
0xb7: {  	v2 =	vld.idx.msk [tilespmem:v3+s26+$0x0], $0xffff  }
0xb8: {  	v3 =	vor.u32 $0x2, v1;
	_ =	sdelay $0x3  }
0xb9: {  	[tilespmem:s29+$0x80] =	vst v2  }
0xba: {  	v2 =	vld.idx.msk [tilespmem:v3+s26+$0x0], $0xffff  }
0xbb: {  	v1 =	vor.u32 $0x3, v1;
	_ =	sdelay $0x3  }
0xbc: {  	[tilespmem:s29+$0x100] =	vst v2  }
0xbd: {  	p0 =	sne.s32 s28, $0x7E0;
	v1 =	vld.idx.msk [tilespmem:v1+s26+$0x0], $0xffff  }
.Ltmp4:
0xbe: {  	s31 =	sand.u32 $0x7, s23;
	(pc) =	sbr.rel @p0 .LBB2_9-.Ltmp4, $4  }
0xbf: {  	s29 =	sshll.u32 s31, $0x4  }
0xc0: {  	s29 =	sadd.s32 s29, s21  }
0xc1: {  	s22 =	sadd.s32 $0x1, s22;
	s11 =	sadd.s32 $0x80, s11;
	s29 =	sor.u32 $0x180, s29  }
0xc2: {  	s28 =	sadd.s32 $0x20, s28;
	s23 =	sadd.s32 $0x2, s23;
	s21 =	sadd.s32 $0x80, s21;
	[tilespmem:s29+$0xC000] =	vst v1  }
0xc3: {  	s19 =	sadd.s32 $0x1, s19  }
0xc4: {  	p0 =	sne.s32 s19, $0x40  }
.Ltmp5:
0xc5: {  	s11 =	sshll.u32 s20, $0xD;
	(pc) =	sbr.rel @p0 .LBB2_2-.Ltmp5, $4  }
0xc6: {  	s11 =	sadd.s32 s10, s11  }
0xc7: {  	s11 =	sshrl.u32 s11, $0x3  }
0xc8: {  	s11 =	sadd.s32 s2, s11  }
0xc9: {  	[hbm4b:s11+s4] =	stream.linear.scatter [tilespmem:s18], [sflag:$0x6], $0x2000, $0x38;
	[tilespmem:$0xE000] =	vst v63  }
0xca: {  	s11 =	simm.s32 $0x5  }
0xcb: {  	_ =	swait.ge [sflag:s11], $0x2000  }
0xcc: {  	[sflag:s11] =	ssyncset.done $0x0  }
0xcd: {  	[sflag:s11] =	ssyncadd.s32 $0xFFFFE000  }
0xce: {  	_ =	swait.ge [sflag:s17], $0x2000  }
0xcf: {  	s19 =	rddreg [dreg:$0x8]  }
0xd0: {  	s31 =	rddreg [dreg:$0x7];
	s19 =	sadd.s32 $0x1, s19  }
0xd1: {  	p0 =	sne.s32 s19, s31  }
.Ltmp6:
0xd2: {  	_ = 	snop;
	(pc) =	sbr.rel @p0 .LBB2_1-.Ltmp6, $3  }
0xd3: {  	_ =	sdelay $0x1  }
0xd4: {  	[sflag:s17] =	ssyncset.done $0x0  }
0xd5: {  	[sflag:s17] =	ssyncadd.s32 $0xFFFFE000  }
0xd6: {  	_ =	sfence.sel $0x180000  }
0xd7: {  	[bflag:$0x0] =	sbarrier.arrive $0xFFFF  }
0xd8: {  	_ =	strace $0x9000004A  }
0xd9: {  	s0 =	stileid.u32;
	[bflag:$0x2] =	sbarrier.arrive $0xFFFF  }
0xda: {  	p0 =	sne.s32 s0, $0x0;
	s0 =	rddreg [dreg:$0x3]  }
0xdb: {  	s0 =	sadd.s32 @!p0 $0x100000, s0  }
0xdc: {  	[sflag:s0] =	ssyncadd.tile.s32 @!p0 $0x1;
	_ =	shalt  }
.Lfunc_end2:
_tile_overlayer_lowered:
.L_overlay_start_2:
0xdd: {  	(tag) =	ssettag $0x2  }
0xde: {  	s0 =	rddreg [dreg:$0x0];
	s2 =	stileid.u32  }
0xdf: {  	s1 =	rddreg [dreg:$0x1];
	p0 =	sne.s32 s2, $0x0  }
0xe0: {  	s3 =	rddreg [dreg:$0x2];
	[bflag:$0x3] =	sbarrier.arrive $0xFFFF;
	s2 =	simm.s32 @!p0 $0x1C07  }
0xe1: {  	[timem:s3], [sflag:s2] =	dma.local @!p0 [hbm:s0], s1  }
0xe2: {  	s0 =	simm.s32 @!p0 $0x7  }
0xe3: {  	_ =	swait.ge @!p0 [sflag:s0], s1  }
0xe4: {  	s1 =	ssub.s32 @!p0 $0x0, s1;
	[sflag:s0] =	ssyncset.done @!p0 $0x0  }
0xe5: {  	[sflag:s0] =	ssyncadd.s32 @!p0 s1  }
0xe6: {  	[bflag:$0x3] =	sbarrier.arrive $0xFFFF  }
0xe7: {  	_ =	shalt  }

</sc_bundles>
